<compile_context>
chip_gen: v7x
topology: tpu7x:2x2x1
jax: 0.10.2.dev20260603
libtpu: 0.0.44.dev20260713+nightly
codegen_flags: <defaults>
</compile_context>

<pallas_src>
import jax
import jax.numpy as jnp
from jax import lax
from jax.experimental import pallas as pl
from jax.experimental.pallas import tpu as pltpu
from jax.experimental.pallas import tpu_sc as plsc

_N = 10000
_D = 128
_K = 4
_E = 320000

_NC = 2
_NS = 16
_NW = _NC * _NS
_EPW = _E // _NW
_CH = 40
_NCH = _EPW // _CH
_CPP = 50
_NPASS = _NCH // _CPP
_NP = 10240
_RPT = _NP // _NS

_BM1 = 1000
_BM3 = 200


def _scale_rows(gb, wvb):
    @plsc.parallel_loop(0, _CH, step=1, unroll=8)
    def _scale_body(e):
        wv = wvb[e, :]
        for sub in range(_D // 16):
            gb[e, pl.ds(sub * 16, 16)] = gb[e, pl.ds(sub * 16, 16)] * wv


def _conv_body(x_hbm, sd_hbm, w_hbm, zsum_hbm, zcnt_hbm,
               sum_hbm, cnt_hbm,
               sd_v, gbufA, gbufB, w_vA, w_vB, cnt_v, sum_sh,
               gsemA, gsemB, ssemA, ssemB):
    c = lax.axis_index("c")
    s = lax.axis_index("s")
    wid = s * _NC + c
    row0 = s * _RPT

    pltpu.sync_copy(zsum_hbm, sum_sh.at[pl.ds(row0, _RPT)])
    pltpu.sync_copy(zcnt_hbm, cnt_v)
    plsc.subcore_barrier()

    ones16 = jnp.ones((16,), jnp.float32)
    tailmask = lax.broadcasted_iota(jnp.int32, (16,), 0) >= (16 - _CH % 16)

    def count16(j):
        for g in range(_CH // 16):
            dvec = sd_v[_CPP + j, pl.ds(g * 16, 16)]
            plsc.addupdate_scatter(cnt_v, [dvec], ones16)
        dvec = sd_v[_CPP + j, pl.ds(_CH - 16, 16)]
        plsc.addupdate_scatter(cnt_v, [dvec], ones16, mask=tailmask)

    def conv_pass(p, carry):
        pltpu.sync_copy(sd_hbm.at[wid, p], sd_v)

        def pair(m, carry1):
            jA = 2 * m
            jB = jA + 1
            dga = pltpu.async_copy(x_hbm.at[sd_v.at[jA]], gbufA, gsemA)
            dgb = pltpu.async_copy(x_hbm.at[sd_v.at[jB]], gbufB, gsemB)
            pltpu.sync_copy(w_hbm.at[wid, p * _CPP + jA], w_vA)
            pltpu.sync_copy(w_hbm.at[wid, p * _CPP + jB], w_vB)
            dga.wait()
            _scale_rows(gbufA, w_vA)
            dsa = pltpu.async_copy(gbufA, sum_sh.at[sd_v.at[_CPP + jA]], ssemA, add=True)
            count16(jA)
            dgb.wait()
            _scale_rows(gbufB, w_vB)
            dsb = pltpu.async_copy(gbufB, sum_sh.at[sd_v.at[_CPP + jB]], ssemB, add=True)
            count16(jB)
            dsa.wait()
            dsb.wait()
            return carry1

        lax.fori_loop(0, _CPP // 2, pair, 0)
        return carry

    lax.fori_loop(0, _NPASS, conv_pass, 0)

    plsc.subcore_barrier()

    pltpu.sync_copy(sum_sh.at[pl.ds(row0, _RPT)], sum_hbm.at[c, pl.ds(row0, _RPT)])
    pltpu.sync_copy(cnt_v, cnt_hbm.at[wid])


def _sc_conv(x, sd4, w3e, zsum, zcnt):
    return pl.kernel(
        _conv_body,
        out_type=(
            jax.ShapeDtypeStruct((_NC, _NP, _D), jnp.float32),
            jax.ShapeDtypeStruct((_NW, _NP), jnp.float32),
        ),
        mesh=plsc.VectorSubcoreMesh(core_axis_name="c", subcore_axis_name="s"),
        compiler_params=pltpu.CompilerParams(needs_layout_passes=False),
        scratch_types=(
            pltpu.VMEM((2 * _CPP, _CH), jnp.int32),
            pltpu.VMEM((_CH, _D), jnp.float32),
            pltpu.VMEM((_CH, _D), jnp.float32),
            pltpu.VMEM((_CH, 16), jnp.float32),
            pltpu.VMEM((_CH, 16), jnp.float32),
            pltpu.VMEM((_NP,), jnp.float32),
            pltpu.VMEM_SHARED((_NP, _D), jnp.float32),
            pltpu.SemaphoreType.DMA,
            pltpu.SemaphoreType.DMA,
            pltpu.SemaphoreType.DMA,
            pltpu.SemaphoreType.DMA,
        ),
    )(x, sd4, w3e, zsum, zcnt)


def _cnt_reduce_body(c_ref, o_ref):
    red = jnp.sum(c_ref[...], axis=0)
    o_ref[...] = red.reshape(_NP, 1)


def _cnt_reduce(cp):
    return pl.pallas_call(
        _cnt_reduce_body,
        grid=(1,),
        in_specs=[pl.BlockSpec((_NW, _NP), lambda i: (0, 0))],
        out_specs=pl.BlockSpec((_NP, 1), lambda i: (0, 0)),
        out_shape=jax.ShapeDtypeStruct((_NP, 1), jnp.float32),
    )(cp)


def _dotT(a, b):
    return lax.dot_general(a, b, (((1,), (1,)), ((), ())),
                           preferred_element_type=jnp.float32)


def _combine_mean(p_ref, c_ref):
    ssum = p_ref[0] + p_ref[1]
    return ssum / jnp.maximum(c_ref[...], 1.0)


def _stage1_body(x_ref, p_ref, c_ref, wa_ref, wb_ref, b_ref, o_ref):
    mean = _combine_mean(p_ref, c_ref)
    acc = _dotT(x_ref[...], wa_ref[...]) + _dotT(mean, wb_ref[...])
    o_ref[...] = jnp.maximum(acc + b_ref[...], 0.0)


def _stage1(x, p, cp, wa, wb, b):
    return pl.pallas_call(
        _stage1_body,
        grid=(_N // _BM1,),
        in_specs=[
            pl.BlockSpec((_BM1, _D), lambda i: (i, 0)),
            pl.BlockSpec((_NC, _BM1, _D), lambda i: (0, i, 0)),
            pl.BlockSpec((_BM1, 1), lambda i: (i, 0)),
            pl.BlockSpec((_D, _D), lambda i: (0, 0)),
            pl.BlockSpec((_D, _D), lambda i: (0, 0)),
            pl.BlockSpec((1, _D), lambda i: (0, 0)),
        ],
        out_specs=pl.BlockSpec((_BM1, _D), lambda i: (i, 0)),
        out_shape=jax.ShapeDtypeStruct((_N, _D), jnp.float32),
    )(x, p, cp, wa, wb, b)


def _stage2_body(h_ref, p_ref, c_ref, enc_ref, wa_ref, wb_ref, b2_ref,
                 w3_ref, b3_ref, w4_ref, b4_ref, eps_ref,
                 enc2_ref, z_ref, zl_ref, kl_ref):
    mean = _combine_mean(p_ref, c_ref)
    acc = _dotT(h_ref[...], wa_ref[...]) + _dotT(mean, wb_ref[...])
    h2 = jnp.maximum(acc + b2_ref[...], 0.0)
    enc2 = h2 + enc_ref[...]
    mu = _dotT(enc2, w3_ref[...]) + b3_ref[...]
    lv = _dotT(enc2, w4_ref[...]) + b4_ref[...]
    sig = jnp.exp(0.5 * lv)
    eps = eps_ref[...]
    enc2_ref[...] = enc2
    z_ref[...] = mu[:, None, :] + eps * sig[:, None, :]
    zl_ref[...] = mu + jnp.mean(eps, axis=1) * sig
    blk = jnp.sum(1.0 + lv - mu * mu - jnp.exp(lv))

    @pl.when(pl.program_id(0) == 0)
    def _init():
        kl_ref[...] = jnp.zeros((1, 1), jnp.float32)

    kl_ref[...] += blk.reshape(1, 1)


def _stage2(h1, p, cp, enc, wa, wb, b2, w3, b3, w4, b4, eps):
    return pl.pallas_call(
        _stage2_body,
        grid=(_N // _BM1,),
        in_specs=[
            pl.BlockSpec((_BM1, _D), lambda i: (i, 0)),
            pl.BlockSpec((_NC, _BM1, _D), lambda i: (0, i, 0)),
            pl.BlockSpec((_BM1, 1), lambda i: (i, 0)),
            pl.BlockSpec((_BM1, _D), lambda i: (i, 0)),
            pl.BlockSpec((_D, _D), lambda i: (0, 0)),
            pl.BlockSpec((_D, _D), lambda i: (0, 0)),
            pl.BlockSpec((1, _D), lambda i: (0, 0)),
            pl.BlockSpec((_D, _D), lambda i: (0, 0)),
            pl.BlockSpec((1, _D), lambda i: (0, 0)),
            pl.BlockSpec((_D, _D), lambda i: (0, 0)),
            pl.BlockSpec((1, _D), lambda i: (0, 0)),
            pl.BlockSpec((_BM1, _K, _D), lambda i: (i, 0, 0)),
        ],
        out_specs=[
            pl.BlockSpec((_BM1, _D), lambda i: (i, 0)),
            pl.BlockSpec((_BM1, _K, _D), lambda i: (i, 0, 0)),
            pl.BlockSpec((_BM1, _D), lambda i: (i, 0)),
            pl.BlockSpec((1, 1), lambda i: (0, 0)),
        ],
        out_shape=[
            jax.ShapeDtypeStruct((_N, _D), jnp.float32),
            jax.ShapeDtypeStruct((_N, _K, _D), jnp.float32),
            jax.ShapeDtypeStruct((_N, _D), jnp.float32),
            jax.ShapeDtypeStruct((1, 1), jnp.float32),
        ],
    )(h1, p, cp, enc, wa, wb, b2, w3, b3, w4, b4, eps)


def _stage3_body(zi_ref, zf_ref, a_ref, o_ref):
    logits = _dotT(zi_ref[...], zf_ref[...])
    a = a_ref[...]
    t = (jnp.maximum(logits, 0.0) - logits * a
         + jnp.log1p(jnp.exp(-jnp.abs(logits))))
    blk = jnp.sum(t)

    @pl.when(pl.program_id(0) == 0)
    def _init():
        o_ref[...] = jnp.zeros((1, 1), jnp.float32)

    o_ref[...] += blk.reshape(1, 1)


def _stage3(zl, adj):
    return pl.pallas_call(
        _stage3_body,
        grid=(_N // _BM3,),
        in_specs=[
            pl.BlockSpec((_BM3, _D), lambda i: (i, 0)),
            pl.BlockSpec((_N, _D), lambda i: (0, 0)),
            pl.BlockSpec((_BM3, _N), lambda i: (i, 0)),
        ],
        out_specs=pl.BlockSpec((1, 1), lambda i: (0, 0)),
        out_shape=jax.ShapeDtypeStruct((1, 1), jnp.float32),
    )(zl, zl, adj)


def kernel(enc, edge_index, edge_attr, ADJ, W1, b1, W2, b2, W3, b3, W4, b4):
    sd4 = edge_index.reshape(2, _NW, _NPASS, _CPP, _CH).transpose(1, 2, 0, 3, 4).reshape(_NW, _NPASS, 2 * _CPP, _CH)
    w3e = jnp.broadcast_to(edge_attr[:, None], (_E, 16)).reshape(_NW, _NCH, _CH, 16)
    zsum = jnp.zeros((_RPT, _D), jnp.float32)
    zcnt = jnp.zeros((_NP,), jnp.float32)

    p1, cp1 = _sc_conv(enc, sd4, w3e, zsum, zcnt)
    cnt = _cnt_reduce(cp1)
    h1 = _stage1(enc, p1, cnt, W1[:, :_D], W1[:, _D:], b1.reshape(1, _D))
    p2, _ = _sc_conv(h1, sd4, w3e, zsum, zcnt)

    eps = jax.random.normal(jax.random.key(42), (_N, _K, _D), dtype=jnp.float32)
    enc2, Z, Zl, klp = _stage2(h1, p2, cnt, enc,
                               W2[:, :_D], W2[:, _D:], b2.reshape(1, _D),
                               W3, b3.reshape(1, _D), W4, b4.reshape(1, _D),
                               eps)
    parts = _stage3(Zl, ADJ)

    kl_loss = -0.5 * jnp.sum(klp) / _N
    graph_loss = jnp.sum(parts) / (_N * _N)
    return enc2, Z, kl_loss + graph_loss

# --- scband reference (transcript-rebuilt; emitter-appended) ---
"""Pipeline reference for scband-vgae-49289044689461 (READ-ONLY COPY).

The authoritative reference and input builder live on the scoring server;
editing this copy changes nothing except your own understanding.
"""

import jax, jax.numpy as jnp
import numpy as np

N = 10000
E = 320000
D = 128
K = 4


def setup_inputs(seed: int = 0) -> dict:
    key = jax.random.key(seed)
    ks = jax.random.split(key, 12)
    enc = jax.random.normal(ks[0], (N, D), dtype=jnp.float32)
    edge_index = jax.random.randint(ks[1], (2, E), 0, N, dtype=jnp.int32)
    edge_attr = jax.random.uniform(ks[2], (E,), dtype=jnp.float32)
    ADJ = jax.random.uniform(ks[3], (N, N), dtype=jnp.float32)
    s = 0.05
    W1 = jax.random.normal(ks[4], (D, 2 * D), dtype=jnp.float32) * s
    b1 = jnp.zeros((D,), dtype=jnp.float32)
    W2 = jax.random.normal(ks[5], (D, 2 * D), dtype=jnp.float32) * s
    b2 = jnp.zeros((D,), dtype=jnp.float32)
    W3 = jax.random.normal(ks[6], (D, D), dtype=jnp.float32) * s
    b3 = jnp.zeros((D,), dtype=jnp.float32)
    W4 = jax.random.normal(ks[7], (D, D), dtype=jnp.float32) * s
    b4 = jnp.zeros((D,), dtype=jnp.float32)
    return {"enc": enc, "edge_index": edge_index, "edge_attr": edge_attr, "ADJ": ADJ,
            "W1": W1, "b1": b1, "W2": W2, "b2": b2, "W3": W3, "b3": b3, "W4": W4, "b4": b4}


def _simple_conv(x, edge_index, w):
    # PyG SimpleConv(aggr='mean', combine_root='cat') with scalar edge weights
    src = edge_index[0]
    dst = edge_index[1]
    msg = x[src] * w[:, None]
    summed = jax.ops.segment_sum(msg, dst, num_segments=N)
    cnt = jax.ops.segment_sum(jnp.ones((msg.shape[0],), x.dtype), dst, num_segments=N)
    mean = summed / jnp.maximum(cnt, 1.0)[:, None]
    return jnp.concatenate([x, mean], axis=-1)


def _bce_with_logits(logits, target):
    return jnp.mean(jnp.maximum(logits, 0.0) - logits * target + jnp.log1p(jnp.exp(-jnp.abs(logits))))


def reference(enc, edge_index, edge_attr, ADJ, W1, b1, W2, b2, W3, b3, W4, b4):
    # GNN encoder
    h = _simple_conv(enc, edge_index, edge_attr)
    h = jax.nn.relu(h @ W1.T + b1)
    h = _simple_conv(h, edge_index, edge_attr)
    h = jax.nn.relu(h @ W2.T + b2)
    enc2 = h + enc
    # VGAE head
    mu = enc2 @ W3.T + b3
    log_var = enc2 @ W4.T + b4
    mu3 = jnp.broadcast_to(mu[:, None, :], (N, K, D))
    lv3 = jnp.broadcast_to(log_var[:, None, :], (N, K, D))
    eps = jax.random.normal(jax.random.key(42), (N, K, D), dtype=jnp.float32)
    Z = mu3 + eps * jnp.exp(0.5 * lv3)
    kl_loss = -0.5 * jnp.mean(jnp.sum(1.0 + lv3 - mu3 ** 2 - jnp.exp(lv3), axis=-1))
    Z_l = Z.mean(axis=1)
    graph_loss = _bce_with_logits(Z_l @ Z_l.T, ADJ)
    vae_loss = kl_loss + graph_loss
    return (enc2, Z, vae_loss)

if __name__ == "__main__":
    import jax
    _d = setup_inputs()
    print(jax.jit(kernel)(*tuple(_d.values())))

</pallas_src>

<mosaic_0001>
#map = affine_map<(d0, d1) -> (0, 0)>
#map1 = affine_map<(d0, d1) -> (0, 0, 0, 0)>
#map2 = affine_map<(d0, d1) -> (0)>
#map3 = affine_map<(d0, d1) -> (0, 0, 0)>
module attributes {stable_mosaic.version = 14 : i64} {
  func.func @_conv_body(%arg0: i32, %arg1: i32, %arg2: memref<10000x128xf32, #tpu.memory_space<hbm>>, %arg3: memref<32x5x100x40xi32, #tpu.memory_space<hbm>>, %arg4: memref<32x250x40x16xf32, #tpu.memory_space<hbm>>, %arg5: memref<640x128xf32, #tpu.memory_space<hbm>>, %arg6: memref<10240xf32, #tpu.memory_space<hbm>>, %arg7: memref<2x10240x128xf32, #tpu.memory_space<hbm>>, %arg8: memref<32x10240xf32, #tpu.memory_space<hbm>>, %arg9: memref<100x40xi32, #tpu.memory_space<vmem>>, %arg10: memref<40x128xf32, #tpu.memory_space<vmem>>, %arg11: memref<40x128xf32, #tpu.memory_space<vmem>>, %arg12: memref<40x16xf32, #tpu.memory_space<vmem>>, %arg13: memref<40x16xf32, #tpu.memory_space<vmem>>, %arg14: memref<10240xf32, #tpu.memory_space<vmem>>, %arg15: memref<10240x128xf32, #tpu.memory_space<vmem_shared>>, %arg16: memref<!tpu.dma_semaphore, #tpu.memory_space<semaphore_mem>>, %arg17: memref<!tpu.dma_semaphore, #tpu.memory_space<semaphore_mem>>, %arg18: memref<!tpu.dma_semaphore, #tpu.memory_space<semaphore_mem>>, %arg19: memref<!tpu.dma_semaphore, #tpu.memory_space<semaphore_mem>>) attributes {dimension_semantics = [#tpu.dimension_semantics<core_parallel>, #tpu.dimension_semantics<subcore_parallel>], iteration_bounds = array<i64: 2, 16>, scalar_prefetch = 0 : i64, scratch_operands = 11 : i64, tpu.core_type = #tpu.core_type<sc_vector_subcore>, window_params = [{transform_indices = #map}, {transform_indices = #map1}, {transform_indices = #map1}, {transform_indices = #map}, {transform_indices = #map2}, {transform_indices = #map3}, {transform_indices = #map}]} {
    %mul3A = arith.constant 2 : i32
    %mul3A_0 = arith.muli %arg1, %mul3A : i32
    %add3A = arith.addi %mul3A_0, %arg0 : i32
    %mul3A_1 = arith.constant 640 : i32
    %mul3A_2 = arith.muli %arg1, %mul3A_1 : i32
    "tpu.region"() ({
      %run_scoped3A = tpu.sem_alloc : memref<!tpu.dma_semaphore, #tpu.memory_space<semaphore_mem>>
      %dma_start3A = arith.constant 0 : i32
      %dma_start3A_12 = tpu.memref_slice %arg15[%mul3A_2, %dma_start3A] : memref<10240x128xf32, #tpu.memory_space<vmem_shared>> -> memref<640x128xf32, #tpu.memory_space<vmem_shared>>
      tpu.enqueue_dma source(%arg5 : memref<640x128xf32, #tpu.memory_space<hbm>>) target(%dma_start3A_12 : memref<640x128xf32, #tpu.memory_space<vmem_shared>>) target_semaphore(%run_scoped3A : memref<!tpu.dma_semaphore, #tpu.memory_space<semaphore_mem>>)
      %dma_wait3A = arith.constant 0 : i32
      %dma_wait3A_13 = tpu.memref_slice %arg15[%mul3A_2, %dma_wait3A] : memref<10240x128xf32, #tpu.memory_space<vmem_shared>> -> memref<640x128xf32, #tpu.memory_space<vmem_shared>>
      tpu.wait_dma2 semaphore(%run_scoped3A : memref<!tpu.dma_semaphore, #tpu.memory_space<semaphore_mem>>) src(%arg5 : memref<640x128xf32, #tpu.memory_space<hbm>>) dst(%dma_wait3A_13 : memref<640x128xf32, #tpu.memory_space<vmem_shared>>)
      tpu.yield
    }) : () -> ()
    "tpu.region"() ({
      %run_scoped3A = tpu.sem_alloc : memref<!tpu.dma_semaphore, #tpu.memory_space<semaphore_mem>>
      tpu.enqueue_dma source(%arg6 : memref<10240xf32, #tpu.memory_space<hbm>>) target(%arg14 : memref<10240xf32, #tpu.memory_space<vmem>>) target_semaphore(%run_scoped3A : memref<!tpu.dma_semaphore, #tpu.memory_space<semaphore_mem>>)
      tpu.wait_dma2 semaphore(%run_scoped3A : memref<!tpu.dma_semaphore, #tpu.memory_space<semaphore_mem>>) src(%arg6 : memref<10240xf32, #tpu.memory_space<hbm>>) dst(%arg14 : memref<10240xf32, #tpu.memory_space<vmem>>)
      tpu.yield
    }) : () -> ()
    %barrier3A = arith.constant 0 : index
    tpu.barrier barrier_id(%barrier3A)
    %broadcast_in_dim3A = arith.constant 1.000000e+00 : f32
    %broadcast_in_dim3A_3 = vector.broadcast %broadcast_in_dim3A : f32 to vector<16xf32>
    %iota3A = tpu.iota {dimensions = array<i32: 0>} : vector<16xi32>
    %ge3A = arith.constant 8 : i32
    %ge3A_4 = vector.broadcast %ge3A : i32 to vector<16xi32>
    %ge3A_5 = arith.cmpi sge, %iota3A, %ge3A_4 : vector<16xi32>
    %scan3A = arith.constant 0 : i32
    %scan3A_6 = arith.constant 0 : i32
    %scan3A_7 = arith.constant 5 : i32
    %scan3A_8 = arith.addi %scan3A_6, %scan3A_7 : i32
    %scan3A_9 = arith.constant 1 : i32
    scf.for %scan3A_12 = %scan3A_6 to %scan3A_8 step %scan3A_9  : i32 {
      "tpu.region"() ({
        %run_scoped3A = tpu.sem_alloc : memref<!tpu.dma_semaphore, #tpu.memory_space<semaphore_mem>>
        %dma_start3A = arith.constant 0 : i32
        %dma_start3A_19 = arith.constant 0 : i32
        %dma_start3A_20 = tpu.memref_slice %arg3[%add3A, %scan3A_12, %dma_start3A, %dma_start3A_19] : memref<32x5x100x40xi32, #tpu.memory_space<hbm>> -> memref<1x1x100x40xi32, #tpu.memory_space<hbm>>
        %dma_start3A_21 = tpu.memref_squeeze %dma_start3A_20 : memref<1x1x100x40xi32, #tpu.memory_space<hbm>> -> memref<100x40xi32, #tpu.memory_space<hbm>>
        %dma_start3A_22 = arith.constant 0 : i32
        %dma_start3A_23 = arith.constant 0 : i32
        %dma_start3A_24 = tpu.memref_slice %arg3[%add3A, %scan3A_12, %dma_start3A_22, %dma_start3A_23] : memref<32x5x100x40xi32, #tpu.memory_space<hbm>> -> memref<1x1x100x40xi32, #tpu.memory_space<hbm>>
        %dma_start3A_25 = tpu.memref_squeeze %dma_start3A_24 : memref<1x1x100x40xi32, #tpu.memory_space<hbm>> -> memref<100x40xi32, #tpu.memory_space<hbm>>
        tpu.enqueue_dma source(%dma_start3A_25 : memref<100x40xi32, #tpu.memory_space<hbm>>) target(%arg9 : memref<100x40xi32, #tpu.memory_space<vmem>>) target_semaphore(%run_scoped3A : memref<!tpu.dma_semaphore, #tpu.memory_space<semaphore_mem>>)
        %dma_wait3A = arith.constant 0 : i32
        %dma_wait3A_26 = arith.constant 0 : i32
        %dma_wait3A_27 = tpu.memref_slice %arg3[%add3A, %scan3A_12, %dma_wait3A, %dma_wait3A_26] : memref<32x5x100x40xi32, #tpu.memory_space<hbm>> -> memref<1x1x100x40xi32, #tpu.memory_space<hbm>>
        %dma_wait3A_28 = tpu.memref_squeeze %dma_wait3A_27 : memref<1x1x100x40xi32, #tpu.memory_space<hbm>> -> memref<100x40xi32, #tpu.memory_space<hbm>>
        %dma_wait3A_29 = arith.constant 0 : i32
        %dma_wait3A_30 = arith.constant 0 : i32
        %dma_wait3A_31 = tpu.memref_slice %arg3[%add3A, %scan3A_12, %dma_wait3A_29, %dma_wait3A_30] : memref<32x5x100x40xi32, #tpu.memory_space<hbm>> -> memref<1x1x100x40xi32, #tpu.memory_space<hbm>>
        %dma_wait3A_32 = tpu.memref_squeeze %dma_wait3A_31 : memref<1x1x100x40xi32, #tpu.memory_space<hbm>> -> memref<100x40xi32, #tpu.memory_space<hbm>>
        tpu.wait_dma2 semaphore(%run_scoped3A : memref<!tpu.dma_semaphore, #tpu.memory_space<semaphore_mem>>) src(%dma_wait3A_32 : memref<100x40xi32, #tpu.memory_space<hbm>>) dst(%arg9 : memref<100x40xi32, #tpu.memory_space<vmem>>)
        tpu.yield
      }) : () -> ()
      %scan3A_13 = arith.constant 0 : i32
      %scan3A_14 = arith.constant 0 : i32
      %scan3A_15 = arith.constant 25 : i32
      %scan3A_16 = arith.addi %scan3A_14, %scan3A_15 : i32
      %scan3A_17 = arith.constant 1 : i32
      scf.for %scan3A_19 = %scan3A_14 to %scan3A_16 step %scan3A_17  : i32 {
        %mul3A_20 = arith.constant 2 : i32
        %mul3A_21 = arith.muli %mul3A_20, %scan3A_19 : i32
        %add3A_22 = arith.constant 1 : i32
        %add3A_23 = arith.addi %mul3A_21, %add3A_22 : i32
        %dma_start3A = arith.constant 0 : i32
        %dma_start3A_24 = tpu.memref_slice %arg9[%mul3A_21, %dma_start3A] : memref<100x40xi32, #tpu.memory_space<vmem>> -> memref<1x40xi32, #tpu.memory_space<vmem>>
        %dma_start3A_25 = tpu.memref_squeeze %dma_start3A_24 : memref<1x40xi32, #tpu.memory_space<vmem>> -> memref<40xi32, #tpu.memory_space<vmem>>
        %dma_start3A_26 = arith.constant 0 : i32
        %dma_start3A_27 = arith.constant 0 : i32
        %dma_start3A_28 = tpu.memref_slice %arg2[%dma_start3A_26, %dma_start3A_27] : memref<10000x128xf32, #tpu.memory_space<hbm>> -> memref<10000x128xf32, #tpu.memory_space<hbm>>
        tpu.enqueue_indirect_dma source(%dma_start3A_28 : memref<10000x128xf32, #tpu.memory_space<hbm>>) target(%arg10 : memref<40x128xf32, #tpu.memory_space<vmem>>) offsets(%dma_start3A_25 : memref<40xi32, #tpu.memory_space<vmem>>) semaphore(%arg16 : memref<!tpu.dma_semaphore, #tpu.memory_space<semaphore_mem>>)
        %dma_start3A_29 = arith.constant 0 : i32
        %dma_start3A_30 = tpu.memref_slice %arg9[%add3A_23, %dma_start3A_29] : memref<100x40xi32, #tpu.memory_space<vmem>> -> memref<1x40xi32, #tpu.memory_space<vmem>>
        %dma_start3A_31 = tpu.memref_squeeze %dma_start3A_30 : memref<1x40xi32, #tpu.memory_space<vmem>> -> memref<40xi32, #tpu.memory_space<vmem>>
        %dma_start3A_32 = arith.constant 0 : i32
        %dma_start3A_33 = arith.constant 0 : i32
        %dma_start3A_34 = tpu.memref_slice %arg2[%dma_start3A_32, %dma_start3A_33] : memref<10000x128xf32, #tpu.memory_space<hbm>> -> memref<10000x128xf32, #tpu.memory_space<hbm>>
        tpu.enqueue_indirect_dma source(%dma_start3A_34 : memref<10000x128xf32, #tpu.memory_space<hbm>>) target(%arg11 : memref<40x128xf32, #tpu.memory_space<vmem>>) offsets(%dma_start3A_31 : memref<40xi32, #tpu.memory_space<vmem>>) semaphore(%arg17 : memref<!tpu.dma_semaphore, #tpu.memory_space<semaphore_mem>>)
        %mul3A_35 = arith.constant 50 : i32
        %mul3A_36 = arith.muli %scan3A_12, %mul3A_35 : i32
        %add3A_37 = arith.addi %mul3A_36, %mul3A_21 : i32
        "tpu.region"() ({
          %run_scoped3A = tpu.sem_alloc : memref<!tpu.dma_semaphore, #tpu.memory_space<semaphore_mem>>
          %dma_start3A_114 = arith.constant 0 : i32
          %dma_start3A_115 = arith.constant 0 : i32
          %dma_start3A_116 = tpu.memref_slice %arg4[%add3A, %add3A_37, %dma_start3A_114, %dma_start3A_115] : memref<32x250x40x16xf32, #tpu.memory_space<hbm>> -> memref<1x1x40x16xf32, #tpu.memory_space<hbm>>
          %dma_start3A_117 = tpu.memref_squeeze %dma_start3A_116 : memref<1x1x40x16xf32, #tpu.memory_space<hbm>> -> memref<40x16xf32, #tpu.memory_space<hbm>>
          %dma_start3A_118 = arith.constant 0 : i32
          %dma_start3A_119 = arith.constant 0 : i32
          %dma_start3A_120 = tpu.memref_slice %arg4[%add3A, %add3A_37, %dma_start3A_118, %dma_start3A_119] : memref<32x250x40x16xf32, #tpu.memory_space<hbm>> -> memref<1x1x40x16xf32, #tpu.memory_space<hbm>>
          %dma_start3A_121 = tpu.memref_squeeze %dma_start3A_120 : memref<1x1x40x16xf32, #tpu.memory_space<hbm>> -> memref<40x16xf32, #tpu.memory_space<hbm>>
          tpu.enqueue_dma source(%dma_start3A_121 : memref<40x16xf32, #tpu.memory_space<hbm>>) target(%arg12 : memref<40x16xf32, #tpu.memory_space<vmem>>) target_semaphore(%run_scoped3A : memref<!tpu.dma_semaphore, #tpu.memory_space<semaphore_mem>>)
          %dma_wait3A_122 = arith.constant 0 : i32
          %dma_wait3A_123 = arith.constant 0 : i32
          %dma_wait3A_124 = tpu.memref_slice %arg4[%add3A, %add3A_37, %dma_wait3A_122, %dma_wait3A_123] : memref<32x250x40x16xf32, #tpu.memory_space<hbm>> -> memref<1x1x40x16xf32, #tpu.memory_space<hbm>>
          %dma_wait3A_125 = tpu.memref_squeeze %dma_wait3A_124 : memref<1x1x40x16xf32, #tpu.memory_space<hbm>> -> memref<40x16xf32, #tpu.memory_space<hbm>>
          %dma_wait3A_126 = arith.constant 0 : i32
          %dma_wait3A_127 = arith.constant 0 : i32
          %dma_wait3A_128 = tpu.memref_slice %arg4[%add3A, %add3A_37, %dma_wait3A_126, %dma_wait3A_127] : memref<32x250x40x16xf32, #tpu.memory_space<hbm>> -> memref<1x1x40x16xf32, #tpu.memory_space<hbm>>
          %dma_wait3A_129 = tpu.memref_squeeze %dma_wait3A_128 : memref<1x1x40x16xf32, #tpu.memory_space<hbm>> -> memref<40x16xf32, #tpu.memory_space<hbm>>
          tpu.wait_dma2 semaphore(%run_scoped3A : memref<!tpu.dma_semaphore, #tpu.memory_space<semaphore_mem>>) src(%dma_wait3A_129 : memref<40x16xf32, #tpu.memory_space<hbm>>) dst(%arg12 : memref<40x16xf32, #tpu.memory_space<vmem>>)
          tpu.yield
        }) : () -> ()
        %mul3A_38 = arith.constant 50 : i32
        %mul3A_39 = arith.muli %scan3A_12, %mul3A_38 : i32
        %add3A_40 = arith.addi %mul3A_39, %add3A_23 : i32
        "tpu.region"() ({
          %run_scoped3A = tpu.sem_alloc : memref<!tpu.dma_semaphore, #tpu.memory_space<semaphore_mem>>
          %dma_start3A_114 = arith.constant 0 : i32
          %dma_start3A_115 = arith.constant 0 : i32
          %dma_start3A_116 = tpu.memref_slice %arg4[%add3A, %add3A_40, %dma_start3A_114, %dma_start3A_115] : memref<32x250x40x16xf32, #tpu.memory_space<hbm>> -> memref<1x1x40x16xf32, #tpu.memory_space<hbm>>
          %dma_start3A_117 = tpu.memref_squeeze %dma_start3A_116 : memref<1x1x40x16xf32, #tpu.memory_space<hbm>> -> memref<40x16xf32, #tpu.memory_space<hbm>>
          %dma_start3A_118 = arith.constant 0 : i32
          %dma_start3A_119 = arith.constant 0 : i32
          %dma_start3A_120 = tpu.memref_slice %arg4[%add3A, %add3A_40, %dma_start3A_118, %dma_start3A_119] : memref<32x250x40x16xf32, #tpu.memory_space<hbm>> -> memref<1x1x40x16xf32, #tpu.memory_space<hbm>>
          %dma_start3A_121 = tpu.memref_squeeze %dma_start3A_120 : memref<1x1x40x16xf32, #tpu.memory_space<hbm>> -> memref<40x16xf32, #tpu.memory_space<hbm>>
          tpu.enqueue_dma source(%dma_start3A_121 : memref<40x16xf32, #tpu.memory_space<hbm>>) target(%arg13 : memref<40x16xf32, #tpu.memory_space<vmem>>) target_semaphore(%run_scoped3A : memref<!tpu.dma_semaphore, #tpu.memory_space<semaphore_mem>>)
          %dma_wait3A_122 = arith.constant 0 : i32
          %dma_wait3A_123 = arith.constant 0 : i32
          %dma_wait3A_124 = tpu.memref_slice %arg4[%add3A, %add3A_40, %dma_wait3A_122, %dma_wait3A_123] : memref<32x250x40x16xf32, #tpu.memory_space<hbm>> -> memref<1x1x40x16xf32, #tpu.memory_space<hbm>>
          %dma_wait3A_125 = tpu.memref_squeeze %dma_wait3A_124 : memref<1x1x40x16xf32, #tpu.memory_space<hbm>> -> memref<40x16xf32, #tpu.memory_space<hbm>>
          %dma_wait3A_126 = arith.constant 0 : i32
          %dma_wait3A_127 = arith.constant 0 : i32
          %dma_wait3A_128 = tpu.memref_slice %arg4[%add3A, %add3A_40, %dma_wait3A_126, %dma_wait3A_127] : memref<32x250x40x16xf32, #tpu.memory_space<hbm>> -> memref<1x1x40x16xf32, #tpu.memory_space<hbm>>
          %dma_wait3A_129 = tpu.memref_squeeze %dma_wait3A_128 : memref<1x1x40x16xf32, #tpu.memory_space<hbm>> -> memref<40x16xf32, #tpu.memory_space<hbm>>
          tpu.wait_dma2 semaphore(%run_scoped3A : memref<!tpu.dma_semaphore, #tpu.memory_space<semaphore_mem>>) src(%dma_wait3A_129 : memref<40x16xf32, #tpu.memory_space<hbm>>) dst(%arg13 : memref<40x16xf32, #tpu.memory_space<vmem>>)
          tpu.yield
        }) : () -> ()
        %dma_wait3A = arith.constant 0 : i32
        %dma_wait3A_41 = tpu.memref_slice %arg9[%mul3A_21, %dma_wait3A] : memref<100x40xi32, #tpu.memory_space<vmem>> -> memref<1x40xi32, #tpu.memory_space<vmem>>
        %dma_wait3A_42 = tpu.memref_squeeze %dma_wait3A_41 : memref<1x40xi32, #tpu.memory_space<vmem>> -> memref<40xi32, #tpu.memory_space<vmem>>
        %dma_wait3A_43 = arith.constant 0 : i32
        %dma_wait3A_44 = arith.constant 0 : i32
        %dma_wait3A_45 = tpu.memref_slice %arg2[%dma_wait3A_43, %dma_wait3A_44] : memref<10000x128xf32, #tpu.memory_space<hbm>> -> memref<10000x128xf32, #tpu.memory_space<hbm>>
        tpu.wait_indirect_dma semaphore(%arg16 : memref<!tpu.dma_semaphore, #tpu.memory_space<semaphore_mem>>) src(%dma_wait3A_45 : memref<10000x128xf32, #tpu.memory_space<hbm>>) dst(%arg10 : memref<40x128xf32, #tpu.memory_space<vmem>>)
        %parallel_loop3A = arith.constant 0 : i32
        %parallel_loop3A_46 = arith.constant 40 : i32
        %parallel_loop3A_47 = arith.constant 1 : i32
        scf.for %parallel_loop3A_114 = %parallel_loop3A to %parallel_loop3A_46 step %parallel_loop3A_47  : i32 {
          %parallel_loop3A_115 = arith.index_cast %parallel_loop3A_114 : i32 to index
          %parallel_loop3A_116 = arith.constant 0 : index
          %parallel_loop3A_117 = tpu.vector_load %arg12[%parallel_loop3A_115, %parallel_loop3A_116] {strides = array<i32>} : memref<40x16xf32, #tpu.memory_space<vmem>>, vector<16xf32>,
          %parallel_loop3A_118 = arith.index_cast %parallel_loop3A_114 : i32 to index
          %parallel_loop3A_119 = arith.constant 0 : index
          %parallel_loop3A_120 = tpu.vector_load %arg10[%parallel_loop3A_118, %parallel_loop3A_119] {strides = array<i32>} : memref<40x128xf32, #tpu.memory_space<vmem>>, vector<16xf32>,
          %parallel_loop3A_121 = arith.mulf %parallel_loop3A_120, %parallel_loop3A_117 : vector<16xf32>
          %parallel_loop3A_122 = arith.index_cast %parallel_loop3A_114 : i32 to index
          %parallel_loop3A_123 = arith.constant 0 : index
          %parallel_loop3A_124 = tpu.vector_load %arg10[%parallel_loop3A_122, %parallel_loop3A_123] {strides = array<i32>} : memref<40x128xf32, #tpu.memory_space<vmem>>, vector<16xf32>,
          tpu.vector_store %arg10[%parallel_loop3A_122, %parallel_loop3A_123], %parallel_loop3A_121 {strides = array<i32>} : memref<40x128xf32, #tpu.memory_space<vmem>>, vector<16xf32>,
          %parallel_loop3A_125 = arith.index_cast %parallel_loop3A_114 : i32 to index
          %parallel_loop3A_126 = arith.constant 16 : index
          %parallel_loop3A_127 = tpu.vector_load %arg10[%parallel_loop3A_125, %parallel_loop3A_126] {strides = array<i32>} : memref<40x128xf32, #tpu.memory_space<vmem>>, vector<16xf32>,
          %parallel_loop3A_128 = arith.mulf %parallel_loop3A_127, %parallel_loop3A_117 : vector<16xf32>
          %parallel_loop3A_129 = arith.index_cast %parallel_loop3A_114 : i32 to index
          %parallel_loop3A_130 = arith.constant 16 : index
          %parallel_loop3A_131 = tpu.vector_load %arg10[%parallel_loop3A_129, %parallel_loop3A_130] {strides = array<i32>} : memref<40x128xf32, #tpu.memory_space<vmem>>, vector<16xf32>,
          tpu.vector_store %arg10[%parallel_loop3A_129, %parallel_loop3A_130], %parallel_loop3A_128 {strides = array<i32>} : memref<40x128xf32, #tpu.memory_space<vmem>>, vector<16xf32>,
          %parallel_loop3A_132 = arith.index_cast %parallel_loop3A_114 : i32 to index
          %parallel_loop3A_133 = arith.constant 32 : index
          %parallel_loop3A_134 = tpu.vector_load %arg10[%parallel_loop3A_132, %parallel_loop3A_133] {strides = array<i32>} : memref<40x128xf32, #tpu.memory_space<vmem>>, vector<16xf32>,
          %parallel_loop3A_135 = arith.mulf %parallel_loop3A_134, %parallel_loop3A_117 : vector<16xf32>
          %parallel_loop3A_136 = arith.index_cast %parallel_loop3A_114 : i32 to index
          %parallel_loop3A_137 = arith.constant 32 : index
          %parallel_loop3A_138 = tpu.vector_load %arg10[%parallel_loop3A_136, %parallel_loop3A_137] {strides = array<i32>} : memref<40x128xf32, #tpu.memory_space<vmem>>, vector<16xf32>,
          tpu.vector_store %arg10[%parallel_loop3A_136, %parallel_loop3A_137], %parallel_loop3A_135 {strides = array<i32>} : memref<40x128xf32, #tpu.memory_space<vmem>>, vector<16xf32>,
          %parallel_loop3A_139 = arith.index_cast %parallel_loop3A_114 : i32 to index
          %parallel_loop3A_140 = arith.constant 48 : index
          %parallel_loop3A_141 = tpu.vector_load %arg10[%parallel_loop3A_139, %parallel_loop3A_140] {strides = array<i32>} : memref<40x128xf32, #tpu.memory_space<vmem>>, vector<16xf32>,
          %parallel_loop3A_142 = arith.mulf %parallel_loop3A_141, %parallel_loop3A_117 : vector<16xf32>
          %parallel_loop3A_143 = arith.index_cast %parallel_loop3A_114 : i32 to index
          %parallel_loop3A_144 = arith.constant 48 : index
          %parallel_loop3A_145 = tpu.vector_load %arg10[%parallel_loop3A_143, %parallel_loop3A_144] {strides = array<i32>} : memref<40x128xf32, #tpu.memory_space<vmem>>, vector<16xf32>,
          tpu.vector_store %arg10[%parallel_loop3A_143, %parallel_loop3A_144], %parallel_loop3A_142 {strides = array<i32>} : memref<40x128xf32, #tpu.memory_space<vmem>>, vector<16xf32>,
          %parallel_loop3A_146 = arith.index_cast %parallel_loop3A_114 : i32 to index
          %parallel_loop3A_147 = arith.constant 64 : index
          %parallel_loop3A_148 = tpu.vector_load %arg10[%parallel_loop3A_146, %parallel_loop3A_147] {strides = array<i32>} : memref<40x128xf32, #tpu.memory_space<vmem>>, vector<16xf32>,
          %parallel_loop3A_149 = arith.mulf %parallel_loop3A_148, %parallel_loop3A_117 : vector<16xf32>
          %parallel_loop3A_150 = arith.index_cast %parallel_loop3A_114 : i32 to index
          %parallel_loop3A_151 = arith.constant 64 : index
          %parallel_loop3A_152 = tpu.vector_load %arg10[%parallel_loop3A_150, %parallel_loop3A_151] {strides = array<i32>} : memref<40x128xf32, #tpu.memory_space<vmem>>, vector<16xf32>,
          tpu.vector_store %arg10[%parallel_loop3A_150, %parallel_loop3A_151], %parallel_loop3A_149 {strides = array<i32>} : memref<40x128xf32, #tpu.memory_space<vmem>>, vector<16xf32>,
          %parallel_loop3A_153 = arith.index_cast %parallel_loop3A_114 : i32 to index
          %parallel_loop3A_154 = arith.constant 80 : index
          %parallel_loop3A_155 = tpu.vector_load %arg10[%parallel_loop3A_153, %parallel_loop3A_154] {strides = array<i32>} : memref<40x128xf32, #tpu.memory_space<vmem>>, vector<16xf32>,
          %parallel_loop3A_156 = arith.mulf %parallel_loop3A_155, %parallel_loop3A_117 : vector<16xf32>
          %parallel_loop3A_157 = arith.index_cast %parallel_loop3A_114 : i32 to index
          %parallel_loop3A_158 = arith.constant 80 : index
          %parallel_loop3A_159 = tpu.vector_load %arg10[%parallel_loop3A_157, %parallel_loop3A_158] {strides = array<i32>} : memref<40x128xf32, #tpu.memory_space<vmem>>, vector<16xf32>,
          tpu.vector_store %arg10[%parallel_loop3A_157, %parallel_loop3A_158], %parallel_loop3A_156 {strides = array<i32>} : memref<40x128xf32, #tpu.memory_space<vmem>>, vector<16xf32>,
          %parallel_loop3A_160 = arith.index_cast %parallel_loop3A_114 : i32 to index
          %parallel_loop3A_161 = arith.constant 96 : index
          %parallel_loop3A_162 = tpu.vector_load %arg10[%parallel_loop3A_160, %parallel_loop3A_161] {strides = array<i32>} : memref<40x128xf32, #tpu.memory_space<vmem>>, vector<16xf32>,
          %parallel_loop3A_163 = arith.mulf %parallel_loop3A_162, %parallel_loop3A_117 : vector<16xf32>
          %parallel_loop3A_164 = arith.index_cast %parallel_loop3A_114 : i32 to index
          %parallel_loop3A_165 = arith.constant 96 : index
          %parallel_loop3A_166 = tpu.vector_load %arg10[%parallel_loop3A_164, %parallel_loop3A_165] {strides = array<i32>} : memref<40x128xf32, #tpu.memory_space<vmem>>, vector<16xf32>,
          tpu.vector_store %arg10[%parallel_loop3A_164, %parallel_loop3A_165], %parallel_loop3A_163 {strides = array<i32>} : memref<40x128xf32, #tpu.memory_space<vmem>>, vector<16xf32>,
          %parallel_loop3A_167 = arith.index_cast %parallel_loop3A_114 : i32 to index
          %parallel_loop3A_168 = arith.constant 112 : index
          %parallel_loop3A_169 = tpu.vector_load %arg10[%parallel_loop3A_167, %parallel_loop3A_168] {strides = array<i32>} : memref<40x128xf32, #tpu.memory_space<vmem>>, vector<16xf32>,
          %parallel_loop3A_170 = arith.mulf %parallel_loop3A_169, %parallel_loop3A_117 : vector<16xf32>
          %parallel_loop3A_171 = arith.index_cast %parallel_loop3A_114 : i32 to index
          %parallel_loop3A_172 = arith.constant 112 : index
          %parallel_loop3A_173 = tpu.vector_load %arg10[%parallel_loop3A_171, %parallel_loop3A_172] {strides = array<i32>} : memref<40x128xf32, #tpu.memory_space<vmem>>, vector<16xf32>,
          tpu.vector_store %arg10[%parallel_loop3A_171, %parallel_loop3A_172], %parallel_loop3A_170 {strides = array<i32>} : memref<40x128xf32, #tpu.memory_space<vmem>>, vector<16xf32>,
        } {sc.loop_unroll_factor = 8 : i64, sc.parallel_access}
        %add3A_48 = arith.constant 50 : i32
        %add3A_49 = arith.addi %add3A_48, %mul3A_21 : i32
        %dma_start3A_50 = arith.constant 0 : i32
        %dma_start3A_51 = tpu.memref_slice %arg9[%add3A_49, %dma_start3A_50] : memref<100x40xi32, #tpu.memory_space<vmem>> -> memref<1x40xi32, #tpu.memory_space<vmem>>
        %dma_start3A_52 = tpu.memref_squeeze %dma_start3A_51 : memref<1x40xi32, #tpu.memory_space<vmem>> -> memref<40xi32, #tpu.memory_space<vmem>>
        %dma_start3A_53 = arith.constant 0 : i32
        %dma_start3A_54 = arith.constant 0 : i32
        %dma_start3A_55 = tpu.memref_slice %arg15[%dma_start3A_53, %dma_start3A_54] : memref<10240x128xf32, #tpu.memory_space<vmem_shared>> -> memref<10240x128xf32, #tpu.memory_space<vmem_shared>>
        tpu.enqueue_indirect_dma source(%arg10 : memref<40x128xf32, #tpu.memory_space<vmem>>) target(%dma_start3A_55 : memref<10240x128xf32, #tpu.memory_space<vmem_shared>>) offsets(%dma_start3A_52 : memref<40xi32, #tpu.memory_space<vmem>>) semaphore(%arg18 : memref<!tpu.dma_semaphore, #tpu.memory_space<semaphore_mem>>) {add = true}
        %add3A_56 = arith.constant 50 : i32
        %add3A_57 = arith.addi %add3A_56, %mul3A_21 : i32
        %get3A = arith.index_cast %add3A_57 : i32 to index
        %get3A_58 = arith.constant 0 : index
        %get3A_59 = tpu.vector_load %arg9[%get3A, %get3A_58] {strides = array<i32>} : memref<100x40xi32, #tpu.memory_space<vmem>>, vector<16xi32>,
        tpu.vector_store_idx %arg14[%get3A_59], %broadcast_in_dim3A_3 {add = true} : memref<10240xf32, #tpu.memory_space<vmem>>[vector<16xi32>], vector<16xf32>,
        %add3A_60 = arith.constant 50 : i32
        %add3A_61 = arith.addi %add3A_60, %mul3A_21 : i32
        %get3A_62 = arith.index_cast %add3A_61 : i32 to index
        %get3A_63 = arith.constant 16 : index
        %get3A_64 = tpu.vector_load %arg9[%get3A_62, %get3A_63] {strides = array<i32>} : memref<100x40xi32, #tpu.memory_space<vmem>>, vector<16xi32>,
        tpu.vector_store_idx %arg14[%get3A_64], %broadcast_in_dim3A_3 {add = true} : memref<10240xf32, #tpu.memory_space<vmem>>[vector<16xi32>], vector<16xf32>,
        %add3A_65 = arith.constant 50 : i32
        %add3A_66 = arith.addi %add3A_65, %mul3A_21 : i32
        %get3A_67 = arith.index_cast %add3A_66 : i32 to index
        %get3A_68 = arith.constant 24 : index
        %get3A_69 = tpu.vector_load %arg9[%get3A_67, %get3A_68] {strides = array<i32>} : memref<100x40xi32, #tpu.memory_space<vmem>>, vector<16xi32>,
        tpu.vector_store_idx %arg14[%get3A_69], %broadcast_in_dim3A_3 masked %ge3A_5 {add = true} : memref<10240xf32, #tpu.memory_space<vmem>>[vector<16xi32>], vector<16xf32>, vector<16xi1>
        %dma_wait3A_70 = arith.constant 0 : i32
        %dma_wait3A_71 = tpu.memref_slice %arg9[%add3A_23, %dma_wait3A_70] : memref<100x40xi32, #tpu.memory_space<vmem>> -> memref<1x40xi32, #tpu.memory_space<vmem>>
        %dma_wait3A_72 = tpu.memref_squeeze %dma_wait3A_71 : memref<1x40xi32, #tpu.memory_space<vmem>> -> memref<40xi32, #tpu.memory_space<vmem>>
        %dma_wait3A_73 = arith.constant 0 : i32
        %dma_wait3A_74 = arith.constant 0 : i32
        %dma_wait3A_75 = tpu.memref_slice %arg2[%dma_wait3A_73, %dma_wait3A_74] : memref<10000x128xf32, #tpu.memory_space<hbm>> -> memref<10000x128xf32, #tpu.memory_space<hbm>>
        tpu.wait_indirect_dma semaphore(%arg17 : memref<!tpu.dma_semaphore, #tpu.memory_space<semaphore_mem>>) src(%dma_wait3A_75 : memref<10000x128xf32, #tpu.memory_space<hbm>>) dst(%arg11 : memref<40x128xf32, #tpu.memory_space<vmem>>)
        %parallel_loop3A_76 = arith.constant 0 : i32
        %parallel_loop3A_77 = arith.constant 40 : i32
        %parallel_loop3A_78 = arith.constant 1 : i32
        scf.for %parallel_loop3A_114 = %parallel_loop3A_76 to %parallel_loop3A_77 step %parallel_loop3A_78  : i32 {
          %parallel_loop3A_115 = arith.index_cast %parallel_loop3A_114 : i32 to index
          %parallel_loop3A_116 = arith.constant 0 : index
          %parallel_loop3A_117 = tpu.vector_load %arg13[%parallel_loop3A_115, %parallel_loop3A_116] {strides = array<i32>} : memref<40x16xf32, #tpu.memory_space<vmem>>, vector<16xf32>,
          %parallel_loop3A_118 = arith.index_cast %parallel_loop3A_114 : i32 to index
          %parallel_loop3A_119 = arith.constant 0 : index
          %parallel_loop3A_120 = tpu.vector_load %arg11[%parallel_loop3A_118, %parallel_loop3A_119] {strides = array<i32>} : memref<40x128xf32, #tpu.memory_space<vmem>>, vector<16xf32>,
          %parallel_loop3A_121 = arith.mulf %parallel_loop3A_120, %parallel_loop3A_117 : vector<16xf32>
          %parallel_loop3A_122 = arith.index_cast %parallel_loop3A_114 : i32 to index
          %parallel_loop3A_123 = arith.constant 0 : index
          %parallel_loop3A_124 = tpu.vector_load %arg11[%parallel_loop3A_122, %parallel_loop3A_123] {strides = array<i32>} : memref<40x128xf32, #tpu.memory_space<vmem>>, vector<16xf32>,
          tpu.vector_store %arg11[%parallel_loop3A_122, %parallel_loop3A_123], %parallel_loop3A_121 {strides = array<i32>} : memref<40x128xf32, #tpu.memory_space<vmem>>, vector<16xf32>,
          %parallel_loop3A_125 = arith.index_cast %parallel_loop3A_114 : i32 to index
          %parallel_loop3A_126 = arith.constant 16 : index
          %parallel_loop3A_127 = tpu.vector_load %arg11[%parallel_loop3A_125, %parallel_loop3A_126] {strides = array<i32>} : memref<40x128xf32, #tpu.memory_space<vmem>>, vector<16xf32>,
          %parallel_loop3A_128 = arith.mulf %parallel_loop3A_127, %parallel_loop3A_117 : vector<16xf32>
          %parallel_loop3A_129 = arith.index_cast %parallel_loop3A_114 : i32 to index
          %parallel_loop3A_130 = arith.constant 16 : index
          %parallel_loop3A_131 = tpu.vector_load %arg11[%parallel_loop3A_129, %parallel_loop3A_130] {strides = array<i32>} : memref<40x128xf32, #tpu.memory_space<vmem>>, vector<16xf32>,
          tpu.vector_store %arg11[%parallel_loop3A_129, %parallel_loop3A_130], %parallel_loop3A_128 {strides = array<i32>} : memref<40x128xf32, #tpu.memory_space<vmem>>, vector<16xf32>,
          %parallel_loop3A_132 = arith.index_cast %parallel_loop3A_114 : i32 to index
          %parallel_loop3A_133 = arith.constant 32 : index
          %parallel_loop3A_134 = tpu.vector_load %arg11[%parallel_loop3A_132, %parallel_loop3A_133] {strides = array<i32>} : memref<40x128xf32, #tpu.memory_space<vmem>>, vector<16xf32>,
          %parallel_loop3A_135 = arith.mulf %parallel_loop3A_134, %parallel_loop3A_117 : vector<16xf32>
          %parallel_loop3A_136 = arith.index_cast %parallel_loop3A_114 : i32 to index
          %parallel_loop3A_137 = arith.constant 32 : index
          %parallel_loop3A_138 = tpu.vector_load %arg11[%parallel_loop3A_136, %parallel_loop3A_137] {strides = array<i32>} : memref<40x128xf32, #tpu.memory_space<vmem>>, vector<16xf32>,
          tpu.vector_store %arg11[%parallel_loop3A_136, %parallel_loop3A_137], %parallel_loop3A_135 {strides = array<i32>} : memref<40x128xf32, #tpu.memory_space<vmem>>, vector<16xf32>,
          %parallel_loop3A_139 = arith.index_cast %parallel_loop3A_114 : i32 to index
          %parallel_loop3A_140 = arith.constant 48 : index
          %parallel_loop3A_141 = tpu.vector_load %arg11[%parallel_loop3A_139, %parallel_loop3A_140] {strides = array<i32>} : memref<40x128xf32, #tpu.memory_space<vmem>>, vector<16xf32>,
          %parallel_loop3A_142 = arith.mulf %parallel_loop3A_141, %parallel_loop3A_117 : vector<16xf32>
          %parallel_loop3A_143 = arith.index_cast %parallel_loop3A_114 : i32 to index
          %parallel_loop3A_144 = arith.constant 48 : index
          %parallel_loop3A_145 = tpu.vector_load %arg11[%parallel_loop3A_143, %parallel_loop3A_144] {strides = array<i32>} : memref<40x128xf32, #tpu.memory_space<vmem>>, vector<16xf32>,
          tpu.vector_store %arg11[%parallel_loop3A_143, %parallel_loop3A_144], %parallel_loop3A_142 {strides = array<i32>} : memref<40x128xf32, #tpu.memory_space<vmem>>, vector<16xf32>,
          %parallel_loop3A_146 = arith.index_cast %parallel_loop3A_114 : i32 to index
          %parallel_loop3A_147 = arith.constant 64 : index
          %parallel_loop3A_148 = tpu.vector_load %arg11[%parallel_loop3A_146, %parallel_loop3A_147] {strides = array<i32>} : memref<40x128xf32, #tpu.memory_space<vmem>>, vector<16xf32>,
          %parallel_loop3A_149 = arith.mulf %parallel_loop3A_148, %parallel_loop3A_117 : vector<16xf32>
          %parallel_loop3A_150 = arith.index_cast %parallel_loop3A_114 : i32 to index
          %parallel_loop3A_151 = arith.constant 64 : index
          %parallel_loop3A_152 = tpu.vector_load %arg11[%parallel_loop3A_150, %parallel_loop3A_151] {strides = array<i32>} : memref<40x128xf32, #tpu.memory_space<vmem>>, vector<16xf32>,
          tpu.vector_store %arg11[%parallel_loop3A_150, %parallel_loop3A_151], %parallel_loop3A_149 {strides = array<i32>} : memref<40x128xf32, #tpu.memory_space<vmem>>, vector<16xf32>,
          %parallel_loop3A_153 = arith.index_cast %parallel_loop3A_114 : i32 to index
          %parallel_loop3A_154 = arith.constant 80 : index
          %parallel_loop3A_155 = tpu.vector_load %arg11[%parallel_loop3A_153, %parallel_loop3A_154] {strides = array<i32>} : memref<40x128xf32, #tpu.memory_space<vmem>>, vector<16xf32>,
          %parallel_loop3A_156 = arith.mulf %parallel_loop3A_155, %parallel_loop3A_117 : vector<16xf32>
          %parallel_loop3A_157 = arith.index_cast %parallel_loop3A_114 : i32 to index
          %parallel_loop3A_158 = arith.constant 80 : index
          %parallel_loop3A_159 = tpu.vector_load %arg11[%parallel_loop3A_157, %parallel_loop3A_158] {strides = array<i32>} : memref<40x128xf32, #tpu.memory_space<vmem>>, vector<16xf32>,
          tpu.vector_store %arg11[%parallel_loop3A_157, %parallel_loop3A_158], %parallel_loop3A_156 {strides = array<i32>} : memref<40x128xf32, #tpu.memory_space<vmem>>, vector<16xf32>,
          %parallel_loop3A_160 = arith.index_cast %parallel_loop3A_114 : i32 to index
          %parallel_loop3A_161 = arith.constant 96 : index
          %parallel_loop3A_162 = tpu.vector_load %arg11[%parallel_loop3A_160, %parallel_loop3A_161] {strides = array<i32>} : memref<40x128xf32, #tpu.memory_space<vmem>>, vector<16xf32>,
          %parallel_loop3A_163 = arith.mulf %parallel_loop3A_162, %parallel_loop3A_117 : vector<16xf32>
          %parallel_loop3A_164 = arith.index_cast %parallel_loop3A_114 : i32 to index
          %parallel_loop3A_165 = arith.constant 96 : index
          %parallel_loop3A_166 = tpu.vector_load %arg11[%parallel_loop3A_164, %parallel_loop3A_165] {strides = array<i32>} : memref<40x128xf32, #tpu.memory_space<vmem>>, vector<16xf32>,
          tpu.vector_store %arg11[%parallel_loop3A_164, %parallel_loop3A_165], %parallel_loop3A_163 {strides = array<i32>} : memref<40x128xf32, #tpu.memory_space<vmem>>, vector<16xf32>,
          %parallel_loop3A_167 = arith.index_cast %parallel_loop3A_114 : i32 to index
          %parallel_loop3A_168 = arith.constant 112 : index
          %parallel_loop3A_169 = tpu.vector_load %arg11[%parallel_loop3A_167, %parallel_loop3A_168] {strides = array<i32>} : memref<40x128xf32, #tpu.memory_space<vmem>>, vector<16xf32>,
          %parallel_loop3A_170 = arith.mulf %parallel_loop3A_169, %parallel_loop3A_117 : vector<16xf32>
          %parallel_loop3A_171 = arith.index_cast %parallel_loop3A_114 : i32 to index
          %parallel_loop3A_172 = arith.constant 112 : index
          %parallel_loop3A_173 = tpu.vector_load %arg11[%parallel_loop3A_171, %parallel_loop3A_172] {strides = array<i32>} : memref<40x128xf32, #tpu.memory_space<vmem>>, vector<16xf32>,
          tpu.vector_store %arg11[%parallel_loop3A_171, %parallel_loop3A_172], %parallel_loop3A_170 {strides = array<i32>} : memref<40x128xf32, #tpu.memory_space<vmem>>, vector<16xf32>,
        } {sc.loop_unroll_factor = 8 : i64, sc.parallel_access}
        %add3A_79 = arith.constant 50 : i32
        %add3A_80 = arith.addi %add3A_79, %add3A_23 : i32
        %dma_start3A_81 = arith.constant 0 : i32
        %dma_start3A_82 = tpu.memref_slice %arg9[%add3A_80, %dma_start3A_81] : memref<100x40xi32, #tpu.memory_space<vmem>> -> memref<1x40xi32, #tpu.memory_space<vmem>>
        %dma_start3A_83 = tpu.memref_squeeze %dma_start3A_82 : memref<1x40xi32, #tpu.memory_space<vmem>> -> memref<40xi32, #tpu.memory_space<vmem>>
        %dma_start3A_84 = arith.constant 0 : i32
        %dma_start3A_85 = arith.constant 0 : i32
        %dma_start3A_86 = tpu.memref_slice %arg15[%dma_start3A_84, %dma_start3A_85] : memref<10240x128xf32, #tpu.memory_space<vmem_shared>> -> memref<10240x128xf32, #tpu.memory_space<vmem_shared>>
        tpu.enqueue_indirect_dma source(%arg11 : memref<40x128xf32, #tpu.memory_space<vmem>>) target(%dma_start3A_86 : memref<10240x128xf32, #tpu.memory_space<vmem_shared>>) offsets(%dma_start3A_83 : memref<40xi32, #tpu.memory_space<vmem>>) semaphore(%arg19 : memref<!tpu.dma_semaphore, #tpu.memory_space<semaphore_mem>>) {add = true}
        %add3A_87 = arith.constant 50 : i32
        %add3A_88 = arith.addi %add3A_87, %add3A_23 : i32
        %get3A_89 = arith.index_cast %add3A_88 : i32 to index
        %get3A_90 = arith.constant 0 : index
        %get3A_91 = tpu.vector_load %arg9[%get3A_89, %get3A_90] {strides = array<i32>} : memref<100x40xi32, #tpu.memory_space<vmem>>, vector<16xi32>,
        tpu.vector_store_idx %arg14[%get3A_91], %broadcast_in_dim3A_3 {add = true} : memref<10240xf32, #tpu.memory_space<vmem>>[vector<16xi32>], vector<16xf32>,
        %add3A_92 = arith.constant 50 : i32
        %add3A_93 = arith.addi %add3A_92, %add3A_23 : i32
        %get3A_94 = arith.index_cast %add3A_93 : i32 to index
        %get3A_95 = arith.constant 16 : index
        %get3A_96 = tpu.vector_load %arg9[%get3A_94, %get3A_95] {strides = array<i32>} : memref<100x40xi32, #tpu.memory_space<vmem>>, vector<16xi32>,
        tpu.vector_store_idx %arg14[%get3A_96], %broadcast_in_dim3A_3 {add = true} : memref<10240xf32, #tpu.memory_space<vmem>>[vector<16xi32>], vector<16xf32>,
        %add3A_97 = arith.constant 50 : i32
        %add3A_98 = arith.addi %add3A_97, %add3A_23 : i32
        %get3A_99 = arith.index_cast %add3A_98 : i32 to index
        %get3A_100 = arith.constant 24 : index
        %get3A_101 = tpu.vector_load %arg9[%get3A_99, %get3A_100] {strides = array<i32>} : memref<100x40xi32, #tpu.memory_space<vmem>>, vector<16xi32>,
        tpu.vector_store_idx %arg14[%get3A_101], %broadcast_in_dim3A_3 masked %ge3A_5 {add = true} : memref<10240xf32, #tpu.memory_space<vmem>>[vector<16xi32>], vector<16xf32>, vector<16xi1>
        %dma_wait3A_102 = arith.constant 0 : i32
        %dma_wait3A_103 = tpu.memref_slice %arg9[%add3A_49, %dma_wait3A_102] : memref<100x40xi32, #tpu.memory_space<vmem>> -> memref<1x40xi32, #tpu.memory_space<vmem>>
        %dma_wait3A_104 = tpu.memref_squeeze %dma_wait3A_103 : memref<1x40xi32, #tpu.memory_space<vmem>> -> memref<40xi32, #tpu.memory_space<vmem>>
        %dma_wait3A_105 = arith.constant 0 : i32
        %dma_wait3A_106 = arith.constant 0 : i32
        %dma_wait3A_107 = tpu.memref_slice %arg15[%dma_wait3A_105, %dma_wait3A_106] : memref<10240x128xf32, #tpu.memory_space<vmem_shared>> -> memref<10240x128xf32, #tpu.memory_space<vmem_shared>>
        tpu.wait_indirect_dma semaphore(%arg18 : memref<!tpu.dma_semaphore, #tpu.memory_space<semaphore_mem>>) src(%arg10 : memref<40x128xf32, #tpu.memory_space<vmem>>) dst(%dma_wait3A_107 : memref<10240x128xf32, #tpu.memory_space<vmem_shared>>)
        %dma_wait3A_108 = arith.constant 0 : i32
        %dma_wait3A_109 = tpu.memref_slice %arg9[%add3A_80, %dma_wait3A_108] : memref<100x40xi32, #tpu.memory_space<vmem>> -> memref<1x40xi32, #tpu.memory_space<vmem>>
        %dma_wait3A_110 = tpu.memref_squeeze %dma_wait3A_109 : memref<1x40xi32, #tpu.memory_space<vmem>> -> memref<40xi32, #tpu.memory_space<vmem>>
        %dma_wait3A_111 = arith.constant 0 : i32
        %dma_wait3A_112 = arith.constant 0 : i32
        %dma_wait3A_113 = tpu.memref_slice %arg15[%dma_wait3A_111, %dma_wait3A_112] : memref<10240x128xf32, #tpu.memory_space<vmem_shared>> -> memref<10240x128xf32, #tpu.memory_space<vmem_shared>>
        tpu.wait_indirect_dma semaphore(%arg19 : memref<!tpu.dma_semaphore, #tpu.memory_space<semaphore_mem>>) src(%arg11 : memref<40x128xf32, #tpu.memory_space<vmem>>) dst(%dma_wait3A_113 : memref<10240x128xf32, #tpu.memory_space<vmem_shared>>)
      }
      %scan3A_18 = arith.constant 25 : i32
    }
    %scan3A_10 = arith.constant 5 : i32
    %barrier3A_11 = arith.constant 0 : index
    tpu.barrier barrier_id(%barrier3A_11)
    "tpu.region"() ({
      %run_scoped3A = tpu.sem_alloc : memref<!tpu.dma_semaphore, #tpu.memory_space<semaphore_mem>>
      %dma_start3A = arith.constant 0 : i32
      %dma_start3A_12 = tpu.memref_slice %arg7[%arg0, %mul3A_2, %dma_start3A] : memref<2x10240x128xf32, #tpu.memory_space<hbm>> -> memref<1x640x128xf32, #tpu.memory_space<hbm>>
      %dma_start3A_13 = tpu.memref_squeeze %dma_start3A_12 : memref<1x640x128xf32, #tpu.memory_space<hbm>> -> memref<640x128xf32, #tpu.memory_space<hbm>>
      %dma_start3A_14 = arith.constant 0 : i32
      %dma_start3A_15 = tpu.memref_slice %arg15[%mul3A_2, %dma_start3A_14] : memref<10240x128xf32, #tpu.memory_space<vmem_shared>> -> memref<640x128xf32, #tpu.memory_space<vmem_shared>>
      tpu.enqueue_dma source(%dma_start3A_15 : memref<640x128xf32, #tpu.memory_space<vmem_shared>>) target(%dma_start3A_13 : memref<640x128xf32, #tpu.memory_space<hbm>>) target_semaphore(%run_scoped3A : memref<!tpu.dma_semaphore, #tpu.memory_space<semaphore_mem>>)
      %dma_wait3A = arith.constant 0 : i32
      %dma_wait3A_16 = tpu.memref_slice %arg7[%arg0, %mul3A_2, %dma_wait3A] : memref<2x10240x128xf32, #tpu.memory_space<hbm>> -> memref<1x640x128xf32, #tpu.memory_space<hbm>>
      %dma_wait3A_17 = tpu.memref_squeeze %dma_wait3A_16 : memref<1x640x128xf32, #tpu.memory_space<hbm>> -> memref<640x128xf32, #tpu.memory_space<hbm>>
      %dma_wait3A_18 = arith.constant 0 : i32
      %dma_wait3A_19 = tpu.memref_slice %arg15[%mul3A_2, %dma_wait3A_18] : memref<10240x128xf32, #tpu.memory_space<vmem_shared>> -> memref<640x128xf32, #tpu.memory_space<vmem_shared>>
      tpu.wait_dma2 semaphore(%run_scoped3A : memref<!tpu.dma_semaphore, #tpu.memory_space<semaphore_mem>>) src(%dma_wait3A_19 : memref<640x128xf32, #tpu.memory_space<vmem_shared>>) dst(%dma_wait3A_17 : memref<640x128xf32, #tpu.memory_space<hbm>>)
      tpu.yield
    }) : () -> ()
    "tpu.region"() ({
      %run_scoped3A = tpu.sem_alloc : memref<!tpu.dma_semaphore, #tpu.memory_space<semaphore_mem>>
      %dma_start3A = arith.constant 0 : i32
      %dma_start3A_12 = tpu.memref_slice %arg8[%add3A, %dma_start3A] : memref<32x10240xf32, #tpu.memory_space<hbm>> -> memref<1x10240xf32, #tpu.memory_space<hbm>>
      %dma_start3A_13 = tpu.memref_squeeze %dma_start3A_12 : memref<1x10240xf32, #tpu.memory_space<hbm>> -> memref<10240xf32, #tpu.memory_space<hbm>>
      %dma_start3A_14 = arith.constant 0 : i32
      %dma_start3A_15 = tpu.memref_slice %arg8[%add3A, %dma_start3A_14] : memref<32x10240xf32, #tpu.memory_space<hbm>> -> memref<1x10240xf32, #tpu.memory_space<hbm>>
      %dma_start3A_16 = tpu.memref_squeeze %dma_start3A_15 : memref<1x10240xf32, #tpu.memory_space<hbm>> -> memref<10240xf32, #tpu.memory_space<hbm>>
      tpu.enqueue_dma source(%arg14 : memref<10240xf32, #tpu.memory_space<vmem>>) target(%dma_start3A_16 : memref<10240xf32, #tpu.memory_space<hbm>>) target_semaphore(%run_scoped3A : memref<!tpu.dma_semaphore, #tpu.memory_space<semaphore_mem>>)
      %dma_wait3A = arith.constant 0 : i32
      %dma_wait3A_17 = tpu.memref_slice %arg8[%add3A, %dma_wait3A] : memref<32x10240xf32, #tpu.memory_space<hbm>> -> memref<1x10240xf32, #tpu.memory_space<hbm>>
      %dma_wait3A_18 = tpu.memref_squeeze %dma_wait3A_17 : memref<1x10240xf32, #tpu.memory_space<hbm>> -> memref<10240xf32, #tpu.memory_space<hbm>>
      %dma_wait3A_19 = arith.constant 0 : i32
      %dma_wait3A_20 = tpu.memref_slice %arg8[%add3A, %dma_wait3A_19] : memref<32x10240xf32, #tpu.memory_space<hbm>> -> memref<1x10240xf32, #tpu.memory_space<hbm>>
      %dma_wait3A_21 = tpu.memref_squeeze %dma_wait3A_20 : memref<1x10240xf32, #tpu.memory_space<hbm>> -> memref<10240xf32, #tpu.memory_space<hbm>>
      tpu.wait_dma2 semaphore(%run_scoped3A : memref<!tpu.dma_semaphore, #tpu.memory_space<semaphore_mem>>) src(%arg14 : memref<10240xf32, #tpu.memory_space<vmem>>) dst(%dma_wait3A_21 : memref<10240xf32, #tpu.memory_space<hbm>>)
      tpu.yield
    }) : () -> ()
    return
  }
}

#map = affine_map<(d0, d1) -> (0, 0)>
#map1 = affine_map<(d0, d1) -> (0, 0, 0, 0)>
#map2 = affine_map<(d0, d1) -> (0)>
#map3 = affine_map<(d0, d1) -> (0, 0, 0)>
module attributes {stable_mosaic.version = 14 : i64} {
  func.func @_conv_body(%arg0: i32, %arg1: i32, %arg2: memref<10000x128xf32, #tpu.memory_space<hbm>>, %arg3: memref<32x5x100x40xi32, #tpu.memory_space<hbm>>, %arg4: memref<32x250x40x16xf32, #tpu.memory_space<hbm>>, %arg5: memref<640x128xf32, #tpu.memory_space<hbm>>, %arg6: memref<10240xf32, #tpu.memory_space<hbm>>, %arg7: memref<2x10240x128xf32, #tpu.memory_space<hbm>>, %arg8: memref<32x10240xf32, #tpu.memory_space<hbm>>, %arg9: memref<100x40xi32, #tpu.memory_space<vmem>>, %arg10: memref<40x128xf32, #tpu.memory_space<vmem>>, %arg11: memref<40x128xf32, #tpu.memory_space<vmem>>, %arg12: memref<40x16xf32, #tpu.memory_space<vmem>>, %arg13: memref<40x16xf32, #tpu.memory_space<vmem>>, %arg14: memref<10240xf32, #tpu.memory_space<vmem>>, %arg15: memref<10240x128xf32, #tpu.memory_space<vmem_shared>>, %arg16: memref<!tpu.dma_semaphore, #tpu.memory_space<semaphore_mem>>, %arg17: memref<!tpu.dma_semaphore, #tpu.memory_space<semaphore_mem>>, %arg18: memref<!tpu.dma_semaphore, #tpu.memory_space<semaphore_mem>>, %arg19: memref<!tpu.dma_semaphore, #tpu.memory_space<semaphore_mem>>) attributes {dimension_semantics = [#tpu.dimension_semantics<core_parallel>, #tpu.dimension_semantics<subcore_parallel>], iteration_bounds = array<i64: 2, 16>, scalar_prefetch = 0 : i64, scratch_operands = 11 : i64, tpu.core_type = #tpu.core_type<sc_vector_subcore>, window_params = [{transform_indices = #map}, {transform_indices = #map1}, {transform_indices = #map1}, {transform_indices = #map}, {transform_indices = #map2}, {transform_indices = #map3}, {transform_indices = #map}]} {
    %mul3A = arith.constant 2 : i32
    %mul3A_0 = arith.muli %arg1, %mul3A : i32
    %add3A = arith.addi %mul3A_0, %arg0 : i32
    %mul3A_1 = arith.constant 640 : i32
    %mul3A_2 = arith.muli %arg1, %mul3A_1 : i32
    "tpu.region"() ({
      %run_scoped3A = tpu.sem_alloc : memref<!tpu.dma_semaphore, #tpu.memory_space<semaphore_mem>>
      %dma_start3A = arith.constant 0 : i32
      %dma_start3A_12 = tpu.memref_slice %arg15[%mul3A_2, %dma_start3A] : memref<10240x128xf32, #tpu.memory_space<vmem_shared>> -> memref<640x128xf32, #tpu.memory_space<vmem_shared>>
      tpu.enqueue_dma source(%arg5 : memref<640x128xf32, #tpu.memory_space<hbm>>) target(%dma_start3A_12 : memref<640x128xf32, #tpu.memory_space<vmem_shared>>) target_semaphore(%run_scoped3A : memref<!tpu.dma_semaphore, #tpu.memory_space<semaphore_mem>>)
      %dma_wait3A = arith.constant 0 : i32
      %dma_wait3A_13 = tpu.memref_slice %arg15[%mul3A_2, %dma_wait3A] : memref<10240x128xf32, #tpu.memory_space<vmem_shared>> -> memref<640x128xf32, #tpu.memory_space<vmem_shared>>
      tpu.wait_dma2 semaphore(%run_scoped3A : memref<!tpu.dma_semaphore, #tpu.memory_space<semaphore_mem>>) src(%arg5 : memref<640x128xf32, #tpu.memory_space<hbm>>) dst(%dma_wait3A_13 : memref<640x128xf32, #tpu.memory_space<vmem_shared>>)
      tpu.yield
    }) : () -> ()
    "tpu.region"() ({
      %run_scoped3A = tpu.sem_alloc : memref<!tpu.dma_semaphore, #tpu.memory_space<semaphore_mem>>
      tpu.enqueue_dma source(%arg6 : memref<10240xf32, #tpu.memory_space<hbm>>) target(%arg14 : memref<10240xf32, #tpu.memory_space<vmem>>) target_semaphore(%run_scoped3A : memref<!tpu.dma_semaphore, #tpu.memory_space<semaphore_mem>>)
      tpu.wait_dma2 semaphore(%run_scoped3A : memref<!tpu.dma_semaphore, #tpu.memory_space<semaphore_mem>>) src(%arg6 : memref<10240xf32, #tpu.memory_space<hbm>>) dst(%arg14 : memref<10240xf32, #tpu.memory_space<vmem>>)
      tpu.yield
    }) : () -> ()
    %barrier3A = arith.constant 0 : index
    tpu.barrier barrier_id(%barrier3A)
    %broadcast_in_dim3A = arith.constant 1.000000e+00 : f32
    %broadcast_in_dim3A_3 = vector.broadcast %broadcast_in_dim3A : f32 to vector<16xf32>
    %iota3A = tpu.iota {dimensions = array<i32: 0>} : vector<16xi32>
    %ge3A = arith.constant 8 : i32
    %ge3A_4 = vector.broadcast %ge3A : i32 to vector<16xi32>
    %ge3A_5 = arith.cmpi sge, %iota3A, %ge3A_4 : vector<16xi32>
    %scan3A = arith.constant 0 : i32
    %scan3A_6 = arith.constant 0 : i32
    %scan3A_7 = arith.constant 5 : i32
    %scan3A_8 = arith.addi %scan3A_6, %scan3A_7 : i32
    %scan3A_9 = arith.constant 1 : i32
    scf.for %scan3A_12 = %scan3A_6 to %scan3A_8 step %scan3A_9  : i32 {
      "tpu.region"() ({
        %run_scoped3A = tpu.sem_alloc : memref<!tpu.dma_semaphore, #tpu.memory_space<semaphore_mem>>
        %dma_start3A = arith.constant 0 : i32
        %dma_start3A_19 = arith.constant 0 : i32
        %dma_start3A_20 = tpu.memref_slice %arg3[%add3A, %scan3A_12, %dma_start3A, %dma_start3A_19] : memref<32x5x100x40xi32, #tpu.memory_space<hbm>> -> memref<1x1x100x40xi32, #tpu.memory_space<hbm>>
        %dma_start3A_21 = tpu.memref_squeeze %dma_start3A_20 : memref<1x1x100x40xi32, #tpu.memory_space<hbm>> -> memref<100x40xi32, #tpu.memory_space<hbm>>
        %dma_start3A_22 = arith.constant 0 : i32
        %dma_start3A_23 = arith.constant 0 : i32
        %dma_start3A_24 = tpu.memref_slice %arg3[%add3A, %scan3A_12, %dma_start3A_22, %dma_start3A_23] : memref<32x5x100x40xi32, #tpu.memory_space<hbm>> -> memref<1x1x100x40xi32, #tpu.memory_space<hbm>>
        %dma_start3A_25 = tpu.memref_squeeze %dma_start3A_24 : memref<1x1x100x40xi32, #tpu.memory_space<hbm>> -> memref<100x40xi32, #tpu.memory_space<hbm>>
        tpu.enqueue_dma source(%dma_start3A_25 : memref<100x40xi32, #tpu.memory_space<hbm>>) target(%arg9 : memref<100x40xi32, #tpu.memory_space<vmem>>) target_semaphore(%run_scoped3A : memref<!tpu.dma_semaphore, #tpu.memory_space<semaphore_mem>>)
        %dma_wait3A = arith.constant 0 : i32
        %dma_wait3A_26 = arith.constant 0 : i32
        %dma_wait3A_27 = tpu.memref_slice %arg3[%add3A, %scan3A_12, %dma_wait3A, %dma_wait3A_26] : memref<32x5x100x40xi32, #tpu.memory_space<hbm>> -> memref<1x1x100x40xi32, #tpu.memory_space<hbm>>
        %dma_wait3A_28 = tpu.memref_squeeze %dma_wait3A_27 : memref<1x1x100x40xi32, #tpu.memory_space<hbm>> -> memref<100x40xi32, #tpu.memory_space<hbm>>
        %dma_wait3A_29 = arith.constant 0 : i32
        %dma_wait3A_30 = arith.constant 0 : i32
        %dma_wait3A_31 = tpu.memref_slice %arg3[%add3A, %scan3A_12, %dma_wait3A_29, %dma_wait3A_30] : memref<32x5x100x40xi32, #tpu.memory_space<hbm>> -> memref<1x1x100x40xi32, #tpu.memory_space<hbm>>
        %dma_wait3A_32 = tpu.memref_squeeze %dma_wait3A_31 : memref<1x1x100x40xi32, #tpu.memory_space<hbm>> -> memref<100x40xi32, #tpu.memory_space<hbm>>
        tpu.wait_dma2 semaphore(%run_scoped3A : memref<!tpu.dma_semaphore, #tpu.memory_space<semaphore_mem>>) src(%dma_wait3A_32 : memref<100x40xi32, #tpu.memory_space<hbm>>) dst(%arg9 : memref<100x40xi32, #tpu.memory_space<vmem>>)
        tpu.yield
      }) : () -> ()
      %scan3A_13 = arith.constant 0 : i32
      %scan3A_14 = arith.constant 0 : i32
      %scan3A_15 = arith.constant 25 : i32
      %scan3A_16 = arith.addi %scan3A_14, %scan3A_15 : i32
      %scan3A_17 = arith.constant 1 : i32
      scf.for %scan3A_19 = %scan3A_14 to %scan3A_16 step %scan3A_17  : i32 {
        %mul3A_20 = arith.constant 2 : i32
        %mul3A_21 = arith.muli %mul3A_20, %scan3A_19 : i32
        %add3A_22 = arith.constant 1 : i32
        %add3A_23 = arith.addi %mul3A_21, %add3A_22 : i32
        %dma_start3A = arith.constant 0 : i32
        %dma_start3A_24 = tpu.memref_slice %arg9[%mul3A_21, %dma_start3A] : memref<100x40xi32, #tpu.memory_space<vmem>> -> memref<1x40xi32, #tpu.memory_space<vmem>>
        %dma_start3A_25 = tpu.memref_squeeze %dma_start3A_24 : memref<1x40xi32, #tpu.memory_space<vmem>> -> memref<40xi32, #tpu.memory_space<vmem>>
        %dma_start3A_26 = arith.constant 0 : i32
        %dma_start3A_27 = arith.constant 0 : i32
        %dma_start3A_28 = tpu.memref_slice %arg2[%dma_start3A_26, %dma_start3A_27] : memref<10000x128xf32, #tpu.memory_space<hbm>> -> memref<10000x128xf32, #tpu.memory_space<hbm>>
        tpu.enqueue_indirect_dma source(%dma_start3A_28 : memref<10000x128xf32, #tpu.memory_space<hbm>>) target(%arg10 : memref<40x128xf32, #tpu.memory_space<vmem>>) offsets(%dma_start3A_25 : memref<40xi32, #tpu.memory_space<vmem>>) semaphore(%arg16 : memref<!tpu.dma_semaphore, #tpu.memory_space<semaphore_mem>>)
        %dma_start3A_29 = arith.constant 0 : i32
        %dma_start3A_30 = tpu.memref_slice %arg9[%add3A_23, %dma_start3A_29] : memref<100x40xi32, #tpu.memory_space<vmem>> -> memref<1x40xi32, #tpu.memory_space<vmem>>
        %dma_start3A_31 = tpu.memref_squeeze %dma_start3A_30 : memref<1x40xi32, #tpu.memory_space<vmem>> -> memref<40xi32, #tpu.memory_space<vmem>>
        %dma_start3A_32 = arith.constant 0 : i32
        %dma_start3A_33 = arith.constant 0 : i32
        %dma_start3A_34 = tpu.memref_slice %arg2[%dma_start3A_32, %dma_start3A_33] : memref<10000x128xf32, #tpu.memory_space<hbm>> -> memref<10000x128xf32, #tpu.memory_space<hbm>>
        tpu.enqueue_indirect_dma source(%dma_start3A_34 : memref<10000x128xf32, #tpu.memory_space<hbm>>) target(%arg11 : memref<40x128xf32, #tpu.memory_space<vmem>>) offsets(%dma_start3A_31 : memref<40xi32, #tpu.memory_space<vmem>>) semaphore(%arg17 : memref<!tpu.dma_semaphore, #tpu.memory_space<semaphore_mem>>)
        %mul3A_35 = arith.constant 50 : i32
        %mul3A_36 = arith.muli %scan3A_12, %mul3A_35 : i32
        %add3A_37 = arith.addi %mul3A_36, %mul3A_21 : i32
        "tpu.region"() ({
          %run_scoped3A = tpu.sem_alloc : memref<!tpu.dma_semaphore, #tpu.memory_space<semaphore_mem>>
          %dma_start3A_114 = arith.constant 0 : i32
          %dma_start3A_115 = arith.constant 0 : i32
          %dma_start3A_116 = tpu.memref_slice %arg4[%add3A, %add3A_37, %dma_start3A_114, %dma_start3A_115] : memref<32x250x40x16xf32, #tpu.memory_space<hbm>> -> memref<1x1x40x16xf32, #tpu.memory_space<hbm>>
          %dma_start3A_117 = tpu.memref_squeeze %dma_start3A_116 : memref<1x1x40x16xf32, #tpu.memory_space<hbm>> -> memref<40x16xf32, #tpu.memory_space<hbm>>
          %dma_start3A_118 = arith.constant 0 : i32
          %dma_start3A_119 = arith.constant 0 : i32
          %dma_start3A_120 = tpu.memref_slice %arg4[%add3A, %add3A_37, %dma_start3A_118, %dma_start3A_119] : memref<32x250x40x16xf32, #tpu.memory_space<hbm>> -> memref<1x1x40x16xf32, #tpu.memory_space<hbm>>
          %dma_start3A_121 = tpu.memref_squeeze %dma_start3A_120 : memref<1x1x40x16xf32, #tpu.memory_space<hbm>> -> memref<40x16xf32, #tpu.memory_space<hbm>>
          tpu.enqueue_dma source(%dma_start3A_121 : memref<40x16xf32, #tpu.memory_space<hbm>>) target(%arg12 : memref<40x16xf32, #tpu.memory_space<vmem>>) target_semaphore(%run_scoped3A : memref<!tpu.dma_semaphore, #tpu.memory_space<semaphore_mem>>)
          %dma_wait3A_122 = arith.constant 0 : i32
          %dma_wait3A_123 = arith.constant 0 : i32
          %dma_wait3A_124 = tpu.memref_slice %arg4[%add3A, %add3A_37, %dma_wait3A_122, %dma_wait3A_123] : memref<32x250x40x16xf32, #tpu.memory_space<hbm>> -> memref<1x1x40x16xf32, #tpu.memory_space<hbm>>
          %dma_wait3A_125 = tpu.memref_squeeze %dma_wait3A_124 : memref<1x1x40x16xf32, #tpu.memory_space<hbm>> -> memref<40x16xf32, #tpu.memory_space<hbm>>
          %dma_wait3A_126 = arith.constant 0 : i32
          %dma_wait3A_127 = arith.constant 0 : i32
          %dma_wait3A_128 = tpu.memref_slice %arg4[%add3A, %add3A_37, %dma_wait3A_126, %dma_wait3A_127] : memref<32x250x40x16xf32, #tpu.memory_space<hbm>> -> memref<1x1x40x16xf32, #tpu.memory_space<hbm>>
          %dma_wait3A_129 = tpu.memref_squeeze %dma_wait3A_128 : memref<1x1x40x16xf32, #tpu.memory_space<hbm>> -> memref<40x16xf32, #tpu.memory_space<hbm>>
          tpu.wait_dma2 semaphore(%run_scoped3A : memref<!tpu.dma_semaphore, #tpu.memory_space<semaphore_mem>>) src(%dma_wait3A_129 : memref<40x16xf32, #tpu.memory_space<hbm>>) dst(%arg12 : memref<40x16xf32, #tpu.memory_space<vmem>>)
          tpu.yield
        }) : () -> ()
        %mul3A_38 = arith.constant 50 : i32
        %mul3A_39 = arith.muli %scan3A_12, %mul3A_38 : i32
        %add3A_40 = arith.addi %mul3A_39, %add3A_23 : i32
        "tpu.region"() ({
          %run_scoped3A = tpu.sem_alloc : memref<!tpu.dma_semaphore, #tpu.memory_space<semaphore_mem>>
          %dma_start3A_114 = arith.constant 0 : i32
          %dma_start3A_115 = arith.constant 0 : i32
          %dma_start3A_116 = tpu.memref_slice %arg4[%add3A, %add3A_40, %dma_start3A_114, %dma_start3A_115] : memref<32x250x40x16xf32, #tpu.memory_space<hbm>> -> memref<1x1x40x16xf32, #tpu.memory_space<hbm>>
          %dma_start3A_117 = tpu.memref_squeeze %dma_start3A_116 : memref<1x1x40x16xf32, #tpu.memory_space<hbm>> -> memref<40x16xf32, #tpu.memory_space<hbm>>
          %dma_start3A_118 = arith.constant 0 : i32
          %dma_start3A_119 = arith.constant 0 : i32
          %dma_start3A_120 = tpu.memref_slice %arg4[%add3A, %add3A_40, %dma_start3A_118, %dma_start3A_119] : memref<32x250x40x16xf32, #tpu.memory_space<hbm>> -> memref<1x1x40x16xf32, #tpu.memory_space<hbm>>
          %dma_start3A_121 = tpu.memref_squeeze %dma_start3A_120 : memref<1x1x40x16xf32, #tpu.memory_space<hbm>> -> memref<40x16xf32, #tpu.memory_space<hbm>>
          tpu.enqueue_dma source(%dma_start3A_121 : memref<40x16xf32, #tpu.memory_space<hbm>>) target(%arg13 : memref<40x16xf32, #tpu.memory_space<vmem>>) target_semaphore(%run_scoped3A : memref<!tpu.dma_semaphore, #tpu.memory_space<semaphore_mem>>)
          %dma_wait3A_122 = arith.constant 0 : i32
          %dma_wait3A_123 = arith.constant 0 : i32
          %dma_wait3A_124 = tpu.memref_slice %arg4[%add3A, %add3A_40, %dma_wait3A_122, %dma_wait3A_123] : memref<32x250x40x16xf32, #tpu.memory_space<hbm>> -> memref<1x1x40x16xf32, #tpu.memory_space<hbm>>
          %dma_wait3A_125 = tpu.memref_squeeze %dma_wait3A_124 : memref<1x1x40x16xf32, #tpu.memory_space<hbm>> -> memref<40x16xf32, #tpu.memory_space<hbm>>
          %dma_wait3A_126 = arith.constant 0 : i32
          %dma_wait3A_127 = arith.constant 0 : i32
          %dma_wait3A_128 = tpu.memref_slice %arg4[%add3A, %add3A_40, %dma_wait3A_126, %dma_wait3A_127] : memref<32x250x40x16xf32, #tpu.memory_space<hbm>> -> memref<1x1x40x16xf32, #tpu.memory_space<hbm>>
          %dma_wait3A_129 = tpu.memref_squeeze %dma_wait3A_128 : memref<1x1x40x16xf32, #tpu.memory_space<hbm>> -> memref<40x16xf32, #tpu.memory_space<hbm>>
          tpu.wait_dma2 semaphore(%run_scoped3A : memref<!tpu.dma_semaphore, #tpu.memory_space<semaphore_mem>>) src(%dma_wait3A_129 : memref<40x16xf32, #tpu.memory_space<hbm>>) dst(%arg13 : memref<40x16xf32, #tpu.memory_space<vmem>>)
          tpu.yield
        }) : () -> ()
        %dma_wait3A = arith.constant 0 : i32
        %dma_wait3A_41 = tpu.memref_slice %arg9[%mul3A_21, %dma_wait3A] : memref<100x40xi32, #tpu.memory_space<vmem>> -> memref<1x40xi32, #tpu.memory_space<vmem>>
        %dma_wait3A_42 = tpu.memref_squeeze %dma_wait3A_41 : memref<1x40xi32, #tpu.memory_space<vmem>> -> memref<40xi32, #tpu.memory_space<vmem>>
        %dma_wait3A_43 = arith.constant 0 : i32
        %dma_wait3A_44 = arith.constant 0 : i32
        %dma_wait3A_45 = tpu.memref_slice %arg2[%dma_wait3A_43, %dma_wait3A_44] : memref<10000x128xf32, #tpu.memory_space<hbm>> -> memref<10000x128xf32, #tpu.memory_space<hbm>>
        tpu.wait_indirect_dma semaphore(%arg16 : memref<!tpu.dma_semaphore, #tpu.memory_space<semaphore_mem>>) src(%dma_wait3A_45 : memref<10000x128xf32, #tpu.memory_space<hbm>>) dst(%arg10 : memref<40x128xf32, #tpu.memory_space<vmem>>)
        %parallel_loop3A = arith.constant 0 : i32
        %parallel_loop3A_46 = arith.constant 40 : i32
        %parallel_loop3A_47 = arith.constant 1 : i32
        scf.for %parallel_loop3A_114 = %parallel_loop3A to %parallel_loop3A_46 step %parallel_loop3A_47  : i32 {
          %parallel_loop3A_115 = arith.index_cast %parallel_loop3A_114 : i32 to index
          %parallel_loop3A_116 = arith.constant 0 : index
          %parallel_loop3A_117 = tpu.vector_load %arg12[%parallel_loop3A_115, %parallel_loop3A_116] {strides = array<i32>} : memref<40x16xf32, #tpu.memory_space<vmem>>, vector<16xf32>,
          %parallel_loop3A_118 = arith.index_cast %parallel_loop3A_114 : i32 to index
          %parallel_loop3A_119 = arith.constant 0 : index
          %parallel_loop3A_120 = tpu.vector_load %arg10[%parallel_loop3A_118, %parallel_loop3A_119] {strides = array<i32>} : memref<40x128xf32, #tpu.memory_space<vmem>>, vector<16xf32>,
          %parallel_loop3A_121 = arith.mulf %parallel_loop3A_120, %parallel_loop3A_117 : vector<16xf32>
          %parallel_loop3A_122 = arith.index_cast %parallel_loop3A_114 : i32 to index
          %parallel_loop3A_123 = arith.constant 0 : index
          %parallel_loop3A_124 = tpu.vector_load %arg10[%parallel_loop3A_122, %parallel_loop3A_123] {strides = array<i32>} : memref<40x128xf32, #tpu.memory_space<vmem>>, vector<16xf32>,
          tpu.vector_store %arg10[%parallel_loop3A_122, %parallel_loop3A_123], %parallel_loop3A_121 {strides = array<i32>} : memref<40x128xf32, #tpu.memory_space<vmem>>, vector<16xf32>,
          %parallel_loop3A_125 = arith.index_cast %parallel_loop3A_114 : i32 to index
          %parallel_loop3A_126 = arith.constant 16 : index
          %parallel_loop3A_127 = tpu.vector_load %arg10[%parallel_loop3A_125, %parallel_loop3A_126] {strides = array<i32>} : memref<40x128xf32, #tpu.memory_space<vmem>>, vector<16xf32>,
          %parallel_loop3A_128 = arith.mulf %parallel_loop3A_127, %parallel_loop3A_117 : vector<16xf32>
          %parallel_loop3A_129 = arith.index_cast %parallel_loop3A_114 : i32 to index
          %parallel_loop3A_130 = arith.constant 16 : index
          %parallel_loop3A_131 = tpu.vector_load %arg10[%parallel_loop3A_129, %parallel_loop3A_130] {strides = array<i32>} : memref<40x128xf32, #tpu.memory_space<vmem>>, vector<16xf32>,
          tpu.vector_store %arg10[%parallel_loop3A_129, %parallel_loop3A_130], %parallel_loop3A_128 {strides = array<i32>} : memref<40x128xf32, #tpu.memory_space<vmem>>, vector<16xf32>,
          %parallel_loop3A_132 = arith.index_cast %parallel_loop3A_114 : i32 to index
          %parallel_loop3A_133 = arith.constant 32 : index
          %parallel_loop3A_134 = tpu.vector_load %arg10[%parallel_loop3A_132, %parallel_loop3A_133] {strides = array<i32>} : memref<40x128xf32, #tpu.memory_space<vmem>>, vector<16xf32>,
          %parallel_loop3A_135 = arith.mulf %parallel_loop3A_134, %parallel_loop3A_117 : vector<16xf32>
          %parallel_loop3A_136 = arith.index_cast %parallel_loop3A_114 : i32 to index
          %parallel_loop3A_137 = arith.constant 32 : index
          %parallel_loop3A_138 = tpu.vector_load %arg10[%parallel_loop3A_136, %parallel_loop3A_137] {strides = array<i32>} : memref<40x128xf32, #tpu.memory_space<vmem>>, vector<16xf32>,
          tpu.vector_store %arg10[%parallel_loop3A_136, %parallel_loop3A_137], %parallel_loop3A_135 {strides = array<i32>} : memref<40x128xf32, #tpu.memory_space<vmem>>, vector<16xf32>,
          %parallel_loop3A_139 = arith.index_cast %parallel_loop3A_114 : i32 to index
          %parallel_loop3A_140 = arith.constant 48 : index
          %parallel_loop3A_141 = tpu.vector_load %arg10[%parallel_loop3A_139, %parallel_loop3A_140] {strides = array<i32>} : memref<40x128xf32, #tpu.memory_space<vmem>>, vector<16xf32>,
          %parallel_loop3A_142 = arith.mulf %parallel_loop3A_141, %parallel_loop3A_117 : vector<16xf32>
          %parallel_loop3A_143 = arith.index_cast %parallel_loop3A_114 : i32 to index
          %parallel_loop3A_144 = arith.constant 48 : index
          %parallel_loop3A_145 = tpu.vector_load %arg10[%parallel_loop3A_143, %parallel_loop3A_144] {strides = array<i32>} : memref<40x128xf32, #tpu.memory_space<vmem>>, vector<16xf32>,
          tpu.vector_store %arg10[%parallel_loop3A_143, %parallel_loop3A_144], %parallel_loop3A_142 {strides = array<i32>} : memref<40x128xf32, #tpu.memory_space<vmem>>, vector<16xf32>,
          %parallel_loop3A_146 = arith.index_cast %parallel_loop3A_114 : i32 to index
          %parallel_loop3A_147 = arith.constant 64 : index
          %parallel_loop3A_148 = tpu.vector_load %arg10[%parallel_loop3A_146, %parallel_loop3A_147] {strides = array<i32>} : memref<40x128xf32, #tpu.memory_space<vmem>>, vector<16xf32>,
          %parallel_loop3A_149 = arith.mulf %parallel_loop3A_148, %parallel_loop3A_117 : vector<16xf32>
          %parallel_loop3A_150 = arith.index_cast %parallel_loop3A_114 : i32 to index
          %parallel_loop3A_151 = arith.constant 64 : index
          %parallel_loop3A_152 = tpu.vector_load %arg10[%parallel_loop3A_150, %parallel_loop3A_151] {strides = array<i32>} : memref<40x128xf32, #tpu.memory_space<vmem>>, vector<16xf32>,
          tpu.vector_store %arg10[%parallel_loop3A_150, %parallel_loop3A_151], %parallel_loop3A_149 {strides = array<i32>} : memref<40x128xf32, #tpu.memory_space<vmem>>, vector<16xf32>,
          %parallel_loop3A_153 = arith.index_cast %parallel_loop3A_114 : i32 to index
          %parallel_loop3A_154 = arith.constant 80 : index
          %parallel_loop3A_155 = tpu.vector_load %arg10[%parallel_loop3A_153, %parallel_loop3A_154] {strides = array<i32>} : memref<40x128xf32, #tpu.memory_space<vmem>>, vector<16xf32>,
          %parallel_loop3A_156 = arith.mulf %parallel_loop3A_155, %parallel_loop3A_117 : vector<16xf32>
          %parallel_loop3A_157 = arith.index_cast %parallel_loop3A_114 : i32 to index
          %parallel_loop3A_158 = arith.constant 80 : index
          %parallel_loop3A_159 = tpu.vector_load %arg10[%parallel_loop3A_157, %parallel_loop3A_158] {strides = array<i32>} : memref<40x128xf32, #tpu.memory_space<vmem>>, vector<16xf32>,
          tpu.vector_store %arg10[%parallel_loop3A_157, %parallel_loop3A_158], %parallel_loop3A_156 {strides = array<i32>} : memref<40x128xf32, #tpu.memory_space<vmem>>, vector<16xf32>,
          %parallel_loop3A_160 = arith.index_cast %parallel_loop3A_114 : i32 to index
          %parallel_loop3A_161 = arith.constant 96 : index
          %parallel_loop3A_162 = tpu.vector_load %arg10[%parallel_loop3A_160, %parallel_loop3A_161] {strides = array<i32>} : memref<40x128xf32, #tpu.memory_space<vmem>>, vector<16xf32>,
          %parallel_loop3A_163 = arith.mulf %parallel_loop3A_162, %parallel_loop3A_117 : vector<16xf32>
          %parallel_loop3A_164 = arith.index_cast %parallel_loop3A_114 : i32 to index
          %parallel_loop3A_165 = arith.constant 96 : index
          %parallel_loop3A_166 = tpu.vector_load %arg10[%parallel_loop3A_164, %parallel_loop3A_165] {strides = array<i32>} : memref<40x128xf32, #tpu.memory_space<vmem>>, vector<16xf32>,
          tpu.vector_store %arg10[%parallel_loop3A_164, %parallel_loop3A_165], %parallel_loop3A_163 {strides = array<i32>} : memref<40x128xf32, #tpu.memory_space<vmem>>, vector<16xf32>,
          %parallel_loop3A_167 = arith.index_cast %parallel_loop3A_114 : i32 to index
          %parallel_loop3A_168 = arith.constant 112 : index
          %parallel_loop3A_169 = tpu.vector_load %arg10[%parallel_loop3A_167, %parallel_loop3A_168] {strides = array<i32>} : memref<40x128xf32, #tpu.memory_space<vmem>>, vector<16xf32>,
          %parallel_loop3A_170 = arith.mulf %parallel_loop3A_169, %parallel_loop3A_117 : vector<16xf32>
          %parallel_loop3A_171 = arith.index_cast %parallel_loop3A_114 : i32 to index
          %parallel_loop3A_172 = arith.constant 112 : index
          %parallel_loop3A_173 = tpu.vector_load %arg10[%parallel_loop3A_171, %parallel_loop3A_172] {strides = array<i32>} : memref<40x128xf32, #tpu.memory_space<vmem>>, vector<16xf32>,
          tpu.vector_store %arg10[%parallel_loop3A_171, %parallel_loop3A_172], %parallel_loop3A_170 {strides = array<i32>} : memref<40x128xf32, #tpu.memory_space<vmem>>, vector<16xf32>,
        } {sc.loop_unroll_factor = 8 : i64, sc.parallel_access}
        %add3A_48 = arith.constant 50 : i32
        %add3A_49 = arith.addi %add3A_48, %mul3A_21 : i32
        %dma_start3A_50 = arith.constant 0 : i32
        %dma_start3A_51 = tpu.memref_slice %arg9[%add3A_49, %dma_start3A_50] : memref<100x40xi32, #tpu.memory_space<vmem>> -> memref<1x40xi32, #tpu.memory_space<vmem>>
        %dma_start3A_52 = tpu.memref_squeeze %dma_start3A_51 : memref<1x40xi32, #tpu.memory_space<vmem>> -> memref<40xi32, #tpu.memory_space<vmem>>
        %dma_start3A_53 = arith.constant 0 : i32
        %dma_start3A_54 = arith.constant 0 : i32
        %dma_start3A_55 = tpu.memref_slice %arg15[%dma_start3A_53, %dma_start3A_54] : memref<10240x128xf32, #tpu.memory_space<vmem_shared>> -> memref<10240x128xf32, #tpu.memory_space<vmem_shared>>
        tpu.enqueue_indirect_dma source(%arg10 : memref<40x128xf32, #tpu.memory_space<vmem>>) target(%dma_start3A_55 : memref<10240x128xf32, #tpu.memory_space<vmem_shared>>) offsets(%dma_start3A_52 : memref<40xi32, #tpu.memory_space<vmem>>) semaphore(%arg18 : memref<!tpu.dma_semaphore, #tpu.memory_space<semaphore_mem>>) {add = true}
        %add3A_56 = arith.constant 50 : i32
        %add3A_57 = arith.addi %add3A_56, %mul3A_21 : i32
        %get3A = arith.index_cast %add3A_57 : i32 to index
        %get3A_58 = arith.constant 0 : index
        %get3A_59 = tpu.vector_load %arg9[%get3A, %get3A_58] {strides = array<i32>} : memref<100x40xi32, #tpu.memory_space<vmem>>, vector<16xi32>,
        tpu.vector_store_idx %arg14[%get3A_59], %broadcast_in_dim3A_3 {add = true} : memref<10240xf32, #tpu.memory_space<vmem>>[vector<16xi32>], vector<16xf32>,
        %add3A_60 = arith.constant 50 : i32
        %add3A_61 = arith.addi %add3A_60, %mul3A_21 : i32
        %get3A_62 = arith.index_cast %add3A_61 : i32 to index
        %get3A_63 = arith.constant 16 : index
        %get3A_64 = tpu.vector_load %arg9[%get3A_62, %get3A_63] {strides = array<i32>} : memref<100x40xi32, #tpu.memory_space<vmem>>, vector<16xi32>,
        tpu.vector_store_idx %arg14[%get3A_64], %broadcast_in_dim3A_3 {add = true} : memref<10240xf32, #tpu.memory_space<vmem>>[vector<16xi32>], vector<16xf32>,
        %add3A_65 = arith.constant 50 : i32
        %add3A_66 = arith.addi %add3A_65, %mul3A_21 : i32
        %get3A_67 = arith.index_cast %add3A_66 : i32 to index
        %get3A_68 = arith.constant 24 : index
        %get3A_69 = tpu.vector_load %arg9[%get3A_67, %get3A_68] {strides = array<i32>} : memref<100x40xi32, #tpu.memory_space<vmem>>, vector<16xi32>,
        tpu.vector_store_idx %arg14[%get3A_69], %broadcast_in_dim3A_3 masked %ge3A_5 {add = true} : memref<10240xf32, #tpu.memory_space<vmem>>[vector<16xi32>], vector<16xf32>, vector<16xi1>
        %dma_wait3A_70 = arith.constant 0 : i32
        %dma_wait3A_71 = tpu.memref_slice %arg9[%add3A_23, %dma_wait3A_70] : memref<100x40xi32, #tpu.memory_space<vmem>> -> memref<1x40xi32, #tpu.memory_space<vmem>>
        %dma_wait3A_72 = tpu.memref_squeeze %dma_wait3A_71 : memref<1x40xi32, #tpu.memory_space<vmem>> -> memref<40xi32, #tpu.memory_space<vmem>>
        %dma_wait3A_73 = arith.constant 0 : i32
        %dma_wait3A_74 = arith.constant 0 : i32
        %dma_wait3A_75 = tpu.memref_slice %arg2[%dma_wait3A_73, %dma_wait3A_74] : memref<10000x128xf32, #tpu.memory_space<hbm>> -> memref<10000x128xf32, #tpu.memory_space<hbm>>
        tpu.wait_indirect_dma semaphore(%arg17 : memref<!tpu.dma_semaphore, #tpu.memory_space<semaphore_mem>>) src(%dma_wait3A_75 : memref<10000x128xf32, #tpu.memory_space<hbm>>) dst(%arg11 : memref<40x128xf32, #tpu.memory_space<vmem>>)
        %parallel_loop3A_76 = arith.constant 0 : i32
        %parallel_loop3A_77 = arith.constant 40 : i32
        %parallel_loop3A_78 = arith.constant 1 : i32
        scf.for %parallel_loop3A_114 = %parallel_loop3A_76 to %parallel_loop3A_77 step %parallel_loop3A_78  : i32 {
          %parallel_loop3A_115 = arith.index_cast %parallel_loop3A_114 : i32 to index
          %parallel_loop3A_116 = arith.constant 0 : index
          %parallel_loop3A_117 = tpu.vector_load %arg13[%parallel_loop3A_115, %parallel_loop3A_116] {strides = array<i32>} : memref<40x16xf32, #tpu.memory_space<vmem>>, vector<16xf32>,
          %parallel_loop3A_118 = arith.index_cast %parallel_loop3A_114 : i32 to index
          %parallel_loop3A_119 = arith.constant 0 : index
          %parallel_loop3A_120 = tpu.vector_load %arg11[%parallel_loop3A_118, %parallel_loop3A_119] {strides = array<i32>} : memref<40x128xf32, #tpu.memory_space<vmem>>, vector<16xf32>,
          %parallel_loop3A_121 = arith.mulf %parallel_loop3A_120, %parallel_loop3A_117 : vector<16xf32>
          %parallel_loop3A_122 = arith.index_cast %parallel_loop3A_114 : i32 to index
          %parallel_loop3A_123 = arith.constant 0 : index
          %parallel_loop3A_124 = tpu.vector_load %arg11[%parallel_loop3A_122, %parallel_loop3A_123] {strides = array<i32>} : memref<40x128xf32, #tpu.memory_space<vmem>>, vector<16xf32>,
          tpu.vector_store %arg11[%parallel_loop3A_122, %parallel_loop3A_123], %parallel_loop3A_121 {strides = array<i32>} : memref<40x128xf32, #tpu.memory_space<vmem>>, vector<16xf32>,
          %parallel_loop3A_125 = arith.index_cast %parallel_loop3A_114 : i32 to index
          %parallel_loop3A_126 = arith.constant 16 : index
          %parallel_loop3A_127 = tpu.vector_load %arg11[%parallel_loop3A_125, %parallel_loop3A_126] {strides = array<i32>} : memref<40x128xf32, #tpu.memory_space<vmem>>, vector<16xf32>,
          %parallel_loop3A_128 = arith.mulf %parallel_loop3A_127, %parallel_loop3A_117 : vector<16xf32>
          %parallel_loop3A_129 = arith.index_cast %parallel_loop3A_114 : i32 to index
          %parallel_loop3A_130 = arith.constant 16 : index
          %parallel_loop3A_131 = tpu.vector_load %arg11[%parallel_loop3A_129, %parallel_loop3A_130] {strides = array<i32>} : memref<40x128xf32, #tpu.memory_space<vmem>>, vector<16xf32>,
          tpu.vector_store %arg11[%parallel_loop3A_129, %parallel_loop3A_130], %parallel_loop3A_128 {strides = array<i32>} : memref<40x128xf32, #tpu.memory_space<vmem>>, vector<16xf32>,
          %parallel_loop3A_132 = arith.index_cast %parallel_loop3A_114 : i32 to index
          %parallel_loop3A_133 = arith.constant 32 : index
          %parallel_loop3A_134 = tpu.vector_load %arg11[%parallel_loop3A_132, %parallel_loop3A_133] {strides = array<i32>} : memref<40x128xf32, #tpu.memory_space<vmem>>, vector<16xf32>,
          %parallel_loop3A_135 = arith.mulf %parallel_loop3A_134, %parallel_loop3A_117 : vector<16xf32>
          %parallel_loop3A_136 = arith.index_cast %parallel_loop3A_114 : i32 to index
          %parallel_loop3A_137 = arith.constant 32 : index
          %parallel_loop3A_138 = tpu.vector_load %arg11[%parallel_loop3A_136, %parallel_loop3A_137] {strides = array<i32>} : memref<40x128xf32, #tpu.memory_space<vmem>>, vector<16xf32>,
          tpu.vector_store %arg11[%parallel_loop3A_136, %parallel_loop3A_137], %parallel_loop3A_135 {strides = array<i32>} : memref<40x128xf32, #tpu.memory_space<vmem>>, vector<16xf32>,
          %parallel_loop3A_139 = arith.index_cast %parallel_loop3A_114 : i32 to index
          %parallel_loop3A_140 = arith.constant 48 : index
          %parallel_loop3A_141 = tpu.vector_load %arg11[%parallel_loop3A_139, %parallel_loop3A_140] {strides = array<i32>} : memref<40x128xf32, #tpu.memory_space<vmem>>, vector<16xf32>,
          %parallel_loop3A_142 = arith.mulf %parallel_loop3A_141, %parallel_loop3A_117 : vector<16xf32>
          %parallel_loop3A_143 = arith.index_cast %parallel_loop3A_114 : i32 to index
          %parallel_loop3A_144 = arith.constant 48 : index
          %parallel_loop3A_145 = tpu.vector_load %arg11[%parallel_loop3A_143, %parallel_loop3A_144] {strides = array<i32>} : memref<40x128xf32, #tpu.memory_space<vmem>>, vector<16xf32>,
          tpu.vector_store %arg11[%parallel_loop3A_143, %parallel_loop3A_144], %parallel_loop3A_142 {strides = array<i32>} : memref<40x128xf32, #tpu.memory_space<vmem>>, vector<16xf32>,
          %parallel_loop3A_146 = arith.index_cast %parallel_loop3A_114 : i32 to index
          %parallel_loop3A_147 = arith.constant 64 : index
          %parallel_loop3A_148 = tpu.vector_load %arg11[%parallel_loop3A_146, %parallel_loop3A_147] {strides = array<i32>} : memref<40x128xf32, #tpu.memory_space<vmem>>, vector<16xf32>,
          %parallel_loop3A_149 = arith.mulf %parallel_loop3A_148, %parallel_loop3A_117 : vector<16xf32>
          %parallel_loop3A_150 = arith.index_cast %parallel_loop3A_114 : i32 to index
          %parallel_loop3A_151 = arith.constant 64 : index
          %parallel_loop3A_152 = tpu.vector_load %arg11[%parallel_loop3A_150, %parallel_loop3A_151] {strides = array<i32>} : memref<40x128xf32, #tpu.memory_space<vmem>>, vector<16xf32>,
          tpu.vector_store %arg11[%parallel_loop3A_150, %parallel_loop3A_151], %parallel_loop3A_149 {strides = array<i32>} : memref<40x128xf32, #tpu.memory_space<vmem>>, vector<16xf32>,
          %parallel_loop3A_153 = arith.index_cast %parallel_loop3A_114 : i32 to index
          %parallel_loop3A_154 = arith.constant 80 : index
          %parallel_loop3A_155 = tpu.vector_load %arg11[%parallel_loop3A_153, %parallel_loop3A_154] {strides = array<i32>} : memref<40x128xf32, #tpu.memory_space<vmem>>, vector<16xf32>,
          %parallel_loop3A_156 = arith.mulf %parallel_loop3A_155, %parallel_loop3A_117 : vector<16xf32>
          %parallel_loop3A_157 = arith.index_cast %parallel_loop3A_114 : i32 to index
          %parallel_loop3A_158 = arith.constant 80 : index
          %parallel_loop3A_159 = tpu.vector_load %arg11[%parallel_loop3A_157, %parallel_loop3A_158] {strides = array<i32>} : memref<40x128xf32, #tpu.memory_space<vmem>>, vector<16xf32>,
          tpu.vector_store %arg11[%parallel_loop3A_157, %parallel_loop3A_158], %parallel_loop3A_156 {strides = array<i32>} : memref<40x128xf32, #tpu.memory_space<vmem>>, vector<16xf32>,
          %parallel_loop3A_160 = arith.index_cast %parallel_loop3A_114 : i32 to index
          %parallel_loop3A_161 = arith.constant 96 : index
          %parallel_loop3A_162 = tpu.vector_load %arg11[%parallel_loop3A_160, %parallel_loop3A_161] {strides = array<i32>} : memref<40x128xf32, #tpu.memory_space<vmem>>, vector<16xf32>,
          %parallel_loop3A_163 = arith.mulf %parallel_loop3A_162, %parallel_loop3A_117 : vector<16xf32>
          %parallel_loop3A_164 = arith.index_cast %parallel_loop3A_114 : i32 to index
          %parallel_loop3A_165 = arith.constant 96 : index
          %parallel_loop3A_166 = tpu.vector_load %arg11[%parallel_loop3A_164, %parallel_loop3A_165] {strides = array<i32>} : memref<40x128xf32, #tpu.memory_space<vmem>>, vector<16xf32>,
          tpu.vector_store %arg11[%parallel_loop3A_164, %parallel_loop3A_165], %parallel_loop3A_163 {strides = array<i32>} : memref<40x128xf32, #tpu.memory_space<vmem>>, vector<16xf32>,
          %parallel_loop3A_167 = arith.index_cast %parallel_loop3A_114 : i32 to index
          %parallel_loop3A_168 = arith.constant 112 : index
          %parallel_loop3A_169 = tpu.vector_load %arg11[%parallel_loop3A_167, %parallel_loop3A_168] {strides = array<i32>} : memref<40x128xf32, #tpu.memory_space<vmem>>, vector<16xf32>,
          %parallel_loop3A_170 = arith.mulf %parallel_loop3A_169, %parallel_loop3A_117 : vector<16xf32>
          %parallel_loop3A_171 = arith.index_cast %parallel_loop3A_114 : i32 to index
          %parallel_loop3A_172 = arith.constant 112 : index
          %parallel_loop3A_173 = tpu.vector_load %arg11[%parallel_loop3A_171, %parallel_loop3A_172] {strides = array<i32>} : memref<40x128xf32, #tpu.memory_space<vmem>>, vector<16xf32>,
          tpu.vector_store %arg11[%parallel_loop3A_171, %parallel_loop3A_172], %parallel_loop3A_170 {strides = array<i32>} : memref<40x128xf32, #tpu.memory_space<vmem>>, vector<16xf32>,
        } {sc.loop_unroll_factor = 8 : i64, sc.parallel_access}
        %add3A_79 = arith.constant 50 : i32
        %add3A_80 = arith.addi %add3A_79, %add3A_23 : i32
        %dma_start3A_81 = arith.constant 0 : i32
        %dma_start3A_82 = tpu.memref_slice %arg9[%add3A_80, %dma_start3A_81] : memref<100x40xi32, #tpu.memory_space<vmem>> -> memref<1x40xi32, #tpu.memory_space<vmem>>
        %dma_start3A_83 = tpu.memref_squeeze %dma_start3A_82 : memref<1x40xi32, #tpu.memory_space<vmem>> -> memref<40xi32, #tpu.memory_space<vmem>>
        %dma_start3A_84 = arith.constant 0 : i32
        %dma_start3A_85 = arith.constant 0 : i32
        %dma_start3A_86 = tpu.memref_slice %arg15[%dma_start3A_84, %dma_start3A_85] : memref<10240x128xf32, #tpu.memory_space<vmem_shared>> -> memref<10240x128xf32, #tpu.memory_space<vmem_shared>>
        tpu.enqueue_indirect_dma source(%arg11 : memref<40x128xf32, #tpu.memory_space<vmem>>) target(%dma_start3A_86 : memref<10240x128xf32, #tpu.memory_space<vmem_shared>>) offsets(%dma_start3A_83 : memref<40xi32, #tpu.memory_space<vmem>>) semaphore(%arg19 : memref<!tpu.dma_semaphore, #tpu.memory_space<semaphore_mem>>) {add = true}
        %add3A_87 = arith.constant 50 : i32
        %add3A_88 = arith.addi %add3A_87, %add3A_23 : i32
        %get3A_89 = arith.index_cast %add3A_88 : i32 to index
        %get3A_90 = arith.constant 0 : index
        %get3A_91 = tpu.vector_load %arg9[%get3A_89, %get3A_90] {strides = array<i32>} : memref<100x40xi32, #tpu.memory_space<vmem>>, vector<16xi32>,
        tpu.vector_store_idx %arg14[%get3A_91], %broadcast_in_dim3A_3 {add = true} : memref<10240xf32, #tpu.memory_space<vmem>>[vector<16xi32>], vector<16xf32>,
        %add3A_92 = arith.constant 50 : i32
        %add3A_93 = arith.addi %add3A_92, %add3A_23 : i32
        %get3A_94 = arith.index_cast %add3A_93 : i32 to index
        %get3A_95 = arith.constant 16 : index
        %get3A_96 = tpu.vector_load %arg9[%get3A_94, %get3A_95] {strides = array<i32>} : memref<100x40xi32, #tpu.memory_space<vmem>>, vector<16xi32>,
        tpu.vector_store_idx %arg14[%get3A_96], %broadcast_in_dim3A_3 {add = true} : memref<10240xf32, #tpu.memory_space<vmem>>[vector<16xi32>], vector<16xf32>,
        %add3A_97 = arith.constant 50 : i32
        %add3A_98 = arith.addi %add3A_97, %add3A_23 : i32
        %get3A_99 = arith.index_cast %add3A_98 : i32 to index
        %get3A_100 = arith.constant 24 : index
        %get3A_101 = tpu.vector_load %arg9[%get3A_99, %get3A_100] {strides = array<i32>} : memref<100x40xi32, #tpu.memory_space<vmem>>, vector<16xi32>,
        tpu.vector_store_idx %arg14[%get3A_101], %broadcast_in_dim3A_3 masked %ge3A_5 {add = true} : memref<10240xf32, #tpu.memory_space<vmem>>[vector<16xi32>], vector<16xf32>, vector<16xi1>
        %dma_wait3A_102 = arith.constant 0 : i32
        %dma_wait3A_103 = tpu.memref_slice %arg9[%add3A_49, %dma_wait3A_102] : memref<100x40xi32, #tpu.memory_space<vmem>> -> memref<1x40xi32, #tpu.memory_space<vmem>>
        %dma_wait3A_104 = tpu.memref_squeeze %dma_wait3A_103 : memref<1x40xi32, #tpu.memory_space<vmem>> -> memref<40xi32, #tpu.memory_space<vmem>>
        %dma_wait3A_105 = arith.constant 0 : i32
        %dma_wait3A_106 = arith.constant 0 : i32
        %dma_wait3A_107 = tpu.memref_slice %arg15[%dma_wait3A_105, %dma_wait3A_106] : memref<10240x128xf32, #tpu.memory_space<vmem_shared>> -> memref<10240x128xf32, #tpu.memory_space<vmem_shared>>
        tpu.wait_indirect_dma semaphore(%arg18 : memref<!tpu.dma_semaphore, #tpu.memory_space<semaphore_mem>>) src(%arg10 : memref<40x128xf32, #tpu.memory_space<vmem>>) dst(%dma_wait3A_107 : memref<10240x128xf32, #tpu.memory_space<vmem_shared>>)
        %dma_wait3A_108 = arith.constant 0 : i32
        %dma_wait3A_109 = tpu.memref_slice %arg9[%add3A_80, %dma_wait3A_108] : memref<100x40xi32, #tpu.memory_space<vmem>> -> memref<1x40xi32, #tpu.memory_space<vmem>>
        %dma_wait3A_110 = tpu.memref_squeeze %dma_wait3A_109 : memref<1x40xi32, #tpu.memory_space<vmem>> -> memref<40xi32, #tpu.memory_space<vmem>>
        %dma_wait3A_111 = arith.constant 0 : i32
        %dma_wait3A_112 = arith.constant 0 : i32
        %dma_wait3A_113 = tpu.memref_slice %arg15[%dma_wait3A_111, %dma_wait3A_112] : memref<10240x128xf32, #tpu.memory_space<vmem_shared>> -> memref<10240x128xf32, #tpu.memory_space<vmem_shared>>
        tpu.wait_indirect_dma semaphore(%arg19 : memref<!tpu.dma_semaphore, #tpu.memory_space<semaphore_mem>>) src(%arg11 : memref<40x128xf32, #tpu.memory_space<vmem>>) dst(%dma_wait3A_113 : memref<10240x128xf32, #tpu.memory_space<vmem_shared>>)
      }
      %scan3A_18 = arith.constant 25 : i32
    }
    %scan3A_10 = arith.constant 5 : i32
    %barrier3A_11 = arith.constant 0 : index
    tpu.barrier barrier_id(%barrier3A_11)
    "tpu.region"() ({
      %run_scoped3A = tpu.sem_alloc : memref<!tpu.dma_semaphore, #tpu.memory_space<semaphore_mem>>
      %dma_start3A = arith.constant 0 : i32
      %dma_start3A_12 = tpu.memref_slice %arg7[%arg0, %mul3A_2, %dma_start3A] : memref<2x10240x128xf32, #tpu.memory_space<hbm>> -> memref<1x640x128xf32, #tpu.memory_space<hbm>>
      %dma_start3A_13 = tpu.memref_squeeze %dma_start3A_12 : memref<1x640x128xf32, #tpu.memory_space<hbm>> -> memref<640x128xf32, #tpu.memory_space<hbm>>
      %dma_start3A_14 = arith.constant 0 : i32
      %dma_start3A_15 = tpu.memref_slice %arg15[%mul3A_2, %dma_start3A_14] : memref<10240x128xf32, #tpu.memory_space<vmem_shared>> -> memref<640x128xf32, #tpu.memory_space<vmem_shared>>
      tpu.enqueue_dma source(%dma_start3A_15 : memref<640x128xf32, #tpu.memory_space<vmem_shared>>) target(%dma_start3A_13 : memref<640x128xf32, #tpu.memory_space<hbm>>) target_semaphore(%run_scoped3A : memref<!tpu.dma_semaphore, #tpu.memory_space<semaphore_mem>>)
      %dma_wait3A = arith.constant 0 : i32
      %dma_wait3A_16 = tpu.memref_slice %arg7[%arg0, %mul3A_2, %dma_wait3A] : memref<2x10240x128xf32, #tpu.memory_space<hbm>> -> memref<1x640x128xf32, #tpu.memory_space<hbm>>
      %dma_wait3A_17 = tpu.memref_squeeze %dma_wait3A_16 : memref<1x640x128xf32, #tpu.memory_space<hbm>> -> memref<640x128xf32, #tpu.memory_space<hbm>>
      %dma_wait3A_18 = arith.constant 0 : i32
      %dma_wait3A_19 = tpu.memref_slice %arg15[%mul3A_2, %dma_wait3A_18] : memref<10240x128xf32, #tpu.memory_space<vmem_shared>> -> memref<640x128xf32, #tpu.memory_space<vmem_shared>>
      tpu.wait_dma2 semaphore(%run_scoped3A : memref<!tpu.dma_semaphore, #tpu.memory_space<semaphore_mem>>) src(%dma_wait3A_19 : memref<640x128xf32, #tpu.memory_space<vmem_shared>>) dst(%dma_wait3A_17 : memref<640x128xf32, #tpu.memory_space<hbm>>)
      tpu.yield
    }) : () -> ()
    "tpu.region"() ({
      %run_scoped3A = tpu.sem_alloc : memref<!tpu.dma_semaphore, #tpu.memory_space<semaphore_mem>>
      %dma_start3A = arith.constant 0 : i32
      %dma_start3A_12 = tpu.memref_slice %arg8[%add3A, %dma_start3A] : memref<32x10240xf32, #tpu.memory_space<hbm>> -> memref<1x10240xf32, #tpu.memory_space<hbm>>
      %dma_start3A_13 = tpu.memref_squeeze %dma_start3A_12 : memref<1x10240xf32, #tpu.memory_space<hbm>> -> memref<10240xf32, #tpu.memory_space<hbm>>
      %dma_start3A_14 = arith.constant 0 : i32
      %dma_start3A_15 = tpu.memref_slice %arg8[%add3A, %dma_start3A_14] : memref<32x10240xf32, #tpu.memory_space<hbm>> -> memref<1x10240xf32, #tpu.memory_space<hbm>>
      %dma_start3A_16 = tpu.memref_squeeze %dma_start3A_15 : memref<1x10240xf32, #tpu.memory_space<hbm>> -> memref<10240xf32, #tpu.memory_space<hbm>>
      tpu.enqueue_dma source(%arg14 : memref<10240xf32, #tpu.memory_space<vmem>>) target(%dma_start3A_16 : memref<10240xf32, #tpu.memory_space<hbm>>) target_semaphore(%run_scoped3A : memref<!tpu.dma_semaphore, #tpu.memory_space<semaphore_mem>>)
      %dma_wait3A = arith.constant 0 : i32
      %dma_wait3A_17 = tpu.memref_slice %arg8[%add3A, %dma_wait3A] : memref<32x10240xf32, #tpu.memory_space<hbm>> -> memref<1x10240xf32, #tpu.memory_space<hbm>>
      %dma_wait3A_18 = tpu.memref_squeeze %dma_wait3A_17 : memref<1x10240xf32, #tpu.memory_space<hbm>> -> memref<10240xf32, #tpu.memory_space<hbm>>
      %dma_wait3A_19 = arith.constant 0 : i32
      %dma_wait3A_20 = tpu.memref_slice %arg8[%add3A, %dma_wait3A_19] : memref<32x10240xf32, #tpu.memory_space<hbm>> -> memref<1x10240xf32, #tpu.memory_space<hbm>>
      %dma_wait3A_21 = tpu.memref_squeeze %dma_wait3A_20 : memref<1x10240xf32, #tpu.memory_space<hbm>> -> memref<10240xf32, #tpu.memory_space<hbm>>
      tpu.wait_dma2 semaphore(%run_scoped3A : memref<!tpu.dma_semaphore, #tpu.memory_space<semaphore_mem>>) src(%arg14 : memref<10240xf32, #tpu.memory_space<vmem>>) dst(%dma_wait3A_21 : memref<10240xf32, #tpu.memory_space<hbm>>)
      tpu.yield
    }) : () -> ()
    return
  }
}

module attributes {stable_mosaic.version = 14 : i64} {
  func.func @_cnt_reduce_body(%arg0: i32, %arg1: memref<32x10240xf32, #tpu.memory_space<vmem>>, %arg2: memref<10240x1xf32, #tpu.memory_space<vmem>>) attributes {dimension_semantics = [#tpu.dimension_semantics<arbitrary>], iteration_bounds = array<i64: 1>, scalar_prefetch = 0 : i64, scratch_operands = 0 : i64, tpu.core_type = #tpu.core_type<tc>, window_params = [{pipeline_mode = #tpu.pipeline_mode<synchronous>, transform_indices = @transform_0, window_bounds = array<i64: 32, 10240>}, {pipeline_mode = #tpu.pipeline_mode<synchronous>, transform_indices = @transform_1, window_bounds = array<i64: 10240, 1>}]} {
    %get3A = arith.constant 0 : index
    %get3A_0 = arith.constant 0 : index
    %get3A_1 = vector.load %arg1[%get3A, %get3A_0] : memref<32x10240xf32, #tpu.memory_space<vmem>>, vector<32x10240xf32>
    %reduce_sum3A = arith.constant dense<0.000000e+00> : vector<10240xf32>
    %reduce_sum3A_2 = vector.multi_reduction <add>, %get3A_1, %reduce_sum3A [0] : vector<32x10240xf32> to vector<10240xf32>
    %reshape3A = vector.shape_cast %reduce_sum3A_2 : vector<10240xf32> to vector<10240x1xf32>
    %swap3A = arith.constant 0 : index
    %swap3A_3 = arith.constant 0 : index
    %swap3A_4 = vector.load %arg2[%swap3A, %swap3A_3] : memref<10240x1xf32, #tpu.memory_space<vmem>>, vector<10240x1xf32>
    tpu.vector_store %arg2[%swap3A, %swap3A_3], %reshape3A {strides = array<i32>} : memref<10240x1xf32, #tpu.memory_space<vmem>>, vector<10240x1xf32>,
    return
  }
  func.func @transform_0(%arg0: i32) -> (i32, i32) {
    %c0_i32 = arith.constant 0 : i32
    %c0_i32_0 = arith.constant 0 : i32
    %c0_i32_1 = arith.constant 0 : i32
    return %c0_i32, %c0_i32_0 : i32, i32
  }
  func.func @transform_1(%arg0: i32) -> (i32, i32) {
    %c0_i32 = arith.constant 0 : i32
    %c0_i32_0 = arith.constant 0 : i32
    %c0_i32_1 = arith.constant 0 : i32
    return %c0_i32, %c0_i32_0 : i32, i32
  }
}

module attributes {stable_mosaic.version = 14 : i64} {
  func.func @_stage1_body(%arg0: i32, %arg1: memref<1000x128xf32, #tpu.memory_space<vmem>>, %arg2: memref<2x1000x128xf32, #tpu.memory_space<vmem>>, %arg3: memref<1000x1xf32, #tpu.memory_space<vmem>>, %arg4: memref<128x128xf32, #tpu.memory_space<vmem>>, %arg5: memref<128x128xf32, #tpu.memory_space<vmem>>, %arg6: memref<1x128xf32, #tpu.memory_space<vmem>>, %arg7: memref<1000x128xf32, #tpu.memory_space<vmem>>) attributes {dimension_semantics = [#tpu.dimension_semantics<arbitrary>], iteration_bounds = array<i64: 10>, scalar_prefetch = 0 : i64, scratch_operands = 0 : i64, tpu.core_type = #tpu.core_type<tc>, window_params = [{transform_indices = @transform_0, window_bounds = array<i64: 1000, 128>}, {transform_indices = @transform_1, window_bounds = array<i64: 2, 1000, 128>}, {transform_indices = @transform_2, window_bounds = array<i64: 1000, 1>}, {pipeline_mode = #tpu.pipeline_mode<synchronous>, transform_indices = @transform_3, window_bounds = array<i64: 128, 128>}, {pipeline_mode = #tpu.pipeline_mode<synchronous>, transform_indices = @transform_4, window_bounds = array<i64: 128, 128>}, {pipeline_mode = #tpu.pipeline_mode<synchronous>, transform_indices = @transform_5, window_bounds = array<i64: 1, 128>}, {transform_indices = @transform_6, window_bounds = array<i64: 1000, 128>}]} {
    %get3A = arith.constant 0 : index
    %get3A_0 = arith.constant 0 : index
    %get3A_1 = arith.constant 0 : index
    %get3A_2 = vector.load %arg2[%get3A, %get3A_0, %get3A_1] : memref<2x1000x128xf32, #tpu.memory_space<vmem>>, vector<1x1000x128xf32>
    %get3A_3 = vector.shape_cast %get3A_2 : vector<1x1000x128xf32> to vector<1000x128xf32>
    %get3A_4 = arith.constant 1 : index
    %get3A_5 = arith.constant 0 : index
    %get3A_6 = arith.constant 0 : index
    %get3A_7 = vector.load %arg2[%get3A_4, %get3A_5, %get3A_6] : memref<2x1000x128xf32, #tpu.memory_space<vmem>>, vector<1x1000x128xf32>
    %get3A_8 = vector.shape_cast %get3A_7 : vector<1x1000x128xf32> to vector<1000x128xf32>
    %add3A = arith.addf %get3A_3, %get3A_8 : vector<1000x128xf32>
    %get3A_9 = arith.constant 0 : index
    %get3A_10 = arith.constant 0 : index
    %get3A_11 = vector.load %arg3[%get3A_9, %get3A_10] : memref<1000x1xf32, #tpu.memory_space<vmem>>, vector<1000x1xf32>
    %max3A = arith.constant 1.000000e+00 : f32
    %max3A_12 = vector.broadcast %max3A : f32 to vector<1000x1xf32>
    %max3A_13 = arith.maximumf %get3A_11, %max3A_12 : vector<1000x1xf32>
    %div3A = vector.broadcast %max3A_13 : vector<1000x1xf32> to vector<1000x128xf32>
    %div3A_14 = arith.divf %add3A, %div3A : vector<1000x128xf32>
    %get3A_15 = arith.constant 0 : index
    %get3A_16 = arith.constant 0 : index
    %get3A_17 = vector.load %arg1[%get3A_15, %get3A_16] : memref<1000x128xf32, #tpu.memory_space<vmem>>, vector<1000x128xf32>
    %get3A_18 = arith.constant 0 : index
    %get3A_19 = arith.constant 0 : index
    %get3A_20 = vector.load %arg4[%get3A_18, %get3A_19] : memref<128x128xf32, #tpu.memory_space<vmem>>, vector<128x128xf32>
    %dot_general3A = arith.constant dense<0.000000e+00> : vector<1000x128xf32>
    %dot_general3A_21 = tpu.matmul %get3A_17, %get3A_20, %dot_general3A {dimension_numbers = #tpu.dot_dimension_numbers<[1], [1], [0], [0], [0, 0, 1, 0], [], []>, transpose_lhs_hint = false} : vector<1000x128xf32>, vector<128x128xf32>, vector<1000x128xf32> -> vector<1000x128xf32>
    %get3A_22 = arith.constant 0 : index
    %get3A_23 = arith.constant 0 : index
    %get3A_24 = vector.load %arg5[%get3A_22, %get3A_23] : memref<128x128xf32, #tpu.memory_space<vmem>>, vector<128x128xf32>
    %dot_general3A_25 = arith.constant dense<0.000000e+00> : vector<1000x128xf32>
    %dot_general3A_26 = tpu.matmul %div3A_14, %get3A_24, %dot_general3A_25 {dimension_numbers = #tpu.dot_dimension_numbers<[1], [1], [0], [0], [0, 0, 1, 0], [], []>, transpose_lhs_hint = false} : vector<1000x128xf32>, vector<128x128xf32>, vector<1000x128xf32> -> vector<1000x128xf32>
    %add3A_27 = arith.addf %dot_general3A_21, %dot_general3A_26 : vector<1000x128xf32>
    %get3A_28 = arith.constant 0 : index
    %get3A_29 = arith.constant 0 : index
    %get3A_30 = vector.load %arg6[%get3A_28, %get3A_29] : memref<1x128xf32, #tpu.memory_space<vmem>>, vector<1x128xf32>
    %add3A_31 = vector.broadcast %get3A_30 : vector<1x128xf32> to vector<1000x128xf32>
    %add3A_32 = arith.addf %add3A_27, %add3A_31 : vector<1000x128xf32>
    %max3A_33 = arith.constant 0.000000e+00 : f32
    %max3A_34 = vector.broadcast %max3A_33 : f32 to vector<1000x128xf32>
    %max3A_35 = arith.maximumf %add3A_32, %max3A_34 : vector<1000x128xf32>
    %swap3A = arith.constant 0 : index
    %swap3A_36 = arith.constant 0 : index
    %swap3A_37 = vector.load %arg7[%swap3A, %swap3A_36] : memref<1000x128xf32, #tpu.memory_space<vmem>>, vector<1000x128xf32>
    tpu.vector_store %arg7[%swap3A, %swap3A_36], %max3A_35 {strides = array<i32>} : memref<1000x128xf32, #tpu.memory_space<vmem>>, vector<1000x128xf32>,
    return
  }
  func.func @transform_0(%arg0: i32) -> (i32, i32) {
    %c0_i32 = arith.constant 0 : i32
    %c0_i32_0 = arith.constant 0 : i32
    return %arg0, %c0_i32 : i32, i32
  }
  func.func @transform_1(%arg0: i32) -> (i32, i32, i32) {
    %c0_i32 = arith.constant 0 : i32
    %c0_i32_0 = arith.constant 0 : i32
    %c0_i32_1 = arith.constant 0 : i32
    return %c0_i32, %arg0, %c0_i32_0 : i32, i32, i32
  }
  func.func @transform_2(%arg0: i32) -> (i32, i32) {
    %c0_i32 = arith.constant 0 : i32
    %c0_i32_0 = arith.constant 0 : i32
    return %arg0, %c0_i32 : i32, i32
  }
  func.func @transform_3(%arg0: i32) -> (i32, i32) {
    %c0_i32 = arith.constant 0 : i32
    %c0_i32_0 = arith.constant 0 : i32
    %c0_i32_1 = arith.constant 0 : i32
    return %c0_i32, %c0_i32_0 : i32, i32
  }
  func.func @transform_4(%arg0: i32) -> (i32, i32) {
    %c0_i32 = arith.constant 0 : i32
    %c0_i32_0 = arith.constant 0 : i32
    %c0_i32_1 = arith.constant 0 : i32
    return %c0_i32, %c0_i32_0 : i32, i32
  }
  func.func @transform_5(%arg0: i32) -> (i32, i32) {
    %c0_i32 = arith.constant 0 : i32
    %c0_i32_0 = arith.constant 0 : i32
    %c0_i32_1 = arith.constant 0 : i32
    return %c0_i32, %c0_i32_0 : i32, i32
  }
  func.func @transform_6(%arg0: i32) -> (i32, i32) {
    %c0_i32 = arith.constant 0 : i32
    %c0_i32_0 = arith.constant 0 : i32
    return %arg0, %c0_i32 : i32, i32
  }
}

module attributes {stable_mosaic.version = 14 : i64} {
  func.func @_stage2_body(%arg0: i32, %arg1: memref<1000x128xf32, #tpu.memory_space<vmem>>, %arg2: memref<2x1000x128xf32, #tpu.memory_space<vmem>>, %arg3: memref<1000x1xf32, #tpu.memory_space<vmem>>, %arg4: memref<1000x128xf32, #tpu.memory_space<vmem>>, %arg5: memref<128x128xf32, #tpu.memory_space<vmem>>, %arg6: memref<128x128xf32, #tpu.memory_space<vmem>>, %arg7: memref<1x128xf32, #tpu.memory_space<vmem>>, %arg8: memref<128x128xf32, #tpu.memory_space<vmem>>, %arg9: memref<1x128xf32, #tpu.memory_space<vmem>>, %arg10: memref<128x128xf32, #tpu.memory_space<vmem>>, %arg11: memref<1x128xf32, #tpu.memory_space<vmem>>, %arg12: memref<1000x4x128xf32, #tpu.memory_space<vmem>>, %arg13: memref<1000x128xf32, #tpu.memory_space<vmem>>, %arg14: memref<1000x4x128xf32, #tpu.memory_space<vmem>>, %arg15: memref<1000x128xf32, #tpu.memory_space<vmem>>, %arg16: memref<1x1xf32, #tpu.memory_space<vmem>>) attributes {dimension_semantics = [#tpu.dimension_semantics<arbitrary>], iteration_bounds = array<i64: 10>, scalar_prefetch = 0 : i64, scratch_operands = 0 : i64, tpu.core_type = #tpu.core_type<tc>, window_params = [{transform_indices = @transform_0, window_bounds = array<i64: 1000, 128>}, {transform_indices = @transform_1, window_bounds = array<i64: 2, 1000, 128>}, {transform_indices = @transform_2, window_bounds = array<i64: 1000, 1>}, {transform_indices = @transform_3, window_bounds = array<i64: 1000, 128>}, {pipeline_mode = #tpu.pipeline_mode<synchronous>, transform_indices = @transform_4, window_bounds = array<i64: 128, 128>}, {pipeline_mode = #tpu.pipeline_mode<synchronous>, transform_indices = @transform_5, window_bounds = array<i64: 128, 128>}, {pipeline_mode = #tpu.pipeline_mode<synchronous>, transform_indices = @transform_6, window_bounds = array<i64: 1, 128>}, {pipeline_mode = #tpu.pipeline_mode<synchronous>, transform_indices = @transform_7, window_bounds = array<i64: 128, 128>}, {pipeline_mode = #tpu.pipeline_mode<synchronous>, transform_indices = @transform_8, window_bounds = array<i64: 1, 128>}, {pipeline_mode = #tpu.pipeline_mode<synchronous>, transform_indices = @transform_9, window_bounds = array<i64: 128, 128>}, {pipeline_mode = #tpu.pipeline_mode<synchronous>, transform_indices = @transform_10, window_bounds = array<i64: 1, 128>}, {transform_indices = @transform_11, window_bounds = array<i64: 1000, 4, 128>}, {transform_indices = @transform_12, window_bounds = array<i64: 1000, 128>}, {transform_indices = @transform_13, window_bounds = array<i64: 1000, 4, 128>}, {transform_indices = @transform_14, window_bounds = array<i64: 1000, 128>}, {pipeline_mode = #tpu.pipeline_mode<synchronous>, transform_indices = @transform_15, window_bounds = array<i64: 1, 1>}]} {
    %get3A = arith.constant 0 : index
    %get3A_0 = arith.constant 0 : index
    %get3A_1 = arith.constant 0 : index
    %get3A_2 = vector.load %arg2[%get3A, %get3A_0, %get3A_1] : memref<2x1000x128xf32, #tpu.memory_space<vmem>>, vector<1x1000x128xf32>
    %get3A_3 = vector.shape_cast %get3A_2 : vector<1x1000x128xf32> to vector<1000x128xf32>
    %get3A_4 = arith.constant 1 : index
    %get3A_5 = arith.constant 0 : index
    %get3A_6 = arith.constant 0 : index
    %get3A_7 = vector.load %arg2[%get3A_4, %get3A_5, %get3A_6] : memref<2x1000x128xf32, #tpu.memory_space<vmem>>, vector<1x1000x128xf32>
    %get3A_8 = vector.shape_cast %get3A_7 : vector<1x1000x128xf32> to vector<1000x128xf32>
    %add3A = arith.addf %get3A_3, %get3A_8 : vector<1000x128xf32>
    %get3A_9 = arith.constant 0 : index
    %get3A_10 = arith.constant 0 : index
    %get3A_11 = vector.load %arg3[%get3A_9, %get3A_10] : memref<1000x1xf32, #tpu.memory_space<vmem>>, vector<1000x1xf32>
    %max3A = arith.constant 1.000000e+00 : f32
    %max3A_12 = vector.broadcast %max3A : f32 to vector<1000x1xf32>
    %max3A_13 = arith.maximumf %get3A_11, %max3A_12 : vector<1000x1xf32>
    %div3A = vector.broadcast %max3A_13 : vector<1000x1xf32> to vector<1000x128xf32>
    %div3A_14 = arith.divf %add3A, %div3A : vector<1000x128xf32>
    %get3A_15 = arith.constant 0 : index
    %get3A_16 = arith.constant 0 : index
    %get3A_17 = vector.load %arg1[%get3A_15, %get3A_16] : memref<1000x128xf32, #tpu.memory_space<vmem>>, vector<1000x128xf32>
    %get3A_18 = arith.constant 0 : index
    %get3A_19 = arith.constant 0 : index
    %get3A_20 = vector.load %arg5[%get3A_18, %get3A_19] : memref<128x128xf32, #tpu.memory_space<vmem>>, vector<128x128xf32>
    %dot_general3A = arith.constant dense<0.000000e+00> : vector<1000x128xf32>
    %dot_general3A_21 = tpu.matmul %get3A_17, %get3A_20, %dot_general3A {dimension_numbers = #tpu.dot_dimension_numbers<[1], [1], [0], [0], [0, 0, 1, 0], [], []>, transpose_lhs_hint = false} : vector<1000x128xf32>, vector<128x128xf32>, vector<1000x128xf32> -> vector<1000x128xf32>
    %get3A_22 = arith.constant 0 : index
    %get3A_23 = arith.constant 0 : index
    %get3A_24 = vector.load %arg6[%get3A_22, %get3A_23] : memref<128x128xf32, #tpu.memory_space<vmem>>, vector<128x128xf32>
    %dot_general3A_25 = arith.constant dense<0.000000e+00> : vector<1000x128xf32>
    %dot_general3A_26 = tpu.matmul %div3A_14, %get3A_24, %dot_general3A_25 {dimension_numbers = #tpu.dot_dimension_numbers<[1], [1], [0], [0], [0, 0, 1, 0], [], []>, transpose_lhs_hint = false} : vector<1000x128xf32>, vector<128x128xf32>, vector<1000x128xf32> -> vector<1000x128xf32>
    %add3A_27 = arith.addf %dot_general3A_21, %dot_general3A_26 : vector<1000x128xf32>
    %get3A_28 = arith.constant 0 : index
    %get3A_29 = arith.constant 0 : index
    %get3A_30 = vector.load %arg7[%get3A_28, %get3A_29] : memref<1x128xf32, #tpu.memory_space<vmem>>, vector<1x128xf32>
    %add3A_31 = vector.broadcast %get3A_30 : vector<1x128xf32> to vector<1000x128xf32>
    %add3A_32 = arith.addf %add3A_27, %add3A_31 : vector<1000x128xf32>
    %max3A_33 = arith.constant 0.000000e+00 : f32
    %max3A_34 = vector.broadcast %max3A_33 : f32 to vector<1000x128xf32>
    %max3A_35 = arith.maximumf %add3A_32, %max3A_34 : vector<1000x128xf32>
    %get3A_36 = arith.constant 0 : index
    %get3A_37 = arith.constant 0 : index
    %get3A_38 = vector.load %arg4[%get3A_36, %get3A_37] : memref<1000x128xf32, #tpu.memory_space<vmem>>, vector<1000x128xf32>
    %add3A_39 = arith.addf %max3A_35, %get3A_38 : vector<1000x128xf32>
    %get3A_40 = arith.constant 0 : index
    %get3A_41 = arith.constant 0 : index
    %get3A_42 = vector.load %arg8[%get3A_40, %get3A_41] : memref<128x128xf32, #tpu.memory_space<vmem>>, vector<128x128xf32>
    %dot_general3A_43 = arith.constant dense<0.000000e+00> : vector<1000x128xf32>
    %dot_general3A_44 = tpu.matmul %add3A_39, %get3A_42, %dot_general3A_43 {dimension_numbers = #tpu.dot_dimension_numbers<[1], [1], [0], [0], [0, 0, 1, 0], [], []>, transpose_lhs_hint = false} : vector<1000x128xf32>, vector<128x128xf32>, vector<1000x128xf32> -> vector<1000x128xf32>
    %get3A_45 = arith.constant 0 : index
    %get3A_46 = arith.constant 0 : index
    %get3A_47 = vector.load %arg9[%get3A_45, %get3A_46] : memref<1x128xf32, #tpu.memory_space<vmem>>, vector<1x128xf32>
    %add3A_48 = vector.broadcast %get3A_47 : vector<1x128xf32> to vector<1000x128xf32>
    %add3A_49 = arith.addf %dot_general3A_44, %add3A_48 : vector<1000x128xf32>
    %get3A_50 = arith.constant 0 : index
    %get3A_51 = arith.constant 0 : index
    %get3A_52 = vector.load %arg10[%get3A_50, %get3A_51] : memref<128x128xf32, #tpu.memory_space<vmem>>, vector<128x128xf32>
    %dot_general3A_53 = arith.constant dense<0.000000e+00> : vector<1000x128xf32>
    %dot_general3A_54 = tpu.matmul %add3A_39, %get3A_52, %dot_general3A_53 {dimension_numbers = #tpu.dot_dimension_numbers<[1], [1], [0], [0], [0, 0, 1, 0], [], []>, transpose_lhs_hint = false} : vector<1000x128xf32>, vector<128x128xf32>, vector<1000x128xf32> -> vector<1000x128xf32>
    %get3A_55 = arith.constant 0 : index
    %get3A_56 = arith.constant 0 : index
    %get3A_57 = vector.load %arg11[%get3A_55, %get3A_56] : memref<1x128xf32, #tpu.memory_space<vmem>>, vector<1x128xf32>
    %add3A_58 = vector.broadcast %get3A_57 : vector<1x128xf32> to vector<1000x128xf32>
    %add3A_59 = arith.addf %dot_general3A_54, %add3A_58 : vector<1000x128xf32>
    %mul3A = arith.constant 5.000000e-01 : f32
    %mul3A_60 = vector.broadcast %mul3A : f32 to vector<1000x128xf32>
    %mul3A_61 = arith.mulf %mul3A_60, %add3A_59 : vector<1000x128xf32>
    %exp3A = math.exp %mul3A_61 : vector<1000x128xf32>
    %get3A_62 = arith.constant 0 : index
    %get3A_63 = arith.constant 0 : index
    %get3A_64 = arith.constant 0 : index
    %get3A_65 = vector.load %arg12[%get3A_62, %get3A_63, %get3A_64] : memref<1000x4x128xf32, #tpu.memory_space<vmem>>, vector<1000x4x128xf32>
    %swap3A = arith.constant 0 : index
    %swap3A_66 = arith.constant 0 : index
    %swap3A_67 = vector.load %arg13[%swap3A, %swap3A_66] : memref<1000x128xf32, #tpu.memory_space<vmem>>, vector<1000x128xf32>
    tpu.vector_store %arg13[%swap3A, %swap3A_66], %add3A_39 {strides = array<i32>} : memref<1000x128xf32, #tpu.memory_space<vmem>>, vector<1000x128xf32>,
    %broadcast_in_dim3A = vector.shape_cast %add3A_49 : vector<1000x128xf32> to vector<1000x1x128xf32>
    %broadcast_in_dim3A_68 = vector.shape_cast %exp3A : vector<1000x128xf32> to vector<1000x1x128xf32>
    %mul3A_69 = vector.broadcast %broadcast_in_dim3A_68 : vector<1000x1x128xf32> to vector<1000x4x128xf32>
    %mul3A_70 = arith.mulf %get3A_65, %mul3A_69 : vector<1000x4x128xf32>
    %add3A_71 = vector.broadcast %broadcast_in_dim3A : vector<1000x1x128xf32> to vector<1000x4x128xf32>
    %add3A_72 = arith.addf %add3A_71, %mul3A_70 : vector<1000x4x128xf32>
    %swap3A_73 = arith.constant 0 : index
    %swap3A_74 = arith.constant 0 : index
    %swap3A_75 = arith.constant 0 : index
    %swap3A_76 = vector.load %arg14[%swap3A_73, %swap3A_74, %swap3A_75] : memref<1000x4x128xf32, #tpu.memory_space<vmem>>, vector<1000x4x128xf32>
    tpu.vector_store %arg14[%swap3A_73, %swap3A_74, %swap3A_75], %add3A_72 {strides = array<i32>} : memref<1000x4x128xf32, #tpu.memory_space<vmem>>, vector<1000x4x128xf32>,
    %reduce_sum3A = arith.constant dense<0.000000e+00> : vector<1000x128xf32>
    %reduce_sum3A_77 = vector.multi_reduction <add>, %get3A_65, %reduce_sum3A [1] : vector<1000x4x128xf32> to vector<1000x128xf32>
    %div3A_78 = arith.constant 4.000000e+00 : f32
    %div3A_79 = vector.broadcast %div3A_78 : f32 to vector<1000x128xf32>
    %div3A_80 = arith.divf %reduce_sum3A_77, %div3A_79 : vector<1000x128xf32>
    %mul3A_81 = arith.mulf %div3A_80, %exp3A : vector<1000x128xf32>
    %add3A_82 = arith.addf %add3A_49, %mul3A_81 : vector<1000x128xf32>
    %swap3A_83 = arith.constant 0 : index
    %swap3A_84 = arith.constant 0 : index
    %swap3A_85 = vector.load %arg15[%swap3A_83, %swap3A_84] : memref<1000x128xf32, #tpu.memory_space<vmem>>, vector<1000x128xf32>
    tpu.vector_store %arg15[%swap3A_83, %swap3A_84], %add3A_82 {strides = array<i32>} : memref<1000x128xf32, #tpu.memory_space<vmem>>, vector<1000x128xf32>,
    %add3A_86 = arith.constant 1.000000e+00 : f32
    %add3A_87 = vector.broadcast %add3A_86 : f32 to vector<1000x128xf32>
    %add3A_88 = arith.addf %add3A_87, %add3A_59 : vector<1000x128xf32>
    %mul3A_89 = arith.mulf %add3A_49, %add3A_49 : vector<1000x128xf32>
    %sub3A = arith.subf %add3A_88, %mul3A_89 : vector<1000x128xf32>
    %exp3A_90 = math.exp %add3A_59 : vector<1000x128xf32>
    %sub3A_91 = arith.subf %sub3A, %exp3A_90 : vector<1000x128xf32>
    %reduce_sum3A_92 = vector.shape_cast %sub3A_91 : vector<1000x128xf32> to vector<1x1000x128xf32>
    %reduce_sum3A_93 = arith.constant dense<0.000000e+00> : vector<1xf32>
    %reduce_sum3A_94 = vector.multi_reduction <add>, %reduce_sum3A_92, %reduce_sum3A_93 [1, 2] : vector<1x1000x128xf32> to vector<1xf32>
    %reduce_sum3A_95 = vector.shape_cast %reduce_sum3A_94 : vector<1xf32> to vector<1x1x1xf32>
    %reduce_sum3A_96 = vector.extract %reduce_sum3A_95[0, 0, 0] : f32 from vector<1x1x1xf32>
    %eq3A = arith.constant 0 : i32
    %eq3A_97 = arith.cmpi eq, %arg0, %eq3A : i32
    %convert_element_type3A = arith.extui %eq3A_97 : i1 to i32
    %cond3A = arith.constant 0 : i32
    %cond3A_98 = arith.cmpi ne, %convert_element_type3A, %cond3A : i32
    scf.if %cond3A_98 {
      %broadcast_in_dim3A_106 = arith.constant 0.000000e+00 : f32
      %broadcast_in_dim3A_107 = vector.broadcast %broadcast_in_dim3A_106 : f32 to vector<1x1xf32>
      %swap3A_108 = arith.constant 0 : index
      %swap3A_109 = arith.constant 0 : index
      %swap3A_110 = vector.load %arg16[%swap3A_108, %swap3A_109] : memref<1x1xf32, #tpu.memory_space<vmem>>, vector<1x1xf32>
      tpu.vector_store %arg16[%swap3A_108, %swap3A_109], %broadcast_in_dim3A_107 {strides = array<i32>} : memref<1x1xf32, #tpu.memory_space<vmem>>, vector<1x1xf32>,
    } else {
    }
    %get3A_99 = arith.constant 0 : index
    %get3A_100 = arith.constant 0 : index
    %get3A_101 = vector.load %arg16[%get3A_99, %get3A_100] : memref<1x1xf32, #tpu.memory_space<vmem>>, vector<1x1xf32>
    %reshape3A = vector.broadcast %reduce_sum3A_96 : f32 to vector<1x1xf32>
    %add3A_102 = arith.addf %get3A_101, %reshape3A : vector<1x1xf32>
    %swap3A_103 = arith.constant 0 : index
    %swap3A_104 = arith.constant 0 : index
    %swap3A_105 = vector.load %arg16[%swap3A_103, %swap3A_104] : memref<1x1xf32, #tpu.memory_space<vmem>>, vector<1x1xf32>
    tpu.vector_store %arg16[%swap3A_103, %swap3A_104], %add3A_102 {strides = array<i32>} : memref<1x1xf32, #tpu.memory_space<vmem>>, vector<1x1xf32>,
    return
  }
  func.func @transform_0(%arg0: i32) -> (i32, i32) {
    %c0_i32 = arith.constant 0 : i32
    %c0_i32_0 = arith.constant 0 : i32
    return %arg0, %c0_i32 : i32, i32
  }
  func.func @transform_1(%arg0: i32) -> (i32, i32, i32) {
    %c0_i32 = arith.constant 0 : i32
    %c0_i32_0 = arith.constant 0 : i32
    %c0_i32_1 = arith.constant 0 : i32
    return %c0_i32, %arg0, %c0_i32_0 : i32, i32, i32
  }
  func.func @transform_2(%arg0: i32) -> (i32, i32) {
    %c0_i32 = arith.constant 0 : i32
    %c0_i32_0 = arith.constant 0 : i32
    return %arg0, %c0_i32 : i32, i32
  }
  func.func @transform_3(%arg0: i32) -> (i32, i32) {
    %c0_i32 = arith.constant 0 : i32
    %c0_i32_0 = arith.constant 0 : i32
    return %arg0, %c0_i32 : i32, i32
  }
  func.func @transform_4(%arg0: i32) -> (i32, i32) {
    %c0_i32 = arith.constant 0 : i32
    %c0_i32_0 = arith.constant 0 : i32
    %c0_i32_1 = arith.constant 0 : i32
    return %c0_i32, %c0_i32_0 : i32, i32
  }
  func.func @transform_5(%arg0: i32) -> (i32, i32) {
    %c0_i32 = arith.constant 0 : i32
    %c0_i32_0 = arith.constant 0 : i32
    %c0_i32_1 = arith.constant 0 : i32
    return %c0_i32, %c0_i32_0 : i32, i32
  }
  func.func @transform_6(%arg0: i32) -> (i32, i32) {
    %c0_i32 = arith.constant 0 : i32
    %c0_i32_0 = arith.constant 0 : i32
    %c0_i32_1 = arith.constant 0 : i32
    return %c0_i32, %c0_i32_0 : i32, i32
  }
  func.func @transform_7(%arg0: i32) -> (i32, i32) {
    %c0_i32 = arith.constant 0 : i32
    %c0_i32_0 = arith.constant 0 : i32
    %c0_i32_1 = arith.constant 0 : i32
    return %c0_i32, %c0_i32_0 : i32, i32
  }
  func.func @transform_8(%arg0: i32) -> (i32, i32) {
    %c0_i32 = arith.constant 0 : i32
    %c0_i32_0 = arith.constant 0 : i32
    %c0_i32_1 = arith.constant 0 : i32
    return %c0_i32, %c0_i32_0 : i32, i32
  }
  func.func @transform_9(%arg0: i32) -> (i32, i32) {
    %c0_i32 = arith.constant 0 : i32
    %c0_i32_0 = arith.constant 0 : i32
    %c0_i32_1 = arith.constant 0 : i32
    return %c0_i32, %c0_i32_0 : i32, i32
  }
  func.func @transform_10(%arg0: i32) -> (i32, i32) {
    %c0_i32 = arith.constant 0 : i32
    %c0_i32_0 = arith.constant 0 : i32
    %c0_i32_1 = arith.constant 0 : i32
    return %c0_i32, %c0_i32_0 : i32, i32
  }
  func.func @transform_11(%arg0: i32) -> (i32, i32, i32) {
    %c0_i32 = arith.constant 0 : i32
    %c0_i32_0 = arith.constant 0 : i32
    %c0_i32_1 = arith.constant 0 : i32
    return %arg0, %c0_i32, %c0_i32_0 : i32, i32, i32
  }
  func.func @transform_12(%arg0: i32) -> (i32, i32) {
    %c0_i32 = arith.constant 0 : i32
    %c0_i32_0 = arith.constant 0 : i32
    return %arg0, %c0_i32 : i32, i32
  }
  func.func @transform_13(%arg0: i32) -> (i32, i32, i32) {
    %c0_i32 = arith.constant 0 : i32
    %c0_i32_0 = arith.constant 0 : i32
    %c0_i32_1 = arith.constant 0 : i32
    return %arg0, %c0_i32, %c0_i32_0 : i32, i32, i32
  }
  func.func @transform_14(%arg0: i32) -> (i32, i32) {
    %c0_i32 = arith.constant 0 : i32
    %c0_i32_0 = arith.constant 0 : i32
    return %arg0, %c0_i32 : i32, i32
  }
  func.func @transform_15(%arg0: i32) -> (i32, i32) {
    %c0_i32 = arith.constant 0 : i32
    %c0_i32_0 = arith.constant 0 : i32
    %c0_i32_1 = arith.constant 0 : i32
    return %c0_i32, %c0_i32_0 : i32, i32
  }
}

module attributes {stable_mosaic.version = 14 : i64} {
  func.func @_stage3_body(%arg0: i32, %arg1: memref<200x128xf32, #tpu.memory_space<vmem>>, %arg2: memref<10000x128xf32, #tpu.memory_space<vmem>>, %arg3: memref<200x10000xf32, #tpu.memory_space<vmem>>, %arg4: memref<1x1xf32, #tpu.memory_space<vmem>>) attributes {dimension_semantics = [#tpu.dimension_semantics<arbitrary>], iteration_bounds = array<i64: 50>, scalar_prefetch = 0 : i64, scratch_operands = 0 : i64, tpu.core_type = #tpu.core_type<tc>, window_params = [{transform_indices = @transform_0, window_bounds = array<i64: 200, 128>}, {pipeline_mode = #tpu.pipeline_mode<synchronous>, transform_indices = @transform_1, window_bounds = array<i64: 10000, 128>}, {transform_indices = @transform_2, window_bounds = array<i64: 200, 10000>}, {pipeline_mode = #tpu.pipeline_mode<synchronous>, transform_indices = @transform_3, window_bounds = array<i64: 1, 1>}]} {
    %get3A = arith.constant 0 : index
    %get3A_0 = arith.constant 0 : index
    %get3A_1 = vector.load %arg1[%get3A, %get3A_0] : memref<200x128xf32, #tpu.memory_space<vmem>>, vector<200x128xf32>
    %get3A_2 = arith.constant 0 : index
    %get3A_3 = arith.constant 0 : index
    %get3A_4 = vector.load %arg2[%get3A_2, %get3A_3] : memref<10000x128xf32, #tpu.memory_space<vmem>>, vector<10000x128xf32>
    %dot_general3A = arith.constant dense<0.000000e+00> : vector<200x10000xf32>
    %dot_general3A_5 = tpu.matmul %get3A_1, %get3A_4, %dot_general3A {dimension_numbers = #tpu.dot_dimension_numbers<[1], [1], [0], [0], [0, 0, 1, 0], [], []>, transpose_lhs_hint = false} : vector<200x128xf32>, vector<10000x128xf32>, vector<200x10000xf32> -> vector<200x10000xf32>
    %get3A_6 = arith.constant 0 : index
    %get3A_7 = arith.constant 0 : index
    %get3A_8 = vector.load %arg3[%get3A_6, %get3A_7] : memref<200x10000xf32, #tpu.memory_space<vmem>>, vector<200x10000xf32>
    %max3A = arith.constant 0.000000e+00 : f32
    %max3A_9 = vector.broadcast %max3A : f32 to vector<200x10000xf32>
    %max3A_10 = arith.maximumf %dot_general3A_5, %max3A_9 : vector<200x10000xf32>
    %mul3A = arith.mulf %dot_general3A_5, %get3A_8 : vector<200x10000xf32>
    %sub3A = arith.subf %max3A_10, %mul3A : vector<200x10000xf32>
    %abs3A = math.absf %dot_general3A_5 : vector<200x10000xf32>
    %neg3A = arith.constant 0.000000e+00 : f32
    %neg3A_11 = vector.broadcast %neg3A : f32 to vector<200x10000xf32>
    %neg3A_12 = arith.subf %neg3A_11, %abs3A : vector<200x10000xf32>
    %exp3A = math.exp %neg3A_12 : vector<200x10000xf32>
    %log1p3A = math.log1p %exp3A : vector<200x10000xf32>
    %add3A = arith.addf %sub3A, %log1p3A : vector<200x10000xf32>
    %reduce_sum3A = vector.shape_cast %add3A : vector<200x10000xf32> to vector<1x200x10000xf32>
    %reduce_sum3A_13 = arith.constant dense<0.000000e+00> : vector<1xf32>
    %reduce_sum3A_14 = vector.multi_reduction <add>, %reduce_sum3A, %reduce_sum3A_13 [1, 2] : vector<1x200x10000xf32> to vector<1xf32>
    %reduce_sum3A_15 = vector.shape_cast %reduce_sum3A_14 : vector<1xf32> to vector<1x1x1xf32>
    %reduce_sum3A_16 = vector.extract %reduce_sum3A_15[0, 0, 0] : f32 from vector<1x1x1xf32>
    %eq3A = arith.constant 0 : i32
    %eq3A_17 = arith.cmpi eq, %arg0, %eq3A : i32
    %convert_element_type3A = arith.extui %eq3A_17 : i1 to i32
    %cond3A = arith.constant 0 : i32
    %cond3A_18 = arith.cmpi ne, %convert_element_type3A, %cond3A : i32
    scf.if %cond3A_18 {
      %broadcast_in_dim3A = arith.constant 0.000000e+00 : f32
      %broadcast_in_dim3A_25 = vector.broadcast %broadcast_in_dim3A : f32 to vector<1x1xf32>
      %swap3A_26 = arith.constant 0 : index
      %swap3A_27 = arith.constant 0 : index
      %swap3A_28 = vector.load %arg4[%swap3A_26, %swap3A_27] : memref<1x1xf32, #tpu.memory_space<vmem>>, vector<1x1xf32>
      tpu.vector_store %arg4[%swap3A_26, %swap3A_27], %broadcast_in_dim3A_25 {strides = array<i32>} : memref<1x1xf32, #tpu.memory_space<vmem>>, vector<1x1xf32>,
    } else {
    }
    %get3A_19 = arith.constant 0 : index
    %get3A_20 = arith.constant 0 : index
    %get3A_21 = vector.load %arg4[%get3A_19, %get3A_20] : memref<1x1xf32, #tpu.memory_space<vmem>>, vector<1x1xf32>
    %reshape3A = vector.broadcast %reduce_sum3A_16 : f32 to vector<1x1xf32>
    %add3A_22 = arith.addf %get3A_21, %reshape3A : vector<1x1xf32>
    %swap3A = arith.constant 0 : index
    %swap3A_23 = arith.constant 0 : index
    %swap3A_24 = vector.load %arg4[%swap3A, %swap3A_23] : memref<1x1xf32, #tpu.memory_space<vmem>>, vector<1x1xf32>
    tpu.vector_store %arg4[%swap3A, %swap3A_23], %add3A_22 {strides = array<i32>} : memref<1x1xf32, #tpu.memory_space<vmem>>, vector<1x1xf32>,
    return
  }
  func.func @transform_0(%arg0: i32) -> (i32, i32) {
    %c0_i32 = arith.constant 0 : i32
    %c0_i32_0 = arith.constant 0 : i32
    return %arg0, %c0_i32 : i32, i32
  }
  func.func @transform_1(%arg0: i32) -> (i32, i32) {
    %c0_i32 = arith.constant 0 : i32
    %c0_i32_0 = arith.constant 0 : i32
    %c0_i32_1 = arith.constant 0 : i32
    return %c0_i32, %c0_i32_0 : i32, i32
  }
  func.func @transform_2(%arg0: i32) -> (i32, i32) {
    %c0_i32 = arith.constant 0 : i32
    %c0_i32_0 = arith.constant 0 : i32
    return %arg0, %c0_i32 : i32, i32
  }
  func.func @transform_3(%arg0: i32) -> (i32, i32) {
    %c0_i32 = arith.constant 0 : i32
    %c0_i32_0 = arith.constant 0 : i32
    %c0_i32_1 = arith.constant 0 : i32
    return %c0_i32, %c0_i32_0 : i32, i32
  }
}

</mosaic_0001>

<sc_bundles>
// kernel: kernel.11.cloned.1.call-start
scs
__scs_entry_jumppad:
0x0: {  	(pc) =	sbr.rel $0x88, $3  }
0x1: {  	(tag) =	ssettag $0x0;
	lr =	simm.s32 $0x1  }
0x2: {  	[smem:$0x3F95] =	sst lr;
	_ =	strace $0xD0000000  }
0x3: {  	_ = 	snop  }
0x4: {  	_ = 	snop  }
0x5: {  	_ = 	snop  }
0x6: {  	_ = 	snop  }
0x7: {  	_ = 	snop  }
__scs_overlays_trampoline_lowered:
0x8: {  	[smem:$0x3FA4] =	sst s0  }
0x9: {  	[smem:$0x3FA5] =	sst s1  }
0xa: {  	[smem:$0x3FA6] =	sst s2  }
0xb: {  	[smem:$0x3FA7] =	sst s3  }
0xc: {  	[smem:$0x3FA8] =	sst s4  }
0xd: {  	[smem:$0x3FA9] =	sst s5  }
0xe: {  	[smem:$0x3FAA] =	sst s6  }
0xf: {  	[smem:$0x3FAB] =	sst s7  }
0x10: {  	[smem:$0x3FAC] =	sst s8  }
0x11: {  	[smem:$0x3FAD] =	sst s9;
	s0 =	simm.s32 @!p0 $0x0  }
0x12: {  	s1 =	sld [smem:$0x3F93];
	s0 =	simm.s32 @p0 $0x1  }
0x13: {  	[smem:$0x3FAE] =	sst s0;
	s0 =	simm.s32 @!p1 $0x0  }
0x14: {  	s2 =	sld [smem:$0x3F92];
	s0 =	simm.s32 @p1 $0x1  }
0x15: {  	[smem:$0x3FAF] =	sst s0;
	s0 =	simm.s32 @!p2 $0x0  }
0x16: {  	s3 =	sld [smem:$0x3FDB];
	s0 =	simm.s32 @p2 $0x1  }
0x17: {  	s4 =	simm.s32 $0x1BF5;
	[smem:$0x3FB1] =	sst s0  }
0x18: {  	s0 =	sld [smem:$0x3F94];
	_ =	swait.ge [sflag:s4], $0x0  }
0x19: {  	s7 =	sld [smem:$0x3F95]  }
0x1a: {  	s8 =	sadd.s32 $0xFFFFE003, lr  }
0x1b: {  	s9 =	sadd.s32 $0xFFFFFEF7, lr;
	s5 =	simm.s32 $0xFFFFFFFF;
	p2 =	slt.u32 s8, $0xFFFFF086  }
0x1c: {  	p1 =	slt.u32 s9, $0xF7A;
	s5 =	simm.s32 @!p2 $0x0  }
0x1d: {  	s5 =	simm.s32 @p1 $0x1;
	p0 =	seq.s32 s7, s2  }
0x1e: {  	s7 =	smul.u32 @!p0 $0xF7A, s2;
	p2 =	seq.s32 @!p0 s5, $0x0  }
0x1f: {  	s9 =	smul.u32 $0xF7A, s1;
	s8 =	simm.s32 @!p0 $0x1BF5;
	p2 =	por !p2, p0  }
0x20: {  	[sflag:s8] =	ssyncset.s32 @!p0 $0xFFFFF086;
	s6 =	sadd.s32 @!p0 s3, s7;
	s7 =	simm.s32 @!p0 $0x108  }
0x21: {  	s3 =	sadd.s32 s3, s9;
	s6 =	sadd.s32 @!p0 $0x88, s6;
	s7 =	simm.s32 @p2 $0x1082  }
0x22: {  	[simem:s7], [sflag:s8] =	dma.local @!p0 [hbm:s6], $0xF7A  }
0x23: {  	s9 =	sor.u32 $0xD0000000, s2;
	s6 =	simm.s32 $0x108;
	_ =	swait.ge @!p0 [sflag:s8], $0x0  }
0x24: {  	s3 =	sadd.s32 $0x88, s3;
	s6 =	simm.s32 @!p1 $0x1082;
	[sflag:s4] =	ssyncset.s32 $0xFFFFF086  }
0x25: {  	[simem:s6], [sflag:s4] =	dma.local [hbm:s3], $0xF7A  }
0x26: {  	[smem:$0x3F95] =	sst s1;
	(tag) =	ssettag s2;
	_ =	strace s9  }
0x27: {  	s1 =	sld [smem:$0x3FA5]  }
0x28: {  	s2 =	sld [smem:$0x3FA6]  }
0x29: {  	s4 =	sld [smem:$0x3FA8]  }
0x2a: {  	p0 =	seq.s32 s5, $0x0;
	s5 =	sld [smem:$0x3FA9]  }
0x2b: {  	s6 =	sld [smem:$0x3FAA]  }
0x2c: {  	s7 =	sld [smem:$0x3FAB]  }
0x2d: {  	s3 =	simm.s32 $0x108;
	s8 =	sld [smem:$0x3FAC]  }
0x2e: {  	s3 =	simm.s32 @!p0 $0x1082;
	s9 =	sld [smem:$0x3FAD]  }
0x2f: {  	lr =	sadd.s32 s0, s3;
	s0 =	sld [smem:$0x3FA4]  }
0x30: {  	s3 =	sld [smem:$0x3FA7]  }
0x31: {  	[smem:$0x3FB0] =	sst s10  }
0x32: {  	s10 =	sld [smem:$0x3FAE];
	_ =	sdelay $0x3  }
0x33: {  	p0 =	seq.s32 s10, $0x1;
	s10 =	sld [smem:$0x3FB0];
	_ =	sdelay $0x3  }
0x34: {  	[smem:$0x3FB0] =	sst s10  }
0x35: {  	s10 =	sld [smem:$0x3FAF];
	_ =	sdelay $0x3  }
0x36: {  	p1 =	seq.s32 s10, $0x1;
	s10 =	sld [smem:$0x3FB0];
	_ =	sdelay $0x3  }
0x37: {  	[smem:$0x3FB0] =	sst s10  }
0x38: {  	s10 =	sld [smem:$0x3FB1]  }
0x39: {  	_ = 	snop;
	(pc) =	sbr.ind lr, $3  }
0x3a: {  	_ = 	snop  }
0x3b: {  	_ = 	snop  }
0x3c: {  	p2 =	seq.s32 s10, $0x1;
	s10 =	sld [smem:$0x3FB0]  }
0x3d: {  	_ =	shalt  }
0x3e: {  	_ =	shalt  }
0x3f: {  	_ =	shalt  }
0x40: {  	_ =	shalt  }
0x41: {  	_ =	shalt  }
0x42: {  	_ =	shalt  }
0x43: {  	_ =	shalt  }
0x44: {  	_ =	shalt  }
0x45: {  	_ =	shalt  }
0x46: {  	_ =	shalt  }
0x47: {  	_ =	shalt  }
0x48: {  	_ =	shalt  }
0x49: {  	_ =	shalt  }
0x4a: {  	_ =	shalt  }
0x4b: {  	_ =	shalt  }
0x4c: {  	_ =	shalt  }
0x4d: {  	_ =	shalt  }
0x4e: {  	_ =	shalt  }
0x4f: {  	_ =	shalt  }
0x50: {  	_ =	shalt  }
0x51: {  	_ =	shalt  }
0x52: {  	_ =	shalt  }
0x53: {  	_ =	shalt  }
0x54: {  	_ =	shalt  }
0x55: {  	_ =	shalt  }
0x56: {  	_ =	shalt  }
0x57: {  	_ =	shalt  }
0x58: {  	_ =	shalt  }
0x59: {  	_ =	shalt  }
0x5a: {  	_ =	shalt  }
0x5b: {  	_ =	shalt  }
0x5c: {  	_ =	shalt  }
0x5d: {  	_ =	shalt  }
0x5e: {  	_ =	shalt  }
0x5f: {  	_ =	shalt  }
0x60: {  	_ =	shalt  }
0x61: {  	_ =	shalt  }
0x62: {  	_ =	shalt  }
0x63: {  	_ =	shalt  }
0x64: {  	_ =	shalt  }
0x65: {  	_ =	shalt  }
0x66: {  	_ =	shalt  }
0x67: {  	_ =	shalt  }
0x68: {  	_ =	shalt  }
0x69: {  	_ =	shalt  }
0x6a: {  	_ =	shalt  }
0x6b: {  	_ =	shalt  }
0x6c: {  	_ =	shalt  }
0x6d: {  	_ =	shalt  }
0x6e: {  	_ =	shalt  }
0x6f: {  	_ =	shalt  }
0x70: {  	_ =	shalt  }
0x71: {  	_ =	shalt  }
0x72: {  	_ =	shalt  }
0x73: {  	_ =	shalt  }
0x74: {  	_ =	shalt  }
0x75: {  	_ =	shalt  }
0x76: {  	_ =	shalt  }
0x77: {  	_ =	shalt  }
0x78: {  	_ =	shalt  }
0x79: {  	_ =	shalt  }
0x7a: {  	_ =	shalt  }
0x7b: {  	_ =	shalt  }
0x7c: {  	_ =	shalt  }
0x7d: {  	_ =	shalt  }
0x7e: {  	_ =	shalt  }
0x7f: {  	_ =	shalt  }
0x80: {  	_ =	shalt  }
0x81: {  	_ =	shalt  }
0x82: {  	_ =	shalt  }
0x83: {  	_ =	shalt  }
0x84: {  	_ =	shalt  }
0x85: {  	_ =	shalt  }
0x86: {  	_ =	shalt  }
0x87: {  	_ =	shalt  }
.Lfunc_end0:
.L_simem_size_0:
called_computation.1_lowered:
.L_overlay_start_0:
0x88: {  	s2 =	sld [smem:$0x3FD9]  }
0x89: {  	s3 =	sld [smem:$0x3FFE];
	_ =	sdelay $0x1  }
0x8a: {  	s1 =	srdreg.scid  }
0x8b: {  	s0 =	sand.u32 $0x1, s1  }
0x8c: {  	s14 =	sshll.u32 s0, $0xA;
	s2 =	sadd.s32 s3, s2  }
0x8d: {  	s2 =	sadd.s32 s2, s14  }
0x8e: {  	[smem:$0x3FBC] =	sst s2  }
0x8f: {  	_ = 	snop  }
0x90: {  	s2 =	sld [smem:$0x3FD0];
	_ =	sdelay $0x2  }
0x91: {  	s15 =	simm.s32 $0xA;
	s4 =	simm.s32 $0x10  }
0x92: {  	[smem:s4], [sflag:s15] =	dma.local [hbm:s2], $0x1  }
0x93: {  	_ =	swait.eq [sflag:s15], $0x1  }
0x94: {  	[sflag:s15] =	ssyncset.done $0x0  }
0x95: {  	s16 =	sld [smem:$0x10];
	[sflag:s15] =	ssyncadd.s32 $0xFFFFFFFF  }
0x96: {  	s17 =	sld [smem:$0x11];
	(tm) =	ssettm $0x1  }
0x97: {  	s18 =	sld [smem:$0x3FFB];
	_ =	sdelay $0x3  }
0x98: {  	_ =	strace s18  }
0x99: {  	s4 =	sld [smem:$0x3FFC];
	_ =	sdelay $0x3  }
0x9a: {  	_ =	strace s4  }
0x9b: {  	s4 =	sld [smem:$0x3FFD];
	_ =	sdelay $0x3  }
0x9c: {  	_ =	strace s4  }
0x9d: {  	_ =	strace $0x8FFFFFFF  }
0x9e: {  	s19 =	sld [smem:$0x3FDB];
	_ =	sdelay $0x1  }
0x9f: {  	s5 =	simm.s32 $_scs_section_size  }
0xa0: {  	s6 =	simm.s32 $_size__tile_overlayer_lowered;
	s7 =	simm.s32 $_tile_overlayer_lowered  }
0xa1: {  	s22 =	simm.s32 $0x1BFF;
	s21 =	sshll.u32 s7, $0x1;
	s4 =	sadd.s32 s5, s19  }
0xa2: {  	s8 =	simm.s32 $0x0;
	s20 =	sshll.u32 s6, $0x1;
	s6 =	sadd.s32 s21, s4  }
0xa3: {  	[timem:s8], [sflag:s22] =	dma.local [hbm:s6], s20  }
0xa4: {  	_ =	swait.ge [sflag:s22], s20  }
0xa5: {  	s5 =	ssub.s32 $0x0, s20;
	[sflag:s22] =	ssyncset.done $0x0  }
0xa6: {  	[sflag:s22] =	ssyncadd.s32 s5;
	_ =	sdelay $0x1  }
0xa7: {  	s23 =	simm.s32 $0x1B8B  }
0xa8: {  	_ =	swait.ge [sflag:s23], $0x1  }
0xa9: {  	[sflag:s23] =	ssyncset.done $0x0  }
0xaa: {  	s25 =	simm.s32 $0x1B8E;
	s24 =	sld [smem:$0x3FFE];
	[sflag:s23] =	ssyncadd.s32 $0xFFFFFFFF  }
0xab: {  	s26 =	simm.s32 $execute0_lowered;
	[smem:$0x3FD2] =	sst s25  }
0xac: {  	s6 =	sshll.u32 s26, $0x1;
	_ =	strace $0x80000049;
	[dreg:$0x1] =	wrdreg $0xFFFFFFFF  }
0xad: {  	s28 =	simm.s32 $_size_execute0_lowered;
	s4 =	sadd.s32 s4, s6;
	[dreg:$0x0] =	wrdreg $0x0  }
0xae: {  	s6 =	sshll.u32 s28, $0x1;
	[dreg:$0x2] =	wrdreg s4  }
0xaf: {  	[dreg:$0x3] =	wrdreg s6  }
0xb0: {  	[dreg:$0x4] =	wrdreg $0xC0  }
0xb1: {  	_ =	task [dreg:s8], $0x5FFFF  }
0xb2: {  	[dreg:$0x1] =	wrdreg $0xFFFFFFFF  }
0xb3: {  	[dreg:$0x0] =	wrdreg $0x60  }
0xb4: {  	[dreg:$0x2] =	wrdreg s16  }
0xb5: {  	[dreg:$0x3] =	wrdreg s24  }
0xb6: {  	[dreg:$0x4] =	wrdreg s17  }
0xb7: {  	[dreg:$0x5] =	wrdreg $0xAC000  }
0xb8: {  	[dreg:$0x6] =	wrdreg $0x9  }
0xb9: {  	_ =	task.clear_ibuf [dreg:s8], $0x7FFFF;
	_ =	strace $0x90000049  }
0xba: {  	s29 =	simm.s32 $0x9;
	_ =	strace $0x8000004B  }
0xbb: {  	_ =	swait.ge [sflag:s29], $0x1  }
0xbc: {  	[sflag:s29] =	ssyncadd.s32 $0xFFFFFFFF  }
0xbd: {  	_ =	strace $0x9000004B  }
0xbe: {  	_ =	sfence  }
0xbf: {  	s30 =	sld [smem:$0x0];
	_ =	sdelay $0x2  }
0xc0: {  	s31 =	sshll.u32 s1, $0xD;
	s1 =	sshrl.u32 s1, $0x2  }
0xc1: {  	s3 =	sand.u32 $0x4000, s31;
	s1 =	sadd.s32 s1, s30  }
0xc2: {  	s0 =	sor.u32 s3, s0;
	s1 =	sshll.u32 s1, $0x11  }
0xc3: {  	s0 =	sor.u32 s1, s0  }
0xc4: {  	s0 =	sadd.s32 $0x8F2B, s0  }
0xc5: {  	[sflag:s0] =	ssyncadd.remote.s32 $0x1  }
0xc6: {  	_ =	sfence.sel $0xFFFF  }
0xc7: {  	[dreg:$0x0] =	wrdreg $0xFFFFFFFF;
	(pc) =	sbr.abs _section_cstart, $3  }
0xc8: {  	[dreg:$0x1] =	wrdreg $0xFFFFFFFF  }
0xc9: {  	_ =	task.clear_ibuf [dreg:s8], $0x2FFFF;
	_ =	strace $0x9FFFFFFF  }
0xca: {  	(tm) =	ssettm $0x7FFFFFFF  }
0xcb: {  	_ =	shalt  }
tec
execute0_lowered:
.L_overlay_start_1:
0x0: {  	(tag) =	ssettag $0x1  }
0x1: {  	s0 =	rddreg [dreg:$0x0]  }
0x2: {  	s1 =	rddreg [dreg:$0x1]  }
0x3: {  	s2 =	rddreg [dreg:$0x2]  }
0x4: {  	s4 =	srdreg.scid;
	s3 =	rddreg [dreg:$0x3]  }
0x5: {  	s13 =	stileid.u32;
	s16 =	simm.s32 $0x5;
	s17 =	simm.s32 $0x8400  }
0x6: {  	s18 =	simm.s32 $0x28;
	s19 =	simm.s32 $0x3400;
	s20 =	simm.s32 $0x4800  }
0x7: {  	s21 =	simm.s32 $0x5C00;
	s30 =	simm.s32 $0x0;
	s7 =	sand.u32 $0x1, s4  }
0x8: {  	s4 =	simm.s32 $0x0;
	s6 =	smul.u32 $0x14000, s13;
	s9 =	sadd.s32 $0x527A00, s1  }
0x9: {  	s22 =	sadd.s32 $0x52A200, s1;
	s24 =	sshll.u32 s13, $0x1;
	s10 =	smul.u32 $0x50000, s13  }
0xa: {  	s25 =	sshrl.u32 s13, $0x2;
	s29 =	sshll.u32 s13, $0x6;
	s5 =	smul.u32 $0x140000, s7  }
0xb: {  	[smem:$0x7FF] =	sst s4;
	s23 =	ssub.s32 $0x2, s7;
	s7 =	sor.u32 s7, s24  }
0xc: {  	s12 =	smul.u32 $0x14000, s25;
	_ =	strace $0x8000004A;
	[dreg:$0x5] =	wrdreg s9  }
0xd: {  	s24 =	simm.s32 $0x2;
	s25 =	simm.s32 $0x3;
	[dreg:$0x6] =	wrdreg s22  }
0xe: {  	s11 =	sshrl.u32 s23, $0x1;
	s10 =	sshrl.u32 s10, $0x2;
	s26 =	sshll.u32 s7, $0x7  }
0xf: {  	s9 =	smul.u32 $0x10400, s7;
	s22 =	simm.s32 $0x7000;
	s8 =	sadd.s32 s6, s5  }
0x10: {  	s5 =	sadd.s32 $0x4A00, s1;
	s6 =	sadd.s32 $0x45A00, s1;
	s15 =	sadd.s32 s10, s3  }
0x11: {  	s28 =	sand.u32 $0x380, s26;
	s10 =	sor.u32 $0x1C05, s29;
	s26 =	simm.s32 $0x4  }
0x12: {  	s8 =	sshrl.u32 s8, $0x3;
	s12 =	sor.u32 s12, s28;
	s15 =	sshrl.u32 s15, $0x3  }
0x13: {  	s1 =	sadd.s32 s8, s1;
	s8 =	ssub.s32 s23, s11;
	s11 =	smul.u32 $0x138800, s7  }
0x14: {  	s31 =	sshrl.u32 s12, $0x3;
	s23 =	simm.s32 $0x1;
	s1 =	sadd.s32 $0x552800, s1  }
0x15: {  	v0 =	vimm.f32 $1.000000000e+00;
	vm0 =	vcmask $0x3F20;
	s13 =	sadd.s32 s2, s31;
	s14 =	smax.u32 s8, $0x1;
	[dreg:$0x7] =	wrdreg s1  }
.LBB2_1:
0x16: {  	s1 =	rddreg [dreg:$0x5]  }
0x17: {  	[spmem:s15], [sflag:s10] =	dma.local [hbm:s1], $0x2800  }
0x18: {  	_ =	swait.ge [sflag:s16], $0x2800  }
0x19: {  	[sflag:s16] =	ssyncset.done $0x0  }
0x1a: {  	s29 =	rddreg [dreg:$0x6];
	[sflag:s16] =	ssyncadd.s32 $0xFFFFD800  }
0x1b: {  	[tilespmem:s17], [sflag:$0x5] =	stream.linear.gather [hbm4b:s29+s4], $0x2800, $0x38;
	[tilespmem:$0x1EC00] =	vst v63  }
0x1c: {  	_ =	swait.ge [sflag:s16], $0x2800  }
0x1d: {  	[sflag:s16] =	ssyncset.done $0x0  }
0x1e: {  	[sflag:s16] =	ssyncadd.s32 $0xFFFFD800  }
0x1f: {  	s31 =	simm.s32 $0x0;
	[bflag:$0x0] =	sbarrier.arrive $0xFFFF  }
.LBB2_2:
0x20: {  	s1 =	smul.u32 $0x3400, s31;
	_ =	sdelay $0x1  }
0x21: {  	s1 =	sadd.s32 s9, s1  }
0x22: {  	s1 =	sshrl.u32 s1, $0x3  }
0x23: {  	s2 =	sadd.s32 s5, s1;
	s1 =	simm.s32 $0x0  }
0x24: {  	[tilespmem:s1], [sflag:$0x5] =	stream.linear.gather [hbm4b:s2+s1], $0x3200, $0x38;
	[tilespmem:$0x1EC00] =	vst v63  }
0x25: {  	_ =	swait.ge [sflag:s16], $0x3200  }
0x26: {  	[sflag:s16] =	ssyncset.done $0x0  }
0x27: {  	s2 =	smul.u32 $0x32, s31;
	[sflag:s16] =	ssyncadd.s32 $0xFFFFCE00  }
.LBB2_3:
0x28: {  	s7 =	sshll.u32 s1, $0x8;
	s8 =	sshll.u32 s1, $0x1;
	s12 =	sshllo.u32 s1, $0x1  }
0x29: {  	s28 =	sand.u32 $0x3FFFFF00, s7;
	s7 =	sshll.u32 s12, $0x7;
	s8 =	sadd.s32 s2, s8  }
0x2a: {  	[tilespmem:s19], [sflag:$0x1] =	stream.indirect.gather [hbm4b:s0+s18], $0x80, s28, s18, $0xb8;
	[tilespmem:$0x1EC00] =	vst v63  }
0x2b: {  	s7 =	sand.u32 $0x3FFFFF80, s7;
	s8 =	smul.u32 $0x1400, s8  }
0x2c: {  	[tilespmem:s20], [sflag:$0x2] =	stream.indirect.gather [hbm4b:s0+s18], $0x80, s7, s18, $0xb8;
	[tilespmem:$0x1EC00] =	vst v63  }
0x2d: {  	s8 =	sadd.s32 s11, s8  }
0x2e: {  	s12 =	sadd.s32 s2, s12;
	s7 =	sshrl.u32 s8, $0x3  }
0x2f: {  	s8 =	smul.u32 $0x1400, s12;
	s7 =	sadd.s32 s6, s7  }
0x30: {  	[tilespmem:s21], [sflag:$0x5] =	stream.linear.gather [hbm4b:s7+s4], $0x1400, $0x38;
	[tilespmem:$0x1EC00] =	vst v63  }
0x31: {  	s8 =	sadd.s32 s11, s8;
	_ =	swait.ge [sflag:s16], $0x1400  }
0x32: {  	s7 =	sshrl.u32 s8, $0x3;
	[sflag:s16] =	ssyncset.done $0x0  }
0x33: {  	s7 =	sadd.s32 s6, s7;
	[sflag:s16] =	ssyncadd.s32 $0xFFFFEC00  }
0x34: {  	[tilespmem:s22], [sflag:$0x5] =	stream.linear.gather [hbm4b:s7+s4], $0x1400, $0x38;
	[tilespmem:$0x1EC00] =	vst v63  }
0x35: {  	_ =	swait.ge [sflag:s16], $0x1400  }
0x36: {  	[sflag:s16] =	ssyncset.done $0x0  }
0x37: {  	[sflag:s16] =	ssyncadd.s32 $0xFFFFEC00  }
0x38: {  	_ =	swait.ge [sflag:s23], $0x1400  }
0x39: {  	[sflag:s23] =	ssyncset.done $0x0  }
0x3a: {  	s12 =	simm.s32 $0x5E00;
	[sflag:s23] =	ssyncadd.s32 $0xFFFFEC00  }
0x3b: {  	s29 =	simm.s32 $0x3600;
	v3 =	vld [tilespmem:s12+$0x180]  }
0x3c: {  	v7 =	vld [tilespmem:s29+$0x1F0]  }
0x3d: {  	v4 =	vld [tilespmem:s29+$0xFFFFFE00]  }
0x3e: {  	v5 =	vld [tilespmem:s29+$0xFFFFFE10]  }
0x3f: {  	v6 =	vld [tilespmem:s29+$0xFFFFFE20]  }
0x40: {  	v1 =	vld [tilespmem:s29+$0xFFFFFE30]  }
0x41: {  	v8 =	vld [tilespmem:s12+$0xFFFFFE80]  }
0x42: {  	v2 =	vld [tilespmem:s29+$0xFFFFFE80]  }
0x43: {  	v9 =	vld [tilespmem:s29+$0xFFFFFE90]  }
0x44: {  	v10 =	vld [tilespmem:s29+$0xFFFFFEA0]  }
0x45: {  	v11 =	vld [tilespmem:s29+$0xFFFFFEB0]  }
0x46: {  	v12 =	vld [tilespmem:s29+$0xFFFFFEC0]  }
0x47: {  	v14 =	vld [tilespmem:s29+$0xFFFFFED0]  }
0x48: {  	v15 =	vld [tilespmem:s29+$0xFFFFFEE0]  }
0x49: {  	v16 =	vld [tilespmem:s12+$0xFFFFFF00]  }
0x4a: {  	v17 =	vld [tilespmem:s29+$0xFFFFFF00]  }
0x4b: {  	v18 =	vld [tilespmem:s29+$0xFFFFFF10]  }
0x4c: {  	v19 =	vld [tilespmem:s29+$0xFFFFFF20]  }
0x4d: {  	v20 =	vld [tilespmem:s29+$0xFFFFFF30]  }
0x4e: {  	v21 =	vld [tilespmem:s29+$0xFFFFFF40]  }
0x4f: {  	v22 =	vld [tilespmem:s29+$0xFFFFFF50];
	v13 =	vmul.f32 v2, v8  }
0x50: {  	v60 =	vld [tilespmem:s12+$0x0];
	v7 =	vmul.f32 v7, v3  }
0x51: {  	v61 =	vld [tilespmem:s29+$0x0];
	v9 =	vmul.f32 v9, v8;
	[tilespmem:s29+$0xFFFFFE80] =	vst v13  }
0x52: {  	v13 =	vld [tilespmem:s29+$0xFFFFFEF0];
	[tilespmem:s29+$0x1F0] =	vst v7;
	v7 =	vmul.f32 v10, v8  }
0x53: {  	v62 =	vld [tilespmem:s29+$0x60];
	[tilespmem:s29+$0xFFFFFE90] =	vst v9;
	v9 =	vmul.f32 v11, v8  }
0x54: {  	v11 =	vld [tilespmem:s12+$0xFFFFFF80];
	[tilespmem:s29+$0xFFFFFEA0] =	vst v7;
	v7 =	vmul.f32 v12, v8  }
0x55: {  	v12 =	vld [tilespmem:s29+$0xFFFFFF80];
	[tilespmem:s29+$0xFFFFFEB0] =	vst v9;
	v9 =	vmul.f32 v14, v8  }
0x56: {  	v63 =	vld [tilespmem:s29+$0x190];
	[tilespmem:s29+$0xFFFFFEC0] =	vst v7;
	v7 =	vmul.f32 v15, v8  }
0x57: {  	v2 =	vld [tilespmem:s29+$0xFFFFFE40];
	[tilespmem:s29+$0xFFFFFED0] =	vst v9;
	v8 =	vmul.f32 v13, v8  }
0x58: {  	v9 =	vld [tilespmem:s29+$0xFFFFFFB0];
	[tilespmem:s29+$0xFFFFFEE0] =	vst v7;
	v7 =	vmul.f32 v17, v16  }
0x59: {  	v10 =	vld [tilespmem:s29+$0xFFFFFF60];
	v17 =	vmul.f32 v18, v16;
	[tilespmem:s29+$0xFFFFFEF0] =	vst v8  }
0x5a: {  	v14 =	vld [tilespmem:s29+$0xFFFFFF90];
	v8 =	vmul.f32 v12, v11;
	[tilespmem:s29+$0xFFFFFF00] =	vst v7  }
0x5b: {  	v15 =	vld [tilespmem:s29+$0xFFFFFFA0];
	v7 =	vmul.f32 v19, v16;
	[tilespmem:s29+$0xFFFFFF10] =	vst v17  }
0x5c: {  	v12 =	vld [tilespmem:s29+$0xFFFFFFD0];
	v17 =	vmul.f32 v20, v16;
	[tilespmem:s29+$0xFFFFFF80] =	vst v8  }
0x5d: {  	v8 =	vld [tilespmem:s29+$0xFFFFFF70];
	v9 =	vmul.f32 v9, v11;
	[tilespmem:s29+$0xFFFFFF20] =	vst v7  }
0x5e: {  	v13 =	vld [tilespmem:s29+$0xFFFFFFC0];
	v7 =	vmul.f32 v21, v16;
	[tilespmem:s29+$0xFFFFFF30] =	vst v17  }
0x5f: {  	v19 =	vld [tilespmem:s29+$0xFFFFFFF0];
	v17 =	vmul.f32 v22, v16;
	[tilespmem:s29+$0xFFFFFFB0] =	vst v9  }
0x60: {  	v18 =	vld [tilespmem:s29+$0xFFFFFFE0];
	[tilespmem:s29+$0xFFFFFF40] =	vst v7;
	v7 =	vmul.f32 v10, v16  }
0x61: {  	v10 =	vld [tilespmem:s29+$0x10];
	[tilespmem:s29+$0xFFFFFF50] =	vst v17;
	v9 =	vmul.f32 v12, v11  }
0x62: {  	v17 =	vld [tilespmem:s29+$0x50];
	v8 =	vmul.f32 v8, v16;
	[tilespmem:s29+$0xFFFFFF60] =	vst v7  }
0x63: {  	v12 =	vld [tilespmem:s29+$0x70];
	v7 =	vmul.f32 v14, v11;
	[tilespmem:s29+$0xFFFFFFD0] =	vst v9  }
0x64: {  	v16 =	vld [tilespmem:s29+$0x20];
	v9 =	vmul.f32 v19, v11;
	[tilespmem:s29+$0xFFFFFF70] =	vst v8  }
0x65: {  	v14 =	vld [tilespmem:s29+$0x30];
	v8 =	vmul.f32 v15, v11;
	[tilespmem:s29+$0xFFFFFF90] =	vst v7  }
0x66: {  	v19 =	vld [tilespmem:s29+$0x180];
	v7 =	vmul.f32 v61, v60;
	[tilespmem:s29+$0xFFFFFFF0] =	vst v9  }
0x67: {  	v15 =	vld [tilespmem:s29+$0x40];
	v17 =	vmul.f32 v17, v60;
	[tilespmem:s29+$0xFFFFFFA0] =	vst v8  }
0x68: {  	[tilespmem:s29+$0x0] =	vst v7;
	v8 =	vmul.f32 v13, v11;
	v13 =	vld [tilespmem:s12+$0x80]  }
0x69: {  	v12 =	vmul.f32 v12, v60;
	v9 =	vmul.f32 v16, v60;
	v16 =	vld [tilespmem:s29+$0xA0];
	[tilespmem:s29+$0x50] =	vst v17  }
0x6a: {  	v17 =	vld [tilespmem:s29+$0xF0];
	[tilespmem:s29+$0xFFFFFFC0] =	vst v8;
	v8 =	vmul.f32 v18, v11  }
0x6b: {  	[tilespmem:s29+$0x70] =	vst v12;
	v11 =	vld [tilespmem:s29+$0x80]  }
0x6c: {  	[tilespmem:s29+$0xFFFFFFE0] =	vst v8;
	v8 =	vmul.f32 v10, v60;
	v10 =	vld [tilespmem:s29+$0x90]  }
0x6d: {  	v18 =	vmul.f32 v62, v60;
	[tilespmem:s29+$0x20] =	vst v9;
	v9 =	vmul.f32 v15, v60;
	v15 =	vld [tilespmem:s29+$0xC0]  }
0x6e: {  	[tilespmem:s29+$0x10] =	vst v8;
	v8 =	vmul.f32 v14, v60;
	v14 =	vld [tilespmem:s29+$0xB0]  }
0x6f: {  	[tilespmem:s29+$0x60] =	vst v18;
	v18 =	vld [tilespmem:s12+$0x100]  }
0x70: {  	v12 =	vmul.f32 v16, v13;
	[tilespmem:s29+$0x30] =	vst v8;
	v8 =	vmul.f32 v11, v13;
	v11 =	vld [tilespmem:s29+$0xD0]  }
0x71: {  	[tilespmem:s29+$0x40] =	vst v9;
	v9 =	vld [tilespmem:s29+$0xE0];
	v10 =	vmul.f32 v10, v13  }
0x72: {  	v16 =	vld [tilespmem:s29+$0x100];
	[tilespmem:s29+$0xA0] =	vst v12;
	v12 =	vmul.f32 v15, v13  }
0x73: {  	v15 =	vld [tilespmem:s29+$0x120];
	[tilespmem:s29+$0x90] =	vst v10;
	v10 =	vmul.f32 v14, v13  }
0x74: {  	[tilespmem:s29+$0xC0] =	vst v12;
	v14 =	vld [tilespmem:s29+$0x110]  }
0x75: {  	v12 =	vld [tilespmem:s29+$0x140];
	[tilespmem:s29+$0xB0] =	vst v10;
	v10 =	vmul.f32 v11, v13  }
0x76: {  	[tilespmem:s29+$0x80] =	vst v8;
	v9 =	vmul.f32 v9, v13;
	v11 =	vld [tilespmem:s29+$0x130]  }
0x77: {  	v13 =	vmul.f32 v17, v13;
	v17 =	vld [tilespmem:s29+$0x160];
	[tilespmem:s29+$0xD0] =	vst v10;
	v10 =	vmul.f32 v16, v18  }
0x78: {  	[tilespmem:s29+$0xE0] =	vst v9;
	v16 =	vld [tilespmem:s29+$0x150]  }
0x79: {  	v7 =	vld [tilespmem:s29+$0xFFFFFE50];
	[tilespmem:s29+$0x100] =	vst v10;
	v10 =	vmul.f32 v14, v18  }
0x7a: {  	v8 =	vld [tilespmem:s29+$0xFFFFFE60];
	[tilespmem:s29+$0xF0] =	vst v13;
	v13 =	vmul.f32 v15, v18  }
0x7b: {  	v15 =	vld [tilespmem:s29+$0x170];
	[tilespmem:s29+$0x110] =	vst v10;
	v10 =	vmul.f32 v11, v18  }
0x7c: {  	v9 =	vld [tilespmem:s29+$0xFFFFFE70];
	[tilespmem:s29+$0x120] =	vst v13;
	v11 =	vmul.f32 v12, v18  }
0x7d: {  	v12 =	vmul.f32 v17, v18;
	[tilespmem:s29+$0x130] =	vst v10;
	v10 =	vmul.f32 v16, v18;
	v16 =	vld [tilespmem:s29+$0x1A0]  }
0x7e: {  	v14 =	vld [tilespmem:s29+$0x1B0];
	[tilespmem:s29+$0x140] =	vst v11  }
0x7f: {  	v17 =	vmul.f32 v19, v3;
	v11 =	vld [tilespmem:s29+$0x1C0];
	[tilespmem:s29+$0x160] =	vst v12  }
0x80: {  	v12 =	vld [tilespmem:s29+$0x1D0];
	[tilespmem:s29+$0x150] =	vst v10;
	v10 =	vmul.f32 v15, v18  }
0x81: {  	v13 =	vld [tilespmem:s29+$0x1E0];
	[tilespmem:s29+$0x180] =	vst v17;
	v15 =	vmul.f32 v63, v3  }
0x82: {  	s8 =	simm.s32 $0x6200;
	s7 =	simm.s32 $0x0;
	[tilespmem:s29+$0x170] =	vst v10;
	v10 =	vld [tilespmem:s12+$0xFFFFFE00];
	s12 =	simm.s32 $0x3600;
	v16 =	vmul.f32 v16, v3  }
.LBB2_4:
0x83: {  	v17 =	vld [tilespmem:s8+$0x180];
	[tilespmem:s29+$0x190] =	vst v15;
	v14 =	vmul.f32 v14, v3;
	s12 =	sadd.s32 $0x400, s12  }
0x84: {  	s7 =	sadd.s32 $0x8, s7;
	v15 =	vld [tilespmem:s12+$0x1F0];
	[tilespmem:s29+$0x1A0] =	vst v16;
	v11 =	vmul.f32 v11, v3  }
0x85: {  	p0 =	slt.u32 s7, $0x20;
	v16 =	vld [tilespmem:s12+$0xFFFFFE00];
	[tilespmem:s29+$0x1B0] =	vst v14;
	v12 =	vmul.f32 v12, v3  }
0x86: {  	v14 =	vld [tilespmem:s12+$0xFFFFFE10];
	[tilespmem:s29+$0x1C0] =	vst v11;
	v13 =	vmul.f32 v13, v3  }
0x87: {  	v11 =	vld [tilespmem:s12+$0xFFFFFE20];
	v19 =	vmul.f32 v4, v10;
	v5 =	vmul.f32 v5, v10;
	[tilespmem:s29+$0x1D0] =	vst v12  }
0x88: {  	v6 =	vmul.f32 v6, v10;
	v12 =	vmul.f32 v1, v10;
	v1 =	vld [tilespmem:s12+$0xFFFFFE30];
	[tilespmem:s29+$0x1E0] =	vst v13;
	v3 =	vmov v17  }
0x89: {  	v13 =	vmul.f32 v15, v3;
	[tilespmem:s29+$0xFFFFFE00] =	vst v19;
	v15 =	vmul.f32 v2, v10;
	v2 =	vld [tilespmem:s12+$0xFFFFFE40]  }
0x8a: {  	v18 =	vmul.f32 v8, v10;
	v17 =	vmul.f32 v7, v10;
	[tilespmem:s29+$0xFFFFFE10] =	vst v5;
	v7 =	vld [tilespmem:s12+$0xFFFFFE50];
	v4 =	vmov v16  }
0x8b: {  	v10 =	vmul.f32 v9, v10;
	v8 =	vld [tilespmem:s12+$0xFFFFFE60];
	[tilespmem:s12+$0x1F0] =	vst v13;
	v5 =	vmov v14  }
0x8c: {  	v9 =	vld [tilespmem:s12+$0xFFFFFE70];
	[tilespmem:s29+$0xFFFFFE20] =	vst v6;
	v6 =	vmov v11  }
0x8d: {  	v11 =	vld [tilespmem:s8+$0xFFFFFE80];
	[tilespmem:s29+$0xFFFFFE30] =	vst v12  }
0x8e: {  	v12 =	vld [tilespmem:s12+$0xFFFFFE80];
	[tilespmem:s29+$0xFFFFFE40] =	vst v15  }
0x8f: {  	v13 =	vld [tilespmem:s12+$0xFFFFFE90];
	[tilespmem:s29+$0xFFFFFE50] =	vst v17  }
0x90: {  	v14 =	vld [tilespmem:s12+$0xFFFFFEA0];
	[tilespmem:s29+$0xFFFFFE60] =	vst v18  }
0x91: {  	v15 =	vld [tilespmem:s12+$0xFFFFFEB0];
	[tilespmem:s29+$0xFFFFFE70] =	vst v10;
	s29 =	smov.u32 s12  }
0x92: {  	v10 =	vld [tilespmem:s12+$0xFFFFFEC0]  }
0x93: {  	v12 =	vmul.f32 v12, v11;
	v16 =	vld [tilespmem:s12+$0xFFFFFED0]  }
0x94: {  	v13 =	vmul.f32 v13, v11;
	v17 =	vld [tilespmem:s12+$0xFFFFFEE0]  }
0x95: {  	[tilespmem:s12+$0xFFFFFE80] =	vst v12;
	v12 =	vmul.f32 v14, v11;
	v14 =	vld [tilespmem:s12+$0xFFFFFEF0]  }
0x96: {  	[tilespmem:s12+$0xFFFFFE90] =	vst v13;
	v13 =	vmul.f32 v15, v11;
	v15 =	vld [tilespmem:s8+$0xFFFFFF00]  }
0x97: {  	[tilespmem:s12+$0xFFFFFEA0] =	vst v12;
	v10 =	vmul.f32 v10, v11;
	v12 =	vld [tilespmem:s12+$0xFFFFFF00]  }
0x98: {  	[tilespmem:s12+$0xFFFFFEB0] =	vst v13;
	v13 =	vmul.f32 v16, v11;
	v16 =	vld [tilespmem:s12+$0xFFFFFF10]  }
0x99: {  	[tilespmem:s12+$0xFFFFFEC0] =	vst v10;
	v10 =	vmul.f32 v17, v11;
	v17 =	vld [tilespmem:s12+$0xFFFFFF20]  }
0x9a: {  	[tilespmem:s12+$0xFFFFFED0] =	vst v13;
	v11 =	vmul.f32 v14, v11;
	v13 =	vld [tilespmem:s12+$0xFFFFFF30]  }
0x9b: {  	[tilespmem:s12+$0xFFFFFEE0] =	vst v10;
	v10 =	vld [tilespmem:s12+$0xFFFFFF40]  }
0x9c: {  	[tilespmem:s12+$0xFFFFFEF0] =	vst v11;
	v11 =	vmul.f32 v12, v15;
	v12 =	vld [tilespmem:s12+$0xFFFFFF50]  }
0x9d: {  	v14 =	vmul.f32 v16, v15;
	v16 =	vld [tilespmem:s12+$0xFFFFFF60]  }
0x9e: {  	[tilespmem:s12+$0xFFFFFF00] =	vst v11;
	v11 =	vmul.f32 v17, v15;
	v17 =	vld [tilespmem:s12+$0xFFFFFF70]  }
0x9f: {  	[tilespmem:s12+$0xFFFFFF10] =	vst v14;
	v13 =	vmul.f32 v13, v15;
	v14 =	vld [tilespmem:s8+$0xFFFFFF80]  }
0xa0: {  	[tilespmem:s12+$0xFFFFFF20] =	vst v11;
	v10 =	vmul.f32 v10, v15;
	v11 =	vld [tilespmem:s12+$0xFFFFFF80]  }
0xa1: {  	[tilespmem:s12+$0xFFFFFF30] =	vst v13;
	v12 =	vmul.f32 v12, v15;
	v13 =	vld [tilespmem:s12+$0xFFFFFF90]  }
0xa2: {  	[tilespmem:s12+$0xFFFFFF40] =	vst v10;
	v10 =	vmul.f32 v16, v15;
	v16 =	vld [tilespmem:s12+$0xFFFFFFA0]  }
0xa3: {  	[tilespmem:s12+$0xFFFFFF50] =	vst v12;
	v12 =	vmul.f32 v17, v15;
	v15 =	vld [tilespmem:s12+$0xFFFFFFB0]  }
0xa4: {  	[tilespmem:s12+$0xFFFFFF60] =	vst v10;
	v10 =	vld [tilespmem:s12+$0xFFFFFFC0]  }
0xa5: {  	[tilespmem:s12+$0xFFFFFF70] =	vst v12;
	v11 =	vmul.f32 v11, v14;
	v12 =	vld [tilespmem:s12+$0xFFFFFFD0]  }
0xa6: {  	v13 =	vmul.f32 v13, v14;
	v17 =	vld [tilespmem:s12+$0xFFFFFFE0]  }
0xa7: {  	[tilespmem:s12+$0xFFFFFF80] =	vst v11;
	v11 =	vmul.f32 v16, v14;
	v16 =	vld [tilespmem:s12+$0xFFFFFFF0]  }
0xa8: {  	[tilespmem:s12+$0xFFFFFF90] =	vst v13;
	v13 =	vmul.f32 v15, v14;
	v15 =	vld [tilespmem:s8+$0x0]  }
0xa9: {  	[tilespmem:s12+$0xFFFFFFA0] =	vst v11;
	v10 =	vmul.f32 v10, v14;
	v11 =	vld [tilespmem:s12+$0x0]  }
0xaa: {  	[tilespmem:s12+$0xFFFFFFB0] =	vst v13;
	v12 =	vmul.f32 v12, v14;
	v13 =	vld [tilespmem:s12+$0x10]  }
0xab: {  	[tilespmem:s12+$0xFFFFFFC0] =	vst v10;
	v10 =	vmul.f32 v17, v14;
	v17 =	vld [tilespmem:s12+$0x20]  }
0xac: {  	[tilespmem:s12+$0xFFFFFFD0] =	vst v12;
	v12 =	vmul.f32 v16, v14;
	v14 =	vld [tilespmem:s12+$0x30]  }
0xad: {  	[tilespmem:s12+$0xFFFFFFE0] =	vst v10;
	v10 =	vld [tilespmem:s12+$0x40]  }
0xae: {  	[tilespmem:s12+$0xFFFFFFF0] =	vst v12;
	v11 =	vmul.f32 v11, v15;
	v12 =	vld [tilespmem:s12+$0x50]  }
0xaf: {  	v13 =	vmul.f32 v13, v15;
	v16 =	vld [tilespmem:s12+$0x60]  }
0xb0: {  	[tilespmem:s12+$0x0] =	vst v11;
	v11 =	vmul.f32 v17, v15;
	v17 =	vld [tilespmem:s12+$0x70]  }
0xb1: {  	[tilespmem:s12+$0x10] =	vst v13;
	v13 =	vmul.f32 v14, v15;
	v14 =	vld [tilespmem:s8+$0x80]  }
0xb2: {  	[tilespmem:s12+$0x20] =	vst v11;
	v10 =	vmul.f32 v10, v15;
	v11 =	vld [tilespmem:s12+$0x80]  }
0xb3: {  	[tilespmem:s12+$0x30] =	vst v13;
	v12 =	vmul.f32 v12, v15;
	v13 =	vld [tilespmem:s12+$0x90]  }
0xb4: {  	[tilespmem:s12+$0x40] =	vst v10;
	v10 =	vmul.f32 v16, v15;
	v16 =	vld [tilespmem:s12+$0xA0]  }
0xb5: {  	[tilespmem:s12+$0x50] =	vst v12;
	v12 =	vmul.f32 v17, v15;
	v15 =	vld [tilespmem:s12+$0xB0]  }
0xb6: {  	[tilespmem:s12+$0x60] =	vst v10;
	v10 =	vld [tilespmem:s12+$0xC0]  }
0xb7: {  	[tilespmem:s12+$0x70] =	vst v12;
	v11 =	vmul.f32 v11, v14;
	v12 =	vld [tilespmem:s12+$0xD0]  }
0xb8: {  	v13 =	vmul.f32 v13, v14;
	v17 =	vld [tilespmem:s12+$0xE0]  }
0xb9: {  	[tilespmem:s12+$0x80] =	vst v11;
	v11 =	vmul.f32 v16, v14;
	v16 =	vld [tilespmem:s12+$0xF0]  }
0xba: {  	[tilespmem:s12+$0x90] =	vst v13;
	v13 =	vmul.f32 v15, v14;
	v15 =	vld [tilespmem:s8+$0x100]  }
0xbb: {  	[tilespmem:s12+$0xA0] =	vst v11;
	v10 =	vmul.f32 v10, v14;
	v11 =	vld [tilespmem:s12+$0x100]  }
0xbc: {  	[tilespmem:s12+$0xB0] =	vst v13;
	v12 =	vmul.f32 v12, v14;
	v13 =	vld [tilespmem:s12+$0x110]  }
0xbd: {  	[tilespmem:s12+$0xC0] =	vst v10;
	v10 =	vmul.f32 v17, v14;
	v17 =	vld [tilespmem:s12+$0x120]  }
0xbe: {  	[tilespmem:s12+$0xD0] =	vst v12;
	v12 =	vmul.f32 v16, v14;
	v14 =	vld [tilespmem:s12+$0x130]  }
0xbf: {  	[tilespmem:s12+$0xE0] =	vst v10;
	v10 =	vld [tilespmem:s12+$0x140]  }
0xc0: {  	[tilespmem:s12+$0xF0] =	vst v12;
	v11 =	vmul.f32 v11, v15;
	v12 =	vld [tilespmem:s12+$0x150]  }
0xc1: {  	v13 =	vmul.f32 v13, v15;
	v16 =	vld [tilespmem:s12+$0x160]  }
0xc2: {  	[tilespmem:s12+$0x100] =	vst v11;
	v11 =	vmul.f32 v17, v15;
	v17 =	vld [tilespmem:s12+$0x170]  }
0xc3: {  	[tilespmem:s12+$0x110] =	vst v13;
	v13 =	vmul.f32 v14, v15;
	v18 =	vld [tilespmem:s12+$0x180]  }
0xc4: {  	[tilespmem:s12+$0x120] =	vst v11;
	v10 =	vmul.f32 v10, v15;
	v19 =	vld [tilespmem:s12+$0x190]  }
0xc5: {  	[tilespmem:s12+$0x130] =	vst v13;
	v11 =	vmul.f32 v12, v15;
	v20 =	vld [tilespmem:s12+$0x1A0]  }
.Ltmp0:
0xc6: {  	[tilespmem:s12+$0x140] =	vst v10;
	v10 =	vmul.f32 v16, v15;
	v14 =	vld [tilespmem:s12+$0x1B0];
	(pc) =	sbr.rel @p0 .LBB2_4-.Ltmp0, $4  }
0xc7: {  	[tilespmem:s12+$0x150] =	vst v11;
	v13 =	vmul.f32 v17, v15;
	v11 =	vld [tilespmem:s12+$0x1C0]  }
0xc8: {  	[tilespmem:s12+$0x160] =	vst v10;
	v16 =	vmul.f32 v18, v3;
	v12 =	vld [tilespmem:s12+$0x1D0]  }
0xc9: {  	[tilespmem:s12+$0x170] =	vst v13;
	v15 =	vmul.f32 v19, v3;
	v13 =	vld [tilespmem:s12+$0x1E0]  }
0xca: {  	v10 =	vld [tilespmem:s8+$0xFFFFFE00];
	[tilespmem:s12+$0x180] =	vst v16;
	v16 =	vmul.f32 v20, v3;
	s8 =	sadd.s32 $0x400, s8  }
0xcb: {  	[tilespmem:s29+$0x190] =	vst v15;
	v14 =	vmul.f32 v14, v3  }
0xcc: {  	[tilespmem:s29+$0x1A0] =	vst v16;
	v11 =	vmul.f32 v11, v3  }
0xcd: {  	[tilespmem:s29+$0x1B0] =	vst v14;
	v12 =	vmul.f32 v12, v3  }
0xce: {  	[tilespmem:s29+$0x1C0] =	vst v11;
	v3 =	vmul.f32 v13, v3  }
0xcf: {  	v4 =	vmul.f32 v4, v10;
	[tilespmem:s29+$0x1D0] =	vst v12  }
0xd0: {  	v5 =	vmul.f32 v5, v10;
	[tilespmem:s29+$0x1E0] =	vst v3  }
0xd1: {  	v1 =	vmul.f32 v1, v10;
	[tilespmem:s29+$0xFFFFFE00] =	vst v4  }
0xd2: {  	v2 =	vmul.f32 v2, v10;
	[tilespmem:s29+$0xFFFFFE10] =	vst v5  }
0xd3: {  	v3 =	vmul.f32 v6, v10;
	[tilespmem:s29+$0xFFFFFE30] =	vst v1  }
0xd4: {  	v1 =	vmul.f32 v8, v10;
	[tilespmem:s29+$0xFFFFFE40] =	vst v2  }
0xd5: {  	v2 =	vmul.f32 v9, v10;
	[tilespmem:s29+$0xFFFFFE20] =	vst v3  }
0xd6: {  	v3 =	vmul.f32 v7, v10;
	[tilespmem:s29+$0xFFFFFE60] =	vst v1  }
0xd7: {  	[tilespmem:s29+$0xFFFFFE70] =	vst v2  }
0xd8: {  	s7 =	sadd.s32 $0x1900, s28;
	[tilespmem:s29+$0xFFFFFE50] =	vst v3  }
0xd9: {  	[spmem:s3] =	stream.indirect.scatter.add.f32 [tilespmem:s19], [sflag:$0x3], $0x80, s7, s18, $0xb8;
	[tilespmem:$0x1EC00] =	vst v63  }
0xda: {  	v1 =	vld [tilespmem:s28+$0x1900];
	_ =	sdelay $0x7  }
0xdb: {  	[tilespmem:v1+s17+$0x0] =	vst.idx.add.f32.msk $0xffff, v0  }
0xdc: {  	v1 =	vld [tilespmem:s28+$0x1910];
	_ =	sdelay $0x7  }
0xdd: {  	[tilespmem:v1+s17+$0x0] =	vst.idx.add.f32.msk $0xffff, v0  }
0xde: {  	v1 =	vld [tilespmem:s28+$0x1918];
	_ =	sdelay $0x7  }
0xdf: {  	[tilespmem:v1+s17+$0x0] =	vst.idx.add.f32.msk vm0, v0  }
0xe0: {  	_ =	swait.ge [sflag:s24], $0x1400  }
0xe1: {  	[sflag:s24] =	ssyncset.done $0x0  }
0xe2: {  	s8 =	simm.s32 $0x7200;
	[sflag:s24] =	ssyncadd.s32 $0xFFFFEC00  }
0xe3: {  	s29 =	simm.s32 $0x4A00;
	v3 =	vld [tilespmem:s8+$0x180]  }
0xe4: {  	v7 =	vld [tilespmem:s29+$0x1F0]  }
0xe5: {  	v4 =	vld [tilespmem:s29+$0xFFFFFE00]  }
0xe6: {  	v5 =	vld [tilespmem:s29+$0xFFFFFE10]  }
0xe7: {  	v6 =	vld [tilespmem:s29+$0xFFFFFE20]  }
0xe8: {  	v1 =	vld [tilespmem:s29+$0xFFFFFE30]  }
0xe9: {  	v8 =	vld [tilespmem:s8+$0xFFFFFE80]  }
0xea: {  	v2 =	vld [tilespmem:s29+$0xFFFFFE80]  }
0xeb: {  	v9 =	vld [tilespmem:s29+$0xFFFFFE90]  }
0xec: {  	v10 =	vld [tilespmem:s29+$0xFFFFFEA0]  }
0xed: {  	v11 =	vld [tilespmem:s29+$0xFFFFFEB0]  }
0xee: {  	v12 =	vld [tilespmem:s29+$0xFFFFFEC0]  }
0xef: {  	v14 =	vld [tilespmem:s29+$0xFFFFFED0]  }
0xf0: {  	v15 =	vld [tilespmem:s29+$0xFFFFFEE0]  }
0xf1: {  	v16 =	vld [tilespmem:s8+$0xFFFFFF00]  }
0xf2: {  	v17 =	vld [tilespmem:s29+$0xFFFFFF00]  }
0xf3: {  	v18 =	vld [tilespmem:s29+$0xFFFFFF10]  }
0xf4: {  	v19 =	vld [tilespmem:s29+$0xFFFFFF20]  }
0xf5: {  	v20 =	vld [tilespmem:s29+$0xFFFFFF30]  }
0xf6: {  	v21 =	vld [tilespmem:s29+$0xFFFFFF40]  }
0xf7: {  	v22 =	vld [tilespmem:s29+$0xFFFFFF50];
	v13 =	vmul.f32 v2, v8  }
0xf8: {  	v60 =	vld [tilespmem:s8+$0x0];
	v7 =	vmul.f32 v7, v3  }
0xf9: {  	v61 =	vld [tilespmem:s29+$0x0];
	v9 =	vmul.f32 v9, v8;
	[tilespmem:s29+$0xFFFFFE80] =	vst v13  }
0xfa: {  	v13 =	vld [tilespmem:s29+$0xFFFFFEF0];
	[tilespmem:s29+$0x1F0] =	vst v7;
	v7 =	vmul.f32 v10, v8  }
0xfb: {  	v62 =	vld [tilespmem:s29+$0x60];
	[tilespmem:s29+$0xFFFFFE90] =	vst v9;
	v9 =	vmul.f32 v11, v8  }
0xfc: {  	v11 =	vld [tilespmem:s8+$0xFFFFFF80];
	[tilespmem:s29+$0xFFFFFEA0] =	vst v7;
	v7 =	vmul.f32 v12, v8  }
0xfd: {  	v12 =	vld [tilespmem:s29+$0xFFFFFF80];
	[tilespmem:s29+$0xFFFFFEB0] =	vst v9;
	v9 =	vmul.f32 v14, v8  }
0xfe: {  	v63 =	vld [tilespmem:s29+$0x190];
	[tilespmem:s29+$0xFFFFFEC0] =	vst v7;
	v7 =	vmul.f32 v15, v8  }
0xff: {  	v2 =	vld [tilespmem:s29+$0xFFFFFE40];
	[tilespmem:s29+$0xFFFFFED0] =	vst v9;
	v8 =	vmul.f32 v13, v8  }
0x100: {  	v9 =	vld [tilespmem:s29+$0xFFFFFFB0];
	[tilespmem:s29+$0xFFFFFEE0] =	vst v7;
	v7 =	vmul.f32 v17, v16  }
0x101: {  	v10 =	vld [tilespmem:s29+$0xFFFFFF60];
	v17 =	vmul.f32 v18, v16;
	[tilespmem:s29+$0xFFFFFEF0] =	vst v8  }
0x102: {  	v14 =	vld [tilespmem:s29+$0xFFFFFF90];
	v8 =	vmul.f32 v12, v11;
	[tilespmem:s29+$0xFFFFFF00] =	vst v7  }
0x103: {  	v15 =	vld [tilespmem:s29+$0xFFFFFFA0];
	v7 =	vmul.f32 v19, v16;
	[tilespmem:s29+$0xFFFFFF10] =	vst v17  }
0x104: {  	v12 =	vld [tilespmem:s29+$0xFFFFFFD0];
	v17 =	vmul.f32 v20, v16;
	[tilespmem:s29+$0xFFFFFF80] =	vst v8  }
0x105: {  	v8 =	vld [tilespmem:s29+$0xFFFFFF70];
	v9 =	vmul.f32 v9, v11;
	[tilespmem:s29+$0xFFFFFF20] =	vst v7  }
0x106: {  	v13 =	vld [tilespmem:s29+$0xFFFFFFC0];
	v7 =	vmul.f32 v21, v16;
	[tilespmem:s29+$0xFFFFFF30] =	vst v17  }
0x107: {  	v19 =	vld [tilespmem:s29+$0xFFFFFFF0];
	v17 =	vmul.f32 v22, v16;
	[tilespmem:s29+$0xFFFFFFB0] =	vst v9  }
0x108: {  	v18 =	vld [tilespmem:s29+$0xFFFFFFE0];
	[tilespmem:s29+$0xFFFFFF40] =	vst v7;
	v7 =	vmul.f32 v10, v16  }
0x109: {  	v10 =	vld [tilespmem:s29+$0x10];
	[tilespmem:s29+$0xFFFFFF50] =	vst v17;
	v9 =	vmul.f32 v12, v11  }
0x10a: {  	v17 =	vld [tilespmem:s29+$0x50];
	v8 =	vmul.f32 v8, v16;
	[tilespmem:s29+$0xFFFFFF60] =	vst v7  }
0x10b: {  	v12 =	vld [tilespmem:s29+$0x70];
	v7 =	vmul.f32 v14, v11;
	[tilespmem:s29+$0xFFFFFFD0] =	vst v9  }
0x10c: {  	v16 =	vld [tilespmem:s29+$0x20];
	v9 =	vmul.f32 v19, v11;
	[tilespmem:s29+$0xFFFFFF70] =	vst v8  }
0x10d: {  	v14 =	vld [tilespmem:s29+$0x30];
	v8 =	vmul.f32 v15, v11;
	[tilespmem:s29+$0xFFFFFF90] =	vst v7  }
0x10e: {  	v19 =	vld [tilespmem:s29+$0x180];
	v7 =	vmul.f32 v61, v60;
	[tilespmem:s29+$0xFFFFFFF0] =	vst v9  }
0x10f: {  	v15 =	vld [tilespmem:s29+$0x40];
	v17 =	vmul.f32 v17, v60;
	[tilespmem:s29+$0xFFFFFFA0] =	vst v8  }
0x110: {  	[tilespmem:s29+$0x0] =	vst v7;
	v8 =	vmul.f32 v13, v11;
	v13 =	vld [tilespmem:s8+$0x80]  }
0x111: {  	v12 =	vmul.f32 v12, v60;
	v9 =	vmul.f32 v16, v60;
	v16 =	vld [tilespmem:s29+$0xA0];
	[tilespmem:s29+$0x50] =	vst v17  }
0x112: {  	v17 =	vld [tilespmem:s29+$0xF0];
	[tilespmem:s29+$0xFFFFFFC0] =	vst v8;
	v8 =	vmul.f32 v18, v11  }
0x113: {  	[tilespmem:s29+$0x70] =	vst v12;
	v11 =	vld [tilespmem:s29+$0x80]  }
0x114: {  	[tilespmem:s29+$0xFFFFFFE0] =	vst v8;
	v8 =	vmul.f32 v10, v60;
	v10 =	vld [tilespmem:s29+$0x90]  }
0x115: {  	v18 =	vmul.f32 v62, v60;
	[tilespmem:s29+$0x20] =	vst v9;
	v9 =	vmul.f32 v15, v60;
	v15 =	vld [tilespmem:s29+$0xC0]  }
0x116: {  	[tilespmem:s29+$0x10] =	vst v8;
	v8 =	vmul.f32 v14, v60;
	v14 =	vld [tilespmem:s29+$0xB0]  }
0x117: {  	[tilespmem:s29+$0x60] =	vst v18;
	v18 =	vld [tilespmem:s8+$0x100]  }
0x118: {  	v12 =	vmul.f32 v16, v13;
	[tilespmem:s29+$0x30] =	vst v8;
	v8 =	vmul.f32 v11, v13;
	v11 =	vld [tilespmem:s29+$0xD0]  }
0x119: {  	[tilespmem:s29+$0x40] =	vst v9;
	v9 =	vld [tilespmem:s29+$0xE0];
	v10 =	vmul.f32 v10, v13  }
0x11a: {  	v16 =	vld [tilespmem:s29+$0x100];
	[tilespmem:s29+$0xA0] =	vst v12;
	v12 =	vmul.f32 v15, v13  }
0x11b: {  	v15 =	vld [tilespmem:s29+$0x120];
	[tilespmem:s29+$0x90] =	vst v10;
	v10 =	vmul.f32 v14, v13  }
0x11c: {  	[tilespmem:s29+$0xC0] =	vst v12;
	v14 =	vld [tilespmem:s29+$0x110]  }
0x11d: {  	v12 =	vld [tilespmem:s29+$0x140];
	[tilespmem:s29+$0xB0] =	vst v10;
	v10 =	vmul.f32 v11, v13  }
0x11e: {  	[tilespmem:s29+$0x80] =	vst v8;
	v9 =	vmul.f32 v9, v13;
	v11 =	vld [tilespmem:s29+$0x130]  }
0x11f: {  	v13 =	vmul.f32 v17, v13;
	v17 =	vld [tilespmem:s29+$0x160];
	[tilespmem:s29+$0xD0] =	vst v10;
	v10 =	vmul.f32 v16, v18  }
0x120: {  	[tilespmem:s29+$0xE0] =	vst v9;
	v16 =	vld [tilespmem:s29+$0x150]  }
0x121: {  	v7 =	vld [tilespmem:s29+$0xFFFFFE50];
	[tilespmem:s29+$0x100] =	vst v10;
	v10 =	vmul.f32 v14, v18  }
0x122: {  	v8 =	vld [tilespmem:s29+$0xFFFFFE60];
	[tilespmem:s29+$0xF0] =	vst v13;
	v13 =	vmul.f32 v15, v18  }
0x123: {  	v15 =	vld [tilespmem:s29+$0x170];
	[tilespmem:s29+$0x110] =	vst v10;
	v10 =	vmul.f32 v11, v18  }
0x124: {  	v9 =	vld [tilespmem:s29+$0xFFFFFE70];
	[tilespmem:s29+$0x120] =	vst v13;
	v11 =	vmul.f32 v12, v18  }
0x125: {  	v12 =	vmul.f32 v17, v18;
	[tilespmem:s29+$0x130] =	vst v10;
	v10 =	vmul.f32 v16, v18;
	v16 =	vld [tilespmem:s29+$0x1A0]  }
0x126: {  	v14 =	vld [tilespmem:s29+$0x1B0];
	[tilespmem:s29+$0x140] =	vst v11  }
0x127: {  	v17 =	vmul.f32 v19, v3;
	v11 =	vld [tilespmem:s29+$0x1C0];
	[tilespmem:s29+$0x160] =	vst v12  }
0x128: {  	v12 =	vld [tilespmem:s29+$0x1D0];
	[tilespmem:s29+$0x150] =	vst v10;
	v10 =	vmul.f32 v15, v18  }
0x129: {  	v13 =	vld [tilespmem:s29+$0x1E0];
	[tilespmem:s29+$0x180] =	vst v17;
	v15 =	vmul.f32 v63, v3  }
0x12a: {  	s12 =	simm.s32 $0x4A00;
	s7 =	simm.s32 $0x0;
	[tilespmem:s29+$0x170] =	vst v10;
	v10 =	vld [tilespmem:s8+$0xFFFFFE00];
	s8 =	simm.s32 $0x7600;
	v16 =	vmul.f32 v16, v3  }
.LBB2_6:
0x12b: {  	v17 =	vld [tilespmem:s8+$0x180];
	[tilespmem:s29+$0x190] =	vst v15;
	v14 =	vmul.f32 v14, v3;
	s12 =	sadd.s32 $0x400, s12  }
0x12c: {  	s7 =	sadd.s32 $0x8, s7;
	v15 =	vld [tilespmem:s12+$0x1F0];
	[tilespmem:s29+$0x1A0] =	vst v16;
	v11 =	vmul.f32 v11, v3  }
0x12d: {  	p0 =	slt.u32 s7, $0x20;
	v16 =	vld [tilespmem:s12+$0xFFFFFE00];
	[tilespmem:s29+$0x1B0] =	vst v14;
	v12 =	vmul.f32 v12, v3  }
0x12e: {  	v14 =	vld [tilespmem:s12+$0xFFFFFE10];
	[tilespmem:s29+$0x1C0] =	vst v11;
	v13 =	vmul.f32 v13, v3  }
0x12f: {  	v11 =	vld [tilespmem:s12+$0xFFFFFE20];
	v19 =	vmul.f32 v4, v10;
	v5 =	vmul.f32 v5, v10;
	[tilespmem:s29+$0x1D0] =	vst v12  }
0x130: {  	v6 =	vmul.f32 v6, v10;
	v12 =	vmul.f32 v1, v10;
	v1 =	vld [tilespmem:s12+$0xFFFFFE30];
	[tilespmem:s29+$0x1E0] =	vst v13;
	v3 =	vmov v17  }
0x131: {  	v13 =	vmul.f32 v15, v3;
	[tilespmem:s29+$0xFFFFFE00] =	vst v19;
	v15 =	vmul.f32 v2, v10;
	v2 =	vld [tilespmem:s12+$0xFFFFFE40]  }
0x132: {  	v18 =	vmul.f32 v8, v10;
	v17 =	vmul.f32 v7, v10;
	[tilespmem:s29+$0xFFFFFE10] =	vst v5;
	v7 =	vld [tilespmem:s12+$0xFFFFFE50];
	v4 =	vmov v16  }
0x133: {  	v10 =	vmul.f32 v9, v10;
	v8 =	vld [tilespmem:s12+$0xFFFFFE60];
	[tilespmem:s12+$0x1F0] =	vst v13;
	v5 =	vmov v14  }
0x134: {  	v9 =	vld [tilespmem:s12+$0xFFFFFE70];
	[tilespmem:s29+$0xFFFFFE20] =	vst v6;
	v6 =	vmov v11  }
0x135: {  	v11 =	vld [tilespmem:s8+$0xFFFFFE80];
	[tilespmem:s29+$0xFFFFFE30] =	vst v12  }
0x136: {  	v12 =	vld [tilespmem:s12+$0xFFFFFE80];
	[tilespmem:s29+$0xFFFFFE40] =	vst v15  }
0x137: {  	v13 =	vld [tilespmem:s12+$0xFFFFFE90];
	[tilespmem:s29+$0xFFFFFE50] =	vst v17  }
0x138: {  	v14 =	vld [tilespmem:s12+$0xFFFFFEA0];
	[tilespmem:s29+$0xFFFFFE60] =	vst v18  }
0x139: {  	v15 =	vld [tilespmem:s12+$0xFFFFFEB0];
	[tilespmem:s29+$0xFFFFFE70] =	vst v10;
	s29 =	smov.u32 s12  }
0x13a: {  	v10 =	vld [tilespmem:s12+$0xFFFFFEC0]  }
0x13b: {  	v12 =	vmul.f32 v12, v11;
	v16 =	vld [tilespmem:s12+$0xFFFFFED0]  }
0x13c: {  	v13 =	vmul.f32 v13, v11;
	v17 =	vld [tilespmem:s12+$0xFFFFFEE0]  }
0x13d: {  	[tilespmem:s12+$0xFFFFFE80] =	vst v12;
	v12 =	vmul.f32 v14, v11;
	v14 =	vld [tilespmem:s12+$0xFFFFFEF0]  }
0x13e: {  	[tilespmem:s12+$0xFFFFFE90] =	vst v13;
	v13 =	vmul.f32 v15, v11;
	v15 =	vld [tilespmem:s8+$0xFFFFFF00]  }
0x13f: {  	[tilespmem:s12+$0xFFFFFEA0] =	vst v12;
	v10 =	vmul.f32 v10, v11;
	v12 =	vld [tilespmem:s12+$0xFFFFFF00]  }
0x140: {  	[tilespmem:s12+$0xFFFFFEB0] =	vst v13;
	v13 =	vmul.f32 v16, v11;
	v16 =	vld [tilespmem:s12+$0xFFFFFF10]  }
0x141: {  	[tilespmem:s12+$0xFFFFFEC0] =	vst v10;
	v10 =	vmul.f32 v17, v11;
	v17 =	vld [tilespmem:s12+$0xFFFFFF20]  }
0x142: {  	[tilespmem:s12+$0xFFFFFED0] =	vst v13;
	v11 =	vmul.f32 v14, v11;
	v13 =	vld [tilespmem:s12+$0xFFFFFF30]  }
0x143: {  	[tilespmem:s12+$0xFFFFFEE0] =	vst v10;
	v10 =	vld [tilespmem:s12+$0xFFFFFF40]  }
0x144: {  	[tilespmem:s12+$0xFFFFFEF0] =	vst v11;
	v11 =	vmul.f32 v12, v15;
	v12 =	vld [tilespmem:s12+$0xFFFFFF50]  }
0x145: {  	v14 =	vmul.f32 v16, v15;
	v16 =	vld [tilespmem:s12+$0xFFFFFF60]  }
0x146: {  	[tilespmem:s12+$0xFFFFFF00] =	vst v11;
	v11 =	vmul.f32 v17, v15;
	v17 =	vld [tilespmem:s12+$0xFFFFFF70]  }
0x147: {  	[tilespmem:s12+$0xFFFFFF10] =	vst v14;
	v13 =	vmul.f32 v13, v15;
	v14 =	vld [tilespmem:s8+$0xFFFFFF80]  }
0x148: {  	[tilespmem:s12+$0xFFFFFF20] =	vst v11;
	v10 =	vmul.f32 v10, v15;
	v11 =	vld [tilespmem:s12+$0xFFFFFF80]  }
0x149: {  	[tilespmem:s12+$0xFFFFFF30] =	vst v13;
	v12 =	vmul.f32 v12, v15;
	v13 =	vld [tilespmem:s12+$0xFFFFFF90]  }
0x14a: {  	[tilespmem:s12+$0xFFFFFF40] =	vst v10;
	v10 =	vmul.f32 v16, v15;
	v16 =	vld [tilespmem:s12+$0xFFFFFFA0]  }
0x14b: {  	[tilespmem:s12+$0xFFFFFF50] =	vst v12;
	v12 =	vmul.f32 v17, v15;
	v15 =	vld [tilespmem:s12+$0xFFFFFFB0]  }
0x14c: {  	[tilespmem:s12+$0xFFFFFF60] =	vst v10;
	v10 =	vld [tilespmem:s12+$0xFFFFFFC0]  }
0x14d: {  	[tilespmem:s12+$0xFFFFFF70] =	vst v12;
	v11 =	vmul.f32 v11, v14;
	v12 =	vld [tilespmem:s12+$0xFFFFFFD0]  }
0x14e: {  	v13 =	vmul.f32 v13, v14;
	v17 =	vld [tilespmem:s12+$0xFFFFFFE0]  }
0x14f: {  	[tilespmem:s12+$0xFFFFFF80] =	vst v11;
	v11 =	vmul.f32 v16, v14;
	v16 =	vld [tilespmem:s12+$0xFFFFFFF0]  }
0x150: {  	[tilespmem:s12+$0xFFFFFF90] =	vst v13;
	v13 =	vmul.f32 v15, v14;
	v15 =	vld [tilespmem:s8+$0x0]  }
0x151: {  	[tilespmem:s12+$0xFFFFFFA0] =	vst v11;
	v10 =	vmul.f32 v10, v14;
	v11 =	vld [tilespmem:s12+$0x0]  }
0x152: {  	[tilespmem:s12+$0xFFFFFFB0] =	vst v13;
	v12 =	vmul.f32 v12, v14;
	v13 =	vld [tilespmem:s12+$0x10]  }
0x153: {  	[tilespmem:s12+$0xFFFFFFC0] =	vst v10;
	v10 =	vmul.f32 v17, v14;
	v17 =	vld [tilespmem:s12+$0x20]  }
0x154: {  	[tilespmem:s12+$0xFFFFFFD0] =	vst v12;
	v12 =	vmul.f32 v16, v14;
	v14 =	vld [tilespmem:s12+$0x30]  }
0x155: {  	[tilespmem:s12+$0xFFFFFFE0] =	vst v10;
	v10 =	vld [tilespmem:s12+$0x40]  }
0x156: {  	[tilespmem:s12+$0xFFFFFFF0] =	vst v12;
	v11 =	vmul.f32 v11, v15;
	v12 =	vld [tilespmem:s12+$0x50]  }
0x157: {  	v13 =	vmul.f32 v13, v15;
	v16 =	vld [tilespmem:s12+$0x60]  }
0x158: {  	[tilespmem:s12+$0x0] =	vst v11;
	v11 =	vmul.f32 v17, v15;
	v17 =	vld [tilespmem:s12+$0x70]  }
0x159: {  	[tilespmem:s12+$0x10] =	vst v13;
	v13 =	vmul.f32 v14, v15;
	v14 =	vld [tilespmem:s8+$0x80]  }
0x15a: {  	[tilespmem:s12+$0x20] =	vst v11;
	v10 =	vmul.f32 v10, v15;
	v11 =	vld [tilespmem:s12+$0x80]  }
0x15b: {  	[tilespmem:s12+$0x30] =	vst v13;
	v12 =	vmul.f32 v12, v15;
	v13 =	vld [tilespmem:s12+$0x90]  }
0x15c: {  	[tilespmem:s12+$0x40] =	vst v10;
	v10 =	vmul.f32 v16, v15;
	v16 =	vld [tilespmem:s12+$0xA0]  }
0x15d: {  	[tilespmem:s12+$0x50] =	vst v12;
	v12 =	vmul.f32 v17, v15;
	v15 =	vld [tilespmem:s12+$0xB0]  }
0x15e: {  	[tilespmem:s12+$0x60] =	vst v10;
	v10 =	vld [tilespmem:s12+$0xC0]  }
0x15f: {  	[tilespmem:s12+$0x70] =	vst v12;
	v11 =	vmul.f32 v11, v14;
	v12 =	vld [tilespmem:s12+$0xD0]  }
0x160: {  	v13 =	vmul.f32 v13, v14;
	v17 =	vld [tilespmem:s12+$0xE0]  }
0x161: {  	[tilespmem:s12+$0x80] =	vst v11;
	v11 =	vmul.f32 v16, v14;
	v16 =	vld [tilespmem:s12+$0xF0]  }
0x162: {  	[tilespmem:s12+$0x90] =	vst v13;
	v13 =	vmul.f32 v15, v14;
	v15 =	vld [tilespmem:s8+$0x100]  }
0x163: {  	[tilespmem:s12+$0xA0] =	vst v11;
	v10 =	vmul.f32 v10, v14;
	v11 =	vld [tilespmem:s12+$0x100]  }
0x164: {  	[tilespmem:s12+$0xB0] =	vst v13;
	v12 =	vmul.f32 v12, v14;
	v13 =	vld [tilespmem:s12+$0x110]  }
0x165: {  	[tilespmem:s12+$0xC0] =	vst v10;
	v10 =	vmul.f32 v17, v14;
	v17 =	vld [tilespmem:s12+$0x120]  }
0x166: {  	[tilespmem:s12+$0xD0] =	vst v12;
	v12 =	vmul.f32 v16, v14;
	v14 =	vld [tilespmem:s12+$0x130]  }
0x167: {  	[tilespmem:s12+$0xE0] =	vst v10;
	v10 =	vld [tilespmem:s12+$0x140]  }
0x168: {  	[tilespmem:s12+$0xF0] =	vst v12;
	v11 =	vmul.f32 v11, v15;
	v12 =	vld [tilespmem:s12+$0x150]  }
0x169: {  	v13 =	vmul.f32 v13, v15;
	v16 =	vld [tilespmem:s12+$0x160]  }
0x16a: {  	[tilespmem:s12+$0x100] =	vst v11;
	v11 =	vmul.f32 v17, v15;
	v17 =	vld [tilespmem:s12+$0x170]  }
0x16b: {  	[tilespmem:s12+$0x110] =	vst v13;
	v13 =	vmul.f32 v14, v15;
	v18 =	vld [tilespmem:s12+$0x180]  }
0x16c: {  	[tilespmem:s12+$0x120] =	vst v11;
	v10 =	vmul.f32 v10, v15;
	v19 =	vld [tilespmem:s12+$0x190]  }
0x16d: {  	[tilespmem:s12+$0x130] =	vst v13;
	v11 =	vmul.f32 v12, v15;
	v20 =	vld [tilespmem:s12+$0x1A0]  }
.Ltmp1:
0x16e: {  	[tilespmem:s12+$0x140] =	vst v10;
	v10 =	vmul.f32 v16, v15;
	v14 =	vld [tilespmem:s12+$0x1B0];
	(pc) =	sbr.rel @p0 .LBB2_6-.Ltmp1, $4  }
0x16f: {  	[tilespmem:s12+$0x150] =	vst v11;
	v13 =	vmul.f32 v17, v15;
	v11 =	vld [tilespmem:s12+$0x1C0]  }
0x170: {  	[tilespmem:s12+$0x160] =	vst v10;
	v16 =	vmul.f32 v18, v3;
	v12 =	vld [tilespmem:s12+$0x1D0]  }
0x171: {  	[tilespmem:s12+$0x170] =	vst v13;
	v15 =	vmul.f32 v19, v3;
	v13 =	vld [tilespmem:s12+$0x1E0]  }
0x172: {  	v10 =	vld [tilespmem:s8+$0xFFFFFE00];
	[tilespmem:s12+$0x180] =	vst v16;
	v16 =	vmul.f32 v20, v3;
	s8 =	sadd.s32 $0x400, s8  }
0x173: {  	[tilespmem:s29+$0x190] =	vst v15;
	v14 =	vmul.f32 v14, v3  }
0x174: {  	[tilespmem:s29+$0x1A0] =	vst v16;
	v11 =	vmul.f32 v11, v3  }
0x175: {  	[tilespmem:s29+$0x1B0] =	vst v14;
	v12 =	vmul.f32 v12, v3  }
0x176: {  	[tilespmem:s29+$0x1C0] =	vst v11;
	v3 =	vmul.f32 v13, v3  }
0x177: {  	v4 =	vmul.f32 v4, v10;
	[tilespmem:s29+$0x1D0] =	vst v12  }
0x178: {  	v5 =	vmul.f32 v5, v10;
	[tilespmem:s29+$0x1E0] =	vst v3  }
0x179: {  	v1 =	vmul.f32 v1, v10;
	[tilespmem:s29+$0xFFFFFE00] =	vst v4  }
0x17a: {  	v2 =	vmul.f32 v2, v10;
	[tilespmem:s29+$0xFFFFFE10] =	vst v5  }
0x17b: {  	v3 =	vmul.f32 v6, v10;
	[tilespmem:s29+$0xFFFFFE30] =	vst v1  }
0x17c: {  	v1 =	vmul.f32 v8, v10;
	[tilespmem:s29+$0xFFFFFE40] =	vst v2  }
0x17d: {  	v2 =	vmul.f32 v9, v10;
	[tilespmem:s29+$0xFFFFFE20] =	vst v3  }
0x17e: {  	v3 =	vmul.f32 v7, v10;
	[tilespmem:s29+$0xFFFFFE60] =	vst v1  }
0x17f: {  	[tilespmem:s29+$0xFFFFFE70] =	vst v2  }
0x180: {  	s7 =	sadd.s32 $0x1980, s28;
	[tilespmem:s29+$0xFFFFFE50] =	vst v3  }
0x181: {  	[spmem:s3] =	stream.indirect.scatter.add.f32 [tilespmem:s20], [sflag:$0x4], $0x80, s7, s18, $0xb8;
	[tilespmem:$0x1EC00] =	vst v63  }
0x182: {  	v1 =	vld [tilespmem:s28+$0x1980];
	_ =	sdelay $0x7  }
0x183: {  	[tilespmem:v1+s17+$0x0] =	vst.idx.add.f32.msk $0xffff, v0  }
0x184: {  	v1 =	vld [tilespmem:s28+$0x1990];
	_ =	sdelay $0x7  }
0x185: {  	[tilespmem:v1+s17+$0x0] =	vst.idx.add.f32.msk $0xffff, v0  }
0x186: {  	v1 =	vld [tilespmem:s28+$0x1998];
	_ =	sdelay $0x7  }
0x187: {  	s1 =	sadd.s32 $0x1, s1;
	[tilespmem:v1+s17+$0x0] =	vst.idx.add.f32.msk vm0, v0  }
0x188: {  	p0 =	sne.s32 s1, $0x19;
	_ =	swait.ge [sflag:s25], $0x1400  }
.Ltmp2:
0x189: {  	[sflag:s25] =	ssyncset.done $0x0;
	(pc) =	sbr.rel @p0 .LBB2_3-.Ltmp2, $4  }
0x18a: {  	[sflag:s25] =	ssyncadd.s32 $0xFFFFEC00  }
0x18b: {  	_ =	swait.ge [sflag:s26], $0x1400  }
0x18c: {  	[sflag:s26] =	ssyncset.done $0x0  }
0x18d: {  	[sflag:s26] =	ssyncadd.s32 $0xFFFFEC00  }
0x18e: {  	s31 =	sadd.s32 $0x1, s31  }
0x18f: {  	p0 =	sne.s32 s31, $0x5  }
.Ltmp3:
0x190: {  	_ = 	snop;
	(pc) =	sbr.rel @p0 .LBB2_2-.Ltmp3, $1  }
0x191: {  	_ =	sdelay $0x3  }
0x192: {  	[bflag:$0x0] =	sbarrier.arrive $0xFFFF  }
0x193: {  	s1 =	rddreg [dreg:$0x7]  }
0x194: {  	[hbm:s1], [sflag:s10] =	dma.local [spmem:s15], $0x2800  }
0x195: {  	s30 =	sadd.s32 $0x1, s30;
	_ =	swait.ge [sflag:s16], $0x2800  }
0x196: {  	s31 =	simm.s32 $0x80;
	p0 =	sne.s32 s30, s14;
	[sflag:s16] =	ssyncset.done $0x0  }
.Ltmp4:
0x197: {  	s2 =	simm.s32 $0x400;
	[sflag:s16] =	ssyncadd.s32 $0xFFFFD800;
	(pc) =	sbr.rel @p0 .LBB2_1-.Ltmp4, $4  }
0x198: {  	[hbm4b:s13+s31] =	stream.strided.scatter [tilespmem:s17], [sflag:$0x5], $0x2800, s2, s31, $0x38;
	[tilespmem:$0x1EC00] =	vst v63  }
0x199: {  	_ =	swait.ge [sflag:s16], $0x2800  }
0x19a: {  	[sflag:s16] =	ssyncset.done $0x0  }
0x19b: {  	[sflag:s16] =	ssyncadd.s32 $0xFFFFD800  }
0x19c: {  	_ =	sfence.sel $0x180000  }
0x19d: {  	[bflag:$0x0] =	sbarrier.arrive $0xFFFF  }
0x19e: {  	_ =	strace $0x9000004A  }
0x19f: {  	s0 =	stileid.u32;
	[bflag:$0x2] =	sbarrier.arrive $0xFFFF  }
0x1a0: {  	p0 =	sne.s32 s0, $0x0;
	s0 =	rddreg [dreg:$0x4]  }
0x1a1: {  	s0 =	sadd.s32 @!p0 $0x100000, s0  }
0x1a2: {  	[sflag:s0] =	ssyncadd.tile.s32 @!p0 $0x1;
	_ =	shalt  }
.Lfunc_end2:
_tile_overlayer_lowered:
.L_overlay_start_2:
0x1a3: {  	(tag) =	ssettag $0x2  }
0x1a4: {  	s0 =	rddreg [dreg:$0x0];
	s2 =	stileid.u32  }
0x1a5: {  	s1 =	rddreg [dreg:$0x1];
	p0 =	sne.s32 s2, $0x0  }
0x1a6: {  	s3 =	rddreg [dreg:$0x2];
	[bflag:$0x3] =	sbarrier.arrive $0xFFFF;
	s2 =	simm.s32 @!p0 $0x1C05  }
0x1a7: {  	[timem:s3], [sflag:s2] =	dma.local @!p0 [hbm:s0], s1  }
0x1a8: {  	s0 =	simm.s32 @!p0 $0x5  }
0x1a9: {  	_ =	swait.ge @!p0 [sflag:s0], s1  }
0x1aa: {  	s1 =	ssub.s32 @!p0 $0x0, s1;
	[sflag:s0] =	ssyncset.done @!p0 $0x0  }
0x1ab: {  	[sflag:s0] =	ssyncadd.s32 @!p0 s1  }
0x1ac: {  	[bflag:$0x3] =	sbarrier.arrive $0xFFFF  }
0x1ad: {  	_ =	shalt  }

// kernel: kernel.8.cloned.1.call-start
scs
__scs_entry_jumppad:
0x0: {  	(pc) =	sbr.rel $0x88, $3  }
0x1: {  	(tag) =	ssettag $0x0;
	lr =	simm.s32 $0x1  }
0x2: {  	[smem:$0x3F95] =	sst lr;
	_ =	strace $0xD0000000  }
0x3: {  	_ = 	snop  }
0x4: {  	_ = 	snop  }
0x5: {  	_ = 	snop  }
0x6: {  	_ = 	snop  }
0x7: {  	_ = 	snop  }
__scs_overlays_trampoline_lowered:
0x8: {  	[smem:$0x3FA4] =	sst s0  }
0x9: {  	[smem:$0x3FA5] =	sst s1  }
0xa: {  	[smem:$0x3FA6] =	sst s2  }
0xb: {  	[smem:$0x3FA7] =	sst s3  }
0xc: {  	[smem:$0x3FA8] =	sst s4  }
0xd: {  	[smem:$0x3FA9] =	sst s5  }
0xe: {  	[smem:$0x3FAA] =	sst s6  }
0xf: {  	[smem:$0x3FAB] =	sst s7  }
0x10: {  	[smem:$0x3FAC] =	sst s8  }
0x11: {  	[smem:$0x3FAD] =	sst s9;
	s0 =	simm.s32 @!p0 $0x0  }
0x12: {  	s1 =	sld [smem:$0x3F93];
	s0 =	simm.s32 @p0 $0x1  }
0x13: {  	[smem:$0x3FAE] =	sst s0;
	s0 =	simm.s32 @!p1 $0x0  }
0x14: {  	s2 =	sld [smem:$0x3F92];
	s0 =	simm.s32 @p1 $0x1  }
0x15: {  	[smem:$0x3FAF] =	sst s0;
	s0 =	simm.s32 @!p2 $0x0  }
0x16: {  	s3 =	sld [smem:$0x3FDB];
	s0 =	simm.s32 @p2 $0x1  }
0x17: {  	s4 =	simm.s32 $0x1BF5;
	[smem:$0x3FB1] =	sst s0  }
0x18: {  	s0 =	sld [smem:$0x3F94];
	_ =	swait.ge [sflag:s4], $0x0  }
0x19: {  	s7 =	sld [smem:$0x3F95]  }
0x1a: {  	s8 =	sadd.s32 $0xFFFFE003, lr  }
0x1b: {  	s9 =	sadd.s32 $0xFFFFFEF7, lr;
	s5 =	simm.s32 $0xFFFFFFFF;
	p2 =	slt.u32 s8, $0xFFFFF086  }
0x1c: {  	p1 =	slt.u32 s9, $0xF7A;
	s5 =	simm.s32 @!p2 $0x0  }
0x1d: {  	s5 =	simm.s32 @p1 $0x1;
	p0 =	seq.s32 s7, s2  }
0x1e: {  	s7 =	smul.u32 @!p0 $0xF7A, s2;
	p2 =	seq.s32 @!p0 s5, $0x0  }
0x1f: {  	s9 =	smul.u32 $0xF7A, s1;
	s8 =	simm.s32 @!p0 $0x1BF5;
	p2 =	por !p2, p0  }
0x20: {  	[sflag:s8] =	ssyncset.s32 @!p0 $0xFFFFF086;
	s6 =	sadd.s32 @!p0 s3, s7;
	s7 =	simm.s32 @!p0 $0x108  }
0x21: {  	s3 =	sadd.s32 s3, s9;
	s6 =	sadd.s32 @!p0 $0x88, s6;
	s7 =	simm.s32 @p2 $0x1082  }
0x22: {  	[simem:s7], [sflag:s8] =	dma.local @!p0 [hbm:s6], $0xF7A  }
0x23: {  	s9 =	sor.u32 $0xD0000000, s2;
	s6 =	simm.s32 $0x108;
	_ =	swait.ge @!p0 [sflag:s8], $0x0  }
0x24: {  	s3 =	sadd.s32 $0x88, s3;
	s6 =	simm.s32 @!p1 $0x1082;
	[sflag:s4] =	ssyncset.s32 $0xFFFFF086  }
0x25: {  	[simem:s6], [sflag:s4] =	dma.local [hbm:s3], $0xF7A  }
0x26: {  	[smem:$0x3F95] =	sst s1;
	(tag) =	ssettag s2;
	_ =	strace s9  }
0x27: {  	s1 =	sld [smem:$0x3FA5]  }
0x28: {  	s2 =	sld [smem:$0x3FA6]  }
0x29: {  	s4 =	sld [smem:$0x3FA8]  }
0x2a: {  	p0 =	seq.s32 s5, $0x0;
	s5 =	sld [smem:$0x3FA9]  }
0x2b: {  	s6 =	sld [smem:$0x3FAA]  }
0x2c: {  	s7 =	sld [smem:$0x3FAB]  }
0x2d: {  	s3 =	simm.s32 $0x108;
	s8 =	sld [smem:$0x3FAC]  }
0x2e: {  	s3 =	simm.s32 @!p0 $0x1082;
	s9 =	sld [smem:$0x3FAD]  }
0x2f: {  	lr =	sadd.s32 s0, s3;
	s0 =	sld [smem:$0x3FA4]  }
0x30: {  	s3 =	sld [smem:$0x3FA7]  }
0x31: {  	[smem:$0x3FB0] =	sst s10  }
0x32: {  	s10 =	sld [smem:$0x3FAE];
	_ =	sdelay $0x3  }
0x33: {  	p0 =	seq.s32 s10, $0x1;
	s10 =	sld [smem:$0x3FB0];
	_ =	sdelay $0x3  }
0x34: {  	[smem:$0x3FB0] =	sst s10  }
0x35: {  	s10 =	sld [smem:$0x3FAF];
	_ =	sdelay $0x3  }
0x36: {  	p1 =	seq.s32 s10, $0x1;
	s10 =	sld [smem:$0x3FB0];
	_ =	sdelay $0x3  }
0x37: {  	[smem:$0x3FB0] =	sst s10  }
0x38: {  	s10 =	sld [smem:$0x3FB1]  }
0x39: {  	_ = 	snop;
	(pc) =	sbr.ind lr, $3  }
0x3a: {  	_ = 	snop  }
0x3b: {  	_ = 	snop  }
0x3c: {  	p2 =	seq.s32 s10, $0x1;
	s10 =	sld [smem:$0x3FB0]  }
0x3d: {  	_ =	shalt  }
0x3e: {  	_ =	shalt  }
0x3f: {  	_ =	shalt  }
0x40: {  	_ =	shalt  }
0x41: {  	_ =	shalt  }
0x42: {  	_ =	shalt  }
0x43: {  	_ =	shalt  }
0x44: {  	_ =	shalt  }
0x45: {  	_ =	shalt  }
0x46: {  	_ =	shalt  }
0x47: {  	_ =	shalt  }
0x48: {  	_ =	shalt  }
0x49: {  	_ =	shalt  }
0x4a: {  	_ =	shalt  }
0x4b: {  	_ =	shalt  }
0x4c: {  	_ =	shalt  }
0x4d: {  	_ =	shalt  }
0x4e: {  	_ =	shalt  }
0x4f: {  	_ =	shalt  }
0x50: {  	_ =	shalt  }
0x51: {  	_ =	shalt  }
0x52: {  	_ =	shalt  }
0x53: {  	_ =	shalt  }
0x54: {  	_ =	shalt  }
0x55: {  	_ =	shalt  }
0x56: {  	_ =	shalt  }
0x57: {  	_ =	shalt  }
0x58: {  	_ =	shalt  }
0x59: {  	_ =	shalt  }
0x5a: {  	_ =	shalt  }
0x5b: {  	_ =	shalt  }
0x5c: {  	_ =	shalt  }
0x5d: {  	_ =	shalt  }
0x5e: {  	_ =	shalt  }
0x5f: {  	_ =	shalt  }
0x60: {  	_ =	shalt  }
0x61: {  	_ =	shalt  }
0x62: {  	_ =	shalt  }
0x63: {  	_ =	shalt  }
0x64: {  	_ =	shalt  }
0x65: {  	_ =	shalt  }
0x66: {  	_ =	shalt  }
0x67: {  	_ =	shalt  }
0x68: {  	_ =	shalt  }
0x69: {  	_ =	shalt  }
0x6a: {  	_ =	shalt  }
0x6b: {  	_ =	shalt  }
0x6c: {  	_ =	shalt  }
0x6d: {  	_ =	shalt  }
0x6e: {  	_ =	shalt  }
0x6f: {  	_ =	shalt  }
0x70: {  	_ =	shalt  }
0x71: {  	_ =	shalt  }
0x72: {  	_ =	shalt  }
0x73: {  	_ =	shalt  }
0x74: {  	_ =	shalt  }
0x75: {  	_ =	shalt  }
0x76: {  	_ =	shalt  }
0x77: {  	_ =	shalt  }
0x78: {  	_ =	shalt  }
0x79: {  	_ =	shalt  }
0x7a: {  	_ =	shalt  }
0x7b: {  	_ =	shalt  }
0x7c: {  	_ =	shalt  }
0x7d: {  	_ =	shalt  }
0x7e: {  	_ =	shalt  }
0x7f: {  	_ =	shalt  }
0x80: {  	_ =	shalt  }
0x81: {  	_ =	shalt  }
0x82: {  	_ =	shalt  }
0x83: {  	_ =	shalt  }
0x84: {  	_ =	shalt  }
0x85: {  	_ =	shalt  }
0x86: {  	_ =	shalt  }
0x87: {  	_ =	shalt  }
.Lfunc_end0:
.L_simem_size_0:
called_computation_lowered:
.L_overlay_start_0:
0x88: {  	s2 =	sld [smem:$0x3FD9]  }
0x89: {  	s3 =	sld [smem:$0x3FFE];
	_ =	sdelay $0x1  }
0x8a: {  	s1 =	srdreg.scid  }
0x8b: {  	s0 =	sand.u32 $0x1, s1  }
0x8c: {  	s14 =	sshll.u32 s0, $0xA;
	s2 =	sadd.s32 s3, s2  }
0x8d: {  	s2 =	sadd.s32 s2, s14  }
0x8e: {  	[smem:$0x3FBC] =	sst s2  }
0x8f: {  	_ = 	snop  }
0x90: {  	s2 =	sld [smem:$0x3FD0];
	_ =	sdelay $0x2  }
0x91: {  	s4 =	simm.s32 $0xA;
	s5 =	simm.s32 $0x10;
	s15 =	sld [smem:$0x3FC9]  }
0x92: {  	[smem:s5], [sflag:s4] =	dma.local [hbm:s2], $0x1  }
0x93: {  	_ =	swait.eq [sflag:s4], $0x1  }
0x94: {  	[sflag:s4] =	ssyncset.done $0x0  }
0x95: {  	s16 =	sld [smem:$0x10];
	[sflag:s4] =	ssyncadd.s32 $0xFFFFFFFF  }
0x96: {  	s17 =	sld [smem:$0x11];
	(tm) =	ssettm $0x1  }
0x97: {  	s18 =	sld [smem:$0x3FFB];
	_ =	sdelay $0x3  }
0x98: {  	_ =	strace s18  }
0x99: {  	s5 =	sld [smem:$0x3FFC];
	_ =	sdelay $0x3  }
0x9a: {  	_ =	strace s5  }
0x9b: {  	s5 =	sld [smem:$0x3FFD];
	_ =	sdelay $0x3  }
0x9c: {  	_ =	strace s5  }
0x9d: {  	_ =	strace $0x8FFFFFFF  }
0x9e: {  	s19 =	sld [smem:$0x3FDB];
	_ =	sdelay $0x1  }
0x9f: {  	s6 =	simm.s32 $_scs_section_size  }
0xa0: {  	s7 =	simm.s32 $_size__tile_overlayer_lowered;
	s8 =	simm.s32 $_tile_overlayer_lowered  }
0xa1: {  	s22 =	simm.s32 $0x1BFF;
	s21 =	sshll.u32 s8, $0x1;
	s5 =	sadd.s32 s6, s19  }
0xa2: {  	s9 =	simm.s32 $0x0;
	s20 =	sshll.u32 s7, $0x1;
	s7 =	sadd.s32 s21, s5  }
0xa3: {  	[timem:s9], [sflag:s22] =	dma.local [hbm:s7], s20  }
0xa4: {  	_ =	swait.ge [sflag:s22], s20  }
0xa5: {  	s6 =	ssub.s32 $0x0, s20;
	[sflag:s22] =	ssyncset.done $0x0  }
0xa6: {  	[sflag:s22] =	ssyncadd.s32 s6;
	_ =	sdelay $0x1  }
0xa7: {  	s23 =	simm.s32 $0x1B8B  }
0xa8: {  	_ =	swait.ge [sflag:s23], $0x1  }
0xa9: {  	[sflag:s23] =	ssyncset.done $0x0  }
0xaa: {  	s25 =	simm.s32 $0x1B8E;
	s24 =	sld [smem:$0x3FFE];
	[sflag:s23] =	ssyncadd.s32 $0xFFFFFFFF  }
0xab: {  	s26 =	simm.s32 $execute0_lowered;
	[smem:$0x3FD2] =	sst s25  }
0xac: {  	s7 =	sshll.u32 s26, $0x1;
	_ =	strace $0x80000046;
	[dreg:$0x1] =	wrdreg $0xFFFFFFFF  }
0xad: {  	s28 =	simm.s32 $_size_execute0_lowered;
	s5 =	sadd.s32 s5, s7;
	[dreg:$0x0] =	wrdreg $0x0  }
0xae: {  	s7 =	sshll.u32 s28, $0x1;
	[dreg:$0x2] =	wrdreg s5  }
0xaf: {  	[dreg:$0x3] =	wrdreg s7  }
0xb0: {  	[dreg:$0x4] =	wrdreg $0xC0  }
0xb1: {  	_ =	task [dreg:s9], $0x5FFFF  }
0xb2: {  	[dreg:$0x1] =	wrdreg $0xFFFFFFFF  }
0xb3: {  	[dreg:$0x0] =	wrdreg $0x60  }
0xb4: {  	[dreg:$0x2] =	wrdreg s15  }
0xb5: {  	[dreg:$0x3] =	wrdreg s24  }
0xb6: {  	[dreg:$0x4] =	wrdreg s17  }
0xb7: {  	[dreg:$0x5] =	wrdreg s16  }
0xb8: {  	[dreg:$0x6] =	wrdreg $0xAC000  }
0xb9: {  	[dreg:$0x7] =	wrdreg $0x9  }
0xba: {  	_ =	task.clear_ibuf [dreg:s9], $0x8FFFF;
	_ =	strace $0x90000046  }
0xbb: {  	s29 =	simm.s32 $0x9;
	_ =	strace $0x80000048  }
0xbc: {  	_ =	swait.ge [sflag:s29], $0x1  }
0xbd: {  	[sflag:s29] =	ssyncadd.s32 $0xFFFFFFFF  }
0xbe: {  	_ =	strace $0x90000048  }
0xbf: {  	_ =	sfence  }
0xc0: {  	s30 =	sld [smem:$0x0];
	_ =	sdelay $0x2  }
0xc1: {  	s31 =	sshll.u32 s1, $0xD;
	s1 =	sshrl.u32 s1, $0x2  }
0xc2: {  	s3 =	sand.u32 $0x4000, s31;
	s1 =	sadd.s32 s1, s30  }
0xc3: {  	s0 =	sor.u32 s3, s0;
	s1 =	sshll.u32 s1, $0x11  }
0xc4: {  	s0 =	sor.u32 s1, s0  }
0xc5: {  	s0 =	sadd.s32 $0x8F2B, s0  }
0xc6: {  	[sflag:s0] =	ssyncadd.remote.s32 $0x1  }
0xc7: {  	_ =	sfence.sel $0xFFFF  }
0xc8: {  	[dreg:$0x0] =	wrdreg $0xFFFFFFFF;
	(pc) =	sbr.abs _section_cstart, $3  }
0xc9: {  	[dreg:$0x1] =	wrdreg $0xFFFFFFFF  }
0xca: {  	_ =	task.clear_ibuf [dreg:s9], $0x2FFFF;
	_ =	strace $0x9FFFFFFF  }
0xcb: {  	(tm) =	ssettm $0x7FFFFFFF  }
tec
execute0_lowered:
.L_overlay_start_1:
0x0: {  	(tag) =	ssettag $0x1  }
0x1: {  	s1 =	rddreg [dreg:$0x0]  }
0x2: {  	s0 =	rddreg [dreg:$0x1]  }
0x3: {  	s5 =	rddreg [dreg:$0x2]  }
0x4: {  	s7 =	rddreg [dreg:$0x3]  }
0x5: {  	s2 =	rddreg [dreg:$0x4]  }
0x6: {  	s3 =	simm.s32 $0x0;
	s8 =	srdreg.scid;
	s13 =	stileid.u32  }
0x7: {  	s16 =	simm.s32 $0x5;
	s17 =	simm.s32 $0x8400;
	s18 =	simm.s32 $0x28  }
0x8: {  	s19 =	simm.s32 $0x3400;
	s20 =	simm.s32 $0x4800;
	s21 =	simm.s32 $0x5C00  }
0x9: {  	s30 =	simm.s32 $0x0;
	[smem:$0x7FF] =	sst s3;
	s4 =	sadd.s32 $0x4A00, s0  }
0xa: {  	s6 =	sadd.s32 $0x45A00, s0;
	s9 =	sadd.s32 $0x527A00, s0;
	s8 =	sand.u32 $0x1, s8  }
0xb: {  	s0 =	sadd.s32 $0x52A200, s0;
	s10 =	sshll.u32 s13, $0x1;
	s11 =	smul.u32 $0x50000, s13  }
0xc: {  	s25 =	smul.u32 $0x14000, s13;
	_ =	strace $0x80000047;
	[dreg:$0x6] =	wrdreg s9  }
0xd: {  	s26 =	sshrl.u32 s13, $0x2;
	s13 =	sshll.u32 s13, $0x6;
	[dreg:$0x7] =	wrdreg s0  }
0xe: {  	s22 =	ssub.s32 $0x2, s8;
	s12 =	sor.u32 s8, s10;
	s8 =	smul.u32 $0x140000, s8  }
0xf: {  	s14 =	smul.u32 $0x14000, s26;
	s9 =	sor.u32 $0x1C05, s13;
	s26 =	simm.s32 $0x4  }
0x10: {  	s23 =	sshrl.u32 s22, $0x1;
	s24 =	sshrl.u32 s11, $0x2;
	s10 =	smul.u32 $0x10400, s12  }
0x11: {  	s28 =	sshll.u32 s12, $0x7;
	s11 =	smul.u32 $0x138800, s12;
	s0 =	ssub.s32 s22, s23  }
0x12: {  	s15 =	sadd.s32 s24, s2;
	s29 =	sand.u32 $0x380, s28;
	s8 =	sadd.s32 s25, s8  }
0x13: {  	s22 =	simm.s32 $0x7000;
	s23 =	simm.s32 $0x1;
	s24 =	simm.s32 $0x2  }
0x14: {  	s25 =	simm.s32 $0x3;
	s13 =	sor.u32 s14, s29;
	s8 =	sshrl.u32 s8, $0x3  }
0x15: {  	s14 =	smax.u32 s0, $0x1;
	s31 =	sshrl.u32 s13, $0x3;
	s5 =	sadd.s32 s5, s8  }
0x16: {  	v0 =	vimm.f32 $1.000000000e+00;
	vm0 =	vcmask $0x3F20;
	s15 =	sshrl.u32 s15, $0x3;
	[dreg:$0x8] =	wrdreg s5;
	s13 =	sadd.s32 s7, s31  }
.LBB2_1:
0x17: {  	s0 =	rddreg [dreg:$0x6]  }
0x18: {  	[spmem:s15], [sflag:s9] =	dma.local [hbm:s0], $0x2800  }
0x19: {  	_ =	swait.ge [sflag:s16], $0x2800  }
0x1a: {  	[sflag:s16] =	ssyncset.done $0x0  }
0x1b: {  	s29 =	rddreg [dreg:$0x7];
	[sflag:s16] =	ssyncadd.s32 $0xFFFFD800  }
0x1c: {  	[tilespmem:s17], [sflag:$0x5] =	stream.linear.gather [hbm4b:s29+s3], $0x2800, $0x38;
	[tilespmem:$0x1EC00] =	vst v63  }
0x1d: {  	_ =	swait.ge [sflag:s16], $0x2800  }
0x1e: {  	[sflag:s16] =	ssyncset.done $0x0  }
0x1f: {  	[sflag:s16] =	ssyncadd.s32 $0xFFFFD800  }
0x20: {  	s31 =	simm.s32 $0x0;
	[bflag:$0x0] =	sbarrier.arrive $0xFFFF  }
.LBB2_2:
0x21: {  	s0 =	smul.u32 $0x3400, s31;
	_ =	sdelay $0x1  }
0x22: {  	s0 =	sadd.s32 s10, s0  }
0x23: {  	s0 =	sshrl.u32 s0, $0x3  }
0x24: {  	s5 =	sadd.s32 s4, s0;
	s0 =	simm.s32 $0x0  }
0x25: {  	[tilespmem:s0], [sflag:$0x5] =	stream.linear.gather [hbm4b:s5+s0], $0x3200, $0x38;
	[tilespmem:$0x1EC00] =	vst v63  }
0x26: {  	_ =	swait.ge [sflag:s16], $0x3200  }
0x27: {  	[sflag:s16] =	ssyncset.done $0x0  }
0x28: {  	s5 =	smul.u32 $0x32, s31;
	[sflag:s16] =	ssyncadd.s32 $0xFFFFCE00  }
.LBB2_3:
0x29: {  	s7 =	sshll.u32 s0, $0x8;
	s8 =	sshll.u32 s0, $0x1;
	s12 =	sshllo.u32 s0, $0x1  }
0x2a: {  	s28 =	sand.u32 $0x3FFFFF00, s7;
	s7 =	sshll.u32 s12, $0x7;
	s8 =	sadd.s32 s5, s8  }
0x2b: {  	[tilespmem:s19], [sflag:$0x1] =	stream.indirect.gather [hbm4b:s1+s18], $0x80, s28, s18, $0xb8;
	[tilespmem:$0x1EC00] =	vst v63  }
0x2c: {  	s7 =	sand.u32 $0x3FFFFF80, s7;
	s8 =	smul.u32 $0x1400, s8  }
0x2d: {  	[tilespmem:s20], [sflag:$0x2] =	stream.indirect.gather [hbm4b:s1+s18], $0x80, s7, s18, $0xb8;
	[tilespmem:$0x1EC00] =	vst v63  }
0x2e: {  	s8 =	sadd.s32 s11, s8  }
0x2f: {  	s12 =	sadd.s32 s5, s12;
	s7 =	sshrl.u32 s8, $0x3  }
0x30: {  	s8 =	smul.u32 $0x1400, s12;
	s7 =	sadd.s32 s6, s7  }
0x31: {  	[tilespmem:s21], [sflag:$0x5] =	stream.linear.gather [hbm4b:s7+s3], $0x1400, $0x38;
	[tilespmem:$0x1EC00] =	vst v63  }
0x32: {  	s8 =	sadd.s32 s11, s8;
	_ =	swait.ge [sflag:s16], $0x1400  }
0x33: {  	s7 =	sshrl.u32 s8, $0x3;
	[sflag:s16] =	ssyncset.done $0x0  }
0x34: {  	s7 =	sadd.s32 s6, s7;
	[sflag:s16] =	ssyncadd.s32 $0xFFFFEC00  }
0x35: {  	[tilespmem:s22], [sflag:$0x5] =	stream.linear.gather [hbm4b:s7+s3], $0x1400, $0x38;
	[tilespmem:$0x1EC00] =	vst v63  }
0x36: {  	_ =	swait.ge [sflag:s16], $0x1400  }
0x37: {  	[sflag:s16] =	ssyncset.done $0x0  }
0x38: {  	[sflag:s16] =	ssyncadd.s32 $0xFFFFEC00  }
0x39: {  	_ =	swait.ge [sflag:s23], $0x1400  }
0x3a: {  	[sflag:s23] =	ssyncset.done $0x0  }
0x3b: {  	s12 =	simm.s32 $0x5E00;
	[sflag:s23] =	ssyncadd.s32 $0xFFFFEC00  }
0x3c: {  	s29 =	simm.s32 $0x3600;
	v3 =	vld [tilespmem:s12+$0x180]  }
0x3d: {  	v7 =	vld [tilespmem:s29+$0x1F0]  }
0x3e: {  	v4 =	vld [tilespmem:s29+$0xFFFFFE00]  }
0x3f: {  	v5 =	vld [tilespmem:s29+$0xFFFFFE10]  }
0x40: {  	v6 =	vld [tilespmem:s29+$0xFFFFFE20]  }
0x41: {  	v1 =	vld [tilespmem:s29+$0xFFFFFE30]  }
0x42: {  	v8 =	vld [tilespmem:s12+$0xFFFFFE80]  }
0x43: {  	v2 =	vld [tilespmem:s29+$0xFFFFFE80]  }
0x44: {  	v9 =	vld [tilespmem:s29+$0xFFFFFE90]  }
0x45: {  	v10 =	vld [tilespmem:s29+$0xFFFFFEA0]  }
0x46: {  	v11 =	vld [tilespmem:s29+$0xFFFFFEB0]  }
0x47: {  	v12 =	vld [tilespmem:s29+$0xFFFFFEC0]  }
0x48: {  	v14 =	vld [tilespmem:s29+$0xFFFFFED0]  }
0x49: {  	v15 =	vld [tilespmem:s29+$0xFFFFFEE0]  }
0x4a: {  	v16 =	vld [tilespmem:s12+$0xFFFFFF00]  }
0x4b: {  	v17 =	vld [tilespmem:s29+$0xFFFFFF00]  }
0x4c: {  	v18 =	vld [tilespmem:s29+$0xFFFFFF10]  }
0x4d: {  	v19 =	vld [tilespmem:s29+$0xFFFFFF20]  }
0x4e: {  	v20 =	vld [tilespmem:s29+$0xFFFFFF30]  }
0x4f: {  	v21 =	vld [tilespmem:s29+$0xFFFFFF40]  }
0x50: {  	v22 =	vld [tilespmem:s29+$0xFFFFFF50];
	v13 =	vmul.f32 v2, v8  }
0x51: {  	v60 =	vld [tilespmem:s12+$0x0];
	v7 =	vmul.f32 v7, v3  }
0x52: {  	v61 =	vld [tilespmem:s29+$0x0];
	v9 =	vmul.f32 v9, v8;
	[tilespmem:s29+$0xFFFFFE80] =	vst v13  }
0x53: {  	v13 =	vld [tilespmem:s29+$0xFFFFFEF0];
	[tilespmem:s29+$0x1F0] =	vst v7;
	v7 =	vmul.f32 v10, v8  }
0x54: {  	v62 =	vld [tilespmem:s29+$0x60];
	[tilespmem:s29+$0xFFFFFE90] =	vst v9;
	v9 =	vmul.f32 v11, v8  }
0x55: {  	v11 =	vld [tilespmem:s12+$0xFFFFFF80];
	[tilespmem:s29+$0xFFFFFEA0] =	vst v7;
	v7 =	vmul.f32 v12, v8  }
0x56: {  	v12 =	vld [tilespmem:s29+$0xFFFFFF80];
	[tilespmem:s29+$0xFFFFFEB0] =	vst v9;
	v9 =	vmul.f32 v14, v8  }
0x57: {  	v63 =	vld [tilespmem:s29+$0x190];
	[tilespmem:s29+$0xFFFFFEC0] =	vst v7;
	v7 =	vmul.f32 v15, v8  }
0x58: {  	v2 =	vld [tilespmem:s29+$0xFFFFFE40];
	[tilespmem:s29+$0xFFFFFED0] =	vst v9;
	v8 =	vmul.f32 v13, v8  }
0x59: {  	v9 =	vld [tilespmem:s29+$0xFFFFFFB0];
	[tilespmem:s29+$0xFFFFFEE0] =	vst v7;
	v7 =	vmul.f32 v17, v16  }
0x5a: {  	v10 =	vld [tilespmem:s29+$0xFFFFFF60];
	v17 =	vmul.f32 v18, v16;
	[tilespmem:s29+$0xFFFFFEF0] =	vst v8  }
0x5b: {  	v14 =	vld [tilespmem:s29+$0xFFFFFF90];
	v8 =	vmul.f32 v12, v11;
	[tilespmem:s29+$0xFFFFFF00] =	vst v7  }
0x5c: {  	v15 =	vld [tilespmem:s29+$0xFFFFFFA0];
	v7 =	vmul.f32 v19, v16;
	[tilespmem:s29+$0xFFFFFF10] =	vst v17  }
0x5d: {  	v12 =	vld [tilespmem:s29+$0xFFFFFFD0];
	v17 =	vmul.f32 v20, v16;
	[tilespmem:s29+$0xFFFFFF80] =	vst v8  }
0x5e: {  	v8 =	vld [tilespmem:s29+$0xFFFFFF70];
	v9 =	vmul.f32 v9, v11;
	[tilespmem:s29+$0xFFFFFF20] =	vst v7  }
0x5f: {  	v13 =	vld [tilespmem:s29+$0xFFFFFFC0];
	v7 =	vmul.f32 v21, v16;
	[tilespmem:s29+$0xFFFFFF30] =	vst v17  }
0x60: {  	v19 =	vld [tilespmem:s29+$0xFFFFFFF0];
	v17 =	vmul.f32 v22, v16;
	[tilespmem:s29+$0xFFFFFFB0] =	vst v9  }
0x61: {  	v18 =	vld [tilespmem:s29+$0xFFFFFFE0];
	[tilespmem:s29+$0xFFFFFF40] =	vst v7;
	v7 =	vmul.f32 v10, v16  }
0x62: {  	v10 =	vld [tilespmem:s29+$0x10];
	[tilespmem:s29+$0xFFFFFF50] =	vst v17;
	v9 =	vmul.f32 v12, v11  }
0x63: {  	v17 =	vld [tilespmem:s29+$0x50];
	v8 =	vmul.f32 v8, v16;
	[tilespmem:s29+$0xFFFFFF60] =	vst v7  }
0x64: {  	v12 =	vld [tilespmem:s29+$0x70];
	v7 =	vmul.f32 v14, v11;
	[tilespmem:s29+$0xFFFFFFD0] =	vst v9  }
0x65: {  	v16 =	vld [tilespmem:s29+$0x20];
	v9 =	vmul.f32 v19, v11;
	[tilespmem:s29+$0xFFFFFF70] =	vst v8  }
0x66: {  	v14 =	vld [tilespmem:s29+$0x30];
	v8 =	vmul.f32 v15, v11;
	[tilespmem:s29+$0xFFFFFF90] =	vst v7  }
0x67: {  	v19 =	vld [tilespmem:s29+$0x180];
	v7 =	vmul.f32 v61, v60;
	[tilespmem:s29+$0xFFFFFFF0] =	vst v9  }
0x68: {  	v15 =	vld [tilespmem:s29+$0x40];
	v17 =	vmul.f32 v17, v60;
	[tilespmem:s29+$0xFFFFFFA0] =	vst v8  }
0x69: {  	[tilespmem:s29+$0x0] =	vst v7;
	v8 =	vmul.f32 v13, v11;
	v13 =	vld [tilespmem:s12+$0x80]  }
0x6a: {  	v12 =	vmul.f32 v12, v60;
	v9 =	vmul.f32 v16, v60;
	v16 =	vld [tilespmem:s29+$0xA0];
	[tilespmem:s29+$0x50] =	vst v17  }
0x6b: {  	v17 =	vld [tilespmem:s29+$0xF0];
	[tilespmem:s29+$0xFFFFFFC0] =	vst v8;
	v8 =	vmul.f32 v18, v11  }
0x6c: {  	[tilespmem:s29+$0x70] =	vst v12;
	v11 =	vld [tilespmem:s29+$0x80]  }
0x6d: {  	[tilespmem:s29+$0xFFFFFFE0] =	vst v8;
	v8 =	vmul.f32 v10, v60;
	v10 =	vld [tilespmem:s29+$0x90]  }
0x6e: {  	v18 =	vmul.f32 v62, v60;
	[tilespmem:s29+$0x20] =	vst v9;
	v9 =	vmul.f32 v15, v60;
	v15 =	vld [tilespmem:s29+$0xC0]  }
0x6f: {  	[tilespmem:s29+$0x10] =	vst v8;
	v8 =	vmul.f32 v14, v60;
	v14 =	vld [tilespmem:s29+$0xB0]  }
0x70: {  	[tilespmem:s29+$0x60] =	vst v18;
	v18 =	vld [tilespmem:s12+$0x100]  }
0x71: {  	v12 =	vmul.f32 v16, v13;
	[tilespmem:s29+$0x30] =	vst v8;
	v8 =	vmul.f32 v11, v13;
	v11 =	vld [tilespmem:s29+$0xD0]  }
0x72: {  	[tilespmem:s29+$0x40] =	vst v9;
	v9 =	vld [tilespmem:s29+$0xE0];
	v10 =	vmul.f32 v10, v13  }
0x73: {  	v16 =	vld [tilespmem:s29+$0x100];
	[tilespmem:s29+$0xA0] =	vst v12;
	v12 =	vmul.f32 v15, v13  }
0x74: {  	v15 =	vld [tilespmem:s29+$0x120];
	[tilespmem:s29+$0x90] =	vst v10;
	v10 =	vmul.f32 v14, v13  }
0x75: {  	[tilespmem:s29+$0xC0] =	vst v12;
	v14 =	vld [tilespmem:s29+$0x110]  }
0x76: {  	v12 =	vld [tilespmem:s29+$0x140];
	[tilespmem:s29+$0xB0] =	vst v10;
	v10 =	vmul.f32 v11, v13  }
0x77: {  	[tilespmem:s29+$0x80] =	vst v8;
	v9 =	vmul.f32 v9, v13;
	v11 =	vld [tilespmem:s29+$0x130]  }
0x78: {  	v13 =	vmul.f32 v17, v13;
	v17 =	vld [tilespmem:s29+$0x160];
	[tilespmem:s29+$0xD0] =	vst v10;
	v10 =	vmul.f32 v16, v18  }
0x79: {  	[tilespmem:s29+$0xE0] =	vst v9;
	v16 =	vld [tilespmem:s29+$0x150]  }
0x7a: {  	v7 =	vld [tilespmem:s29+$0xFFFFFE50];
	[tilespmem:s29+$0x100] =	vst v10;
	v10 =	vmul.f32 v14, v18  }
0x7b: {  	v8 =	vld [tilespmem:s29+$0xFFFFFE60];
	[tilespmem:s29+$0xF0] =	vst v13;
	v13 =	vmul.f32 v15, v18  }
0x7c: {  	v15 =	vld [tilespmem:s29+$0x170];
	[tilespmem:s29+$0x110] =	vst v10;
	v10 =	vmul.f32 v11, v18  }
0x7d: {  	v9 =	vld [tilespmem:s29+$0xFFFFFE70];
	[tilespmem:s29+$0x120] =	vst v13;
	v11 =	vmul.f32 v12, v18  }
0x7e: {  	v12 =	vmul.f32 v17, v18;
	[tilespmem:s29+$0x130] =	vst v10;
	v10 =	vmul.f32 v16, v18;
	v16 =	vld [tilespmem:s29+$0x1A0]  }
0x7f: {  	v14 =	vld [tilespmem:s29+$0x1B0];
	[tilespmem:s29+$0x140] =	vst v11  }
0x80: {  	v17 =	vmul.f32 v19, v3;
	v11 =	vld [tilespmem:s29+$0x1C0];
	[tilespmem:s29+$0x160] =	vst v12  }
0x81: {  	v12 =	vld [tilespmem:s29+$0x1D0];
	[tilespmem:s29+$0x150] =	vst v10;
	v10 =	vmul.f32 v15, v18  }
0x82: {  	v13 =	vld [tilespmem:s29+$0x1E0];
	[tilespmem:s29+$0x180] =	vst v17;
	v15 =	vmul.f32 v63, v3  }
0x83: {  	s8 =	simm.s32 $0x6200;
	s7 =	simm.s32 $0x0;
	[tilespmem:s29+$0x170] =	vst v10;
	v10 =	vld [tilespmem:s12+$0xFFFFFE00];
	s12 =	simm.s32 $0x3600;
	v16 =	vmul.f32 v16, v3  }
.LBB2_4:
0x84: {  	v17 =	vld [tilespmem:s8+$0x180];
	[tilespmem:s29+$0x190] =	vst v15;
	v14 =	vmul.f32 v14, v3;
	s12 =	sadd.s32 $0x400, s12  }
0x85: {  	s7 =	sadd.s32 $0x8, s7;
	v15 =	vld [tilespmem:s12+$0x1F0];
	[tilespmem:s29+$0x1A0] =	vst v16;
	v11 =	vmul.f32 v11, v3  }
0x86: {  	p0 =	slt.u32 s7, $0x20;
	v16 =	vld [tilespmem:s12+$0xFFFFFE00];
	[tilespmem:s29+$0x1B0] =	vst v14;
	v12 =	vmul.f32 v12, v3  }
0x87: {  	v14 =	vld [tilespmem:s12+$0xFFFFFE10];
	[tilespmem:s29+$0x1C0] =	vst v11;
	v13 =	vmul.f32 v13, v3  }
0x88: {  	v11 =	vld [tilespmem:s12+$0xFFFFFE20];
	v19 =	vmul.f32 v4, v10;
	v5 =	vmul.f32 v5, v10;
	[tilespmem:s29+$0x1D0] =	vst v12  }
0x89: {  	v6 =	vmul.f32 v6, v10;
	v12 =	vmul.f32 v1, v10;
	v1 =	vld [tilespmem:s12+$0xFFFFFE30];
	[tilespmem:s29+$0x1E0] =	vst v13;
	v3 =	vmov v17  }
0x8a: {  	v13 =	vmul.f32 v15, v3;
	[tilespmem:s29+$0xFFFFFE00] =	vst v19;
	v15 =	vmul.f32 v2, v10;
	v2 =	vld [tilespmem:s12+$0xFFFFFE40]  }
0x8b: {  	v18 =	vmul.f32 v8, v10;
	v17 =	vmul.f32 v7, v10;
	[tilespmem:s29+$0xFFFFFE10] =	vst v5;
	v7 =	vld [tilespmem:s12+$0xFFFFFE50];
	v4 =	vmov v16  }
0x8c: {  	v10 =	vmul.f32 v9, v10;
	v8 =	vld [tilespmem:s12+$0xFFFFFE60];
	[tilespmem:s12+$0x1F0] =	vst v13;
	v5 =	vmov v14  }
0x8d: {  	v9 =	vld [tilespmem:s12+$0xFFFFFE70];
	[tilespmem:s29+$0xFFFFFE20] =	vst v6;
	v6 =	vmov v11  }
0x8e: {  	v11 =	vld [tilespmem:s8+$0xFFFFFE80];
	[tilespmem:s29+$0xFFFFFE30] =	vst v12  }
0x8f: {  	v12 =	vld [tilespmem:s12+$0xFFFFFE80];
	[tilespmem:s29+$0xFFFFFE40] =	vst v15  }
0x90: {  	v13 =	vld [tilespmem:s12+$0xFFFFFE90];
	[tilespmem:s29+$0xFFFFFE50] =	vst v17  }
0x91: {  	v14 =	vld [tilespmem:s12+$0xFFFFFEA0];
	[tilespmem:s29+$0xFFFFFE60] =	vst v18  }
0x92: {  	v15 =	vld [tilespmem:s12+$0xFFFFFEB0];
	[tilespmem:s29+$0xFFFFFE70] =	vst v10;
	s29 =	smov.u32 s12  }
0x93: {  	v10 =	vld [tilespmem:s12+$0xFFFFFEC0]  }
0x94: {  	v12 =	vmul.f32 v12, v11;
	v16 =	vld [tilespmem:s12+$0xFFFFFED0]  }
0x95: {  	v13 =	vmul.f32 v13, v11;
	v17 =	vld [tilespmem:s12+$0xFFFFFEE0]  }
0x96: {  	[tilespmem:s12+$0xFFFFFE80] =	vst v12;
	v12 =	vmul.f32 v14, v11;
	v14 =	vld [tilespmem:s12+$0xFFFFFEF0]  }
0x97: {  	[tilespmem:s12+$0xFFFFFE90] =	vst v13;
	v13 =	vmul.f32 v15, v11;
	v15 =	vld [tilespmem:s8+$0xFFFFFF00]  }
0x98: {  	[tilespmem:s12+$0xFFFFFEA0] =	vst v12;
	v10 =	vmul.f32 v10, v11;
	v12 =	vld [tilespmem:s12+$0xFFFFFF00]  }
0x99: {  	[tilespmem:s12+$0xFFFFFEB0] =	vst v13;
	v13 =	vmul.f32 v16, v11;
	v16 =	vld [tilespmem:s12+$0xFFFFFF10]  }
0x9a: {  	[tilespmem:s12+$0xFFFFFEC0] =	vst v10;
	v10 =	vmul.f32 v17, v11;
	v17 =	vld [tilespmem:s12+$0xFFFFFF20]  }
0x9b: {  	[tilespmem:s12+$0xFFFFFED0] =	vst v13;
	v11 =	vmul.f32 v14, v11;
	v13 =	vld [tilespmem:s12+$0xFFFFFF30]  }
0x9c: {  	[tilespmem:s12+$0xFFFFFEE0] =	vst v10;
	v10 =	vld [tilespmem:s12+$0xFFFFFF40]  }
0x9d: {  	[tilespmem:s12+$0xFFFFFEF0] =	vst v11;
	v11 =	vmul.f32 v12, v15;
	v12 =	vld [tilespmem:s12+$0xFFFFFF50]  }
0x9e: {  	v14 =	vmul.f32 v16, v15;
	v16 =	vld [tilespmem:s12+$0xFFFFFF60]  }
0x9f: {  	[tilespmem:s12+$0xFFFFFF00] =	vst v11;
	v11 =	vmul.f32 v17, v15;
	v17 =	vld [tilespmem:s12+$0xFFFFFF70]  }
0xa0: {  	[tilespmem:s12+$0xFFFFFF10] =	vst v14;
	v13 =	vmul.f32 v13, v15;
	v14 =	vld [tilespmem:s8+$0xFFFFFF80]  }
0xa1: {  	[tilespmem:s12+$0xFFFFFF20] =	vst v11;
	v10 =	vmul.f32 v10, v15;
	v11 =	vld [tilespmem:s12+$0xFFFFFF80]  }
0xa2: {  	[tilespmem:s12+$0xFFFFFF30] =	vst v13;
	v12 =	vmul.f32 v12, v15;
	v13 =	vld [tilespmem:s12+$0xFFFFFF90]  }
0xa3: {  	[tilespmem:s12+$0xFFFFFF40] =	vst v10;
	v10 =	vmul.f32 v16, v15;
	v16 =	vld [tilespmem:s12+$0xFFFFFFA0]  }
0xa4: {  	[tilespmem:s12+$0xFFFFFF50] =	vst v12;
	v12 =	vmul.f32 v17, v15;
	v15 =	vld [tilespmem:s12+$0xFFFFFFB0]  }
0xa5: {  	[tilespmem:s12+$0xFFFFFF60] =	vst v10;
	v10 =	vld [tilespmem:s12+$0xFFFFFFC0]  }
0xa6: {  	[tilespmem:s12+$0xFFFFFF70] =	vst v12;
	v11 =	vmul.f32 v11, v14;
	v12 =	vld [tilespmem:s12+$0xFFFFFFD0]  }
0xa7: {  	v13 =	vmul.f32 v13, v14;
	v17 =	vld [tilespmem:s12+$0xFFFFFFE0]  }
0xa8: {  	[tilespmem:s12+$0xFFFFFF80] =	vst v11;
	v11 =	vmul.f32 v16, v14;
	v16 =	vld [tilespmem:s12+$0xFFFFFFF0]  }
0xa9: {  	[tilespmem:s12+$0xFFFFFF90] =	vst v13;
	v13 =	vmul.f32 v15, v14;
	v15 =	vld [tilespmem:s8+$0x0]  }
0xaa: {  	[tilespmem:s12+$0xFFFFFFA0] =	vst v11;
	v10 =	vmul.f32 v10, v14;
	v11 =	vld [tilespmem:s12+$0x0]  }
0xab: {  	[tilespmem:s12+$0xFFFFFFB0] =	vst v13;
	v12 =	vmul.f32 v12, v14;
	v13 =	vld [tilespmem:s12+$0x10]  }
0xac: {  	[tilespmem:s12+$0xFFFFFFC0] =	vst v10;
	v10 =	vmul.f32 v17, v14;
	v17 =	vld [tilespmem:s12+$0x20]  }
0xad: {  	[tilespmem:s12+$0xFFFFFFD0] =	vst v12;
	v12 =	vmul.f32 v16, v14;
	v14 =	vld [tilespmem:s12+$0x30]  }
0xae: {  	[tilespmem:s12+$0xFFFFFFE0] =	vst v10;
	v10 =	vld [tilespmem:s12+$0x40]  }
0xaf: {  	[tilespmem:s12+$0xFFFFFFF0] =	vst v12;
	v11 =	vmul.f32 v11, v15;
	v12 =	vld [tilespmem:s12+$0x50]  }
0xb0: {  	v13 =	vmul.f32 v13, v15;
	v16 =	vld [tilespmem:s12+$0x60]  }
0xb1: {  	[tilespmem:s12+$0x0] =	vst v11;
	v11 =	vmul.f32 v17, v15;
	v17 =	vld [tilespmem:s12+$0x70]  }
0xb2: {  	[tilespmem:s12+$0x10] =	vst v13;
	v13 =	vmul.f32 v14, v15;
	v14 =	vld [tilespmem:s8+$0x80]  }
0xb3: {  	[tilespmem:s12+$0x20] =	vst v11;
	v10 =	vmul.f32 v10, v15;
	v11 =	vld [tilespmem:s12+$0x80]  }
0xb4: {  	[tilespmem:s12+$0x30] =	vst v13;
	v12 =	vmul.f32 v12, v15;
	v13 =	vld [tilespmem:s12+$0x90]  }
0xb5: {  	[tilespmem:s12+$0x40] =	vst v10;
	v10 =	vmul.f32 v16, v15;
	v16 =	vld [tilespmem:s12+$0xA0]  }
0xb6: {  	[tilespmem:s12+$0x50] =	vst v12;
	v12 =	vmul.f32 v17, v15;
	v15 =	vld [tilespmem:s12+$0xB0]  }
0xb7: {  	[tilespmem:s12+$0x60] =	vst v10;
	v10 =	vld [tilespmem:s12+$0xC0]  }
0xb8: {  	[tilespmem:s12+$0x70] =	vst v12;
	v11 =	vmul.f32 v11, v14;
	v12 =	vld [tilespmem:s12+$0xD0]  }
0xb9: {  	v13 =	vmul.f32 v13, v14;
	v17 =	vld [tilespmem:s12+$0xE0]  }
0xba: {  	[tilespmem:s12+$0x80] =	vst v11;
	v11 =	vmul.f32 v16, v14;
	v16 =	vld [tilespmem:s12+$0xF0]  }
0xbb: {  	[tilespmem:s12+$0x90] =	vst v13;
	v13 =	vmul.f32 v15, v14;
	v15 =	vld [tilespmem:s8+$0x100]  }
0xbc: {  	[tilespmem:s12+$0xA0] =	vst v11;
	v10 =	vmul.f32 v10, v14;
	v11 =	vld [tilespmem:s12+$0x100]  }
0xbd: {  	[tilespmem:s12+$0xB0] =	vst v13;
	v12 =	vmul.f32 v12, v14;
	v13 =	vld [tilespmem:s12+$0x110]  }
0xbe: {  	[tilespmem:s12+$0xC0] =	vst v10;
	v10 =	vmul.f32 v17, v14;
	v17 =	vld [tilespmem:s12+$0x120]  }
0xbf: {  	[tilespmem:s12+$0xD0] =	vst v12;
	v12 =	vmul.f32 v16, v14;
	v14 =	vld [tilespmem:s12+$0x130]  }
0xc0: {  	[tilespmem:s12+$0xE0] =	vst v10;
	v10 =	vld [tilespmem:s12+$0x140]  }
0xc1: {  	[tilespmem:s12+$0xF0] =	vst v12;
	v11 =	vmul.f32 v11, v15;
	v12 =	vld [tilespmem:s12+$0x150]  }
0xc2: {  	v13 =	vmul.f32 v13, v15;
	v16 =	vld [tilespmem:s12+$0x160]  }
0xc3: {  	[tilespmem:s12+$0x100] =	vst v11;
	v11 =	vmul.f32 v17, v15;
	v17 =	vld [tilespmem:s12+$0x170]  }
0xc4: {  	[tilespmem:s12+$0x110] =	vst v13;
	v13 =	vmul.f32 v14, v15;
	v18 =	vld [tilespmem:s12+$0x180]  }
0xc5: {  	[tilespmem:s12+$0x120] =	vst v11;
	v10 =	vmul.f32 v10, v15;
	v19 =	vld [tilespmem:s12+$0x190]  }
0xc6: {  	[tilespmem:s12+$0x130] =	vst v13;
	v11 =	vmul.f32 v12, v15;
	v20 =	vld [tilespmem:s12+$0x1A0]  }
.Ltmp0:
0xc7: {  	[tilespmem:s12+$0x140] =	vst v10;
	v10 =	vmul.f32 v16, v15;
	v14 =	vld [tilespmem:s12+$0x1B0];
	(pc) =	sbr.rel @p0 .LBB2_4-.Ltmp0, $4  }
0xc8: {  	[tilespmem:s12+$0x150] =	vst v11;
	v13 =	vmul.f32 v17, v15;
	v11 =	vld [tilespmem:s12+$0x1C0]  }
0xc9: {  	[tilespmem:s12+$0x160] =	vst v10;
	v16 =	vmul.f32 v18, v3;
	v12 =	vld [tilespmem:s12+$0x1D0]  }
0xca: {  	[tilespmem:s12+$0x170] =	vst v13;
	v15 =	vmul.f32 v19, v3;
	v13 =	vld [tilespmem:s12+$0x1E0]  }
0xcb: {  	v10 =	vld [tilespmem:s8+$0xFFFFFE00];
	[tilespmem:s12+$0x180] =	vst v16;
	v16 =	vmul.f32 v20, v3;
	s8 =	sadd.s32 $0x400, s8  }
0xcc: {  	[tilespmem:s29+$0x190] =	vst v15;
	v14 =	vmul.f32 v14, v3  }
0xcd: {  	[tilespmem:s29+$0x1A0] =	vst v16;
	v11 =	vmul.f32 v11, v3  }
0xce: {  	[tilespmem:s29+$0x1B0] =	vst v14;
	v12 =	vmul.f32 v12, v3  }
0xcf: {  	[tilespmem:s29+$0x1C0] =	vst v11;
	v3 =	vmul.f32 v13, v3  }
0xd0: {  	v4 =	vmul.f32 v4, v10;
	[tilespmem:s29+$0x1D0] =	vst v12  }
0xd1: {  	v5 =	vmul.f32 v5, v10;
	[tilespmem:s29+$0x1E0] =	vst v3  }
0xd2: {  	v1 =	vmul.f32 v1, v10;
	[tilespmem:s29+$0xFFFFFE00] =	vst v4  }
0xd3: {  	v2 =	vmul.f32 v2, v10;
	[tilespmem:s29+$0xFFFFFE10] =	vst v5  }
0xd4: {  	v3 =	vmul.f32 v6, v10;
	[tilespmem:s29+$0xFFFFFE30] =	vst v1  }
0xd5: {  	v1 =	vmul.f32 v8, v10;
	[tilespmem:s29+$0xFFFFFE40] =	vst v2  }
0xd6: {  	v2 =	vmul.f32 v9, v10;
	[tilespmem:s29+$0xFFFFFE20] =	vst v3  }
0xd7: {  	v3 =	vmul.f32 v7, v10;
	[tilespmem:s29+$0xFFFFFE60] =	vst v1  }
0xd8: {  	[tilespmem:s29+$0xFFFFFE70] =	vst v2  }
0xd9: {  	s7 =	sadd.s32 $0x1900, s28;
	[tilespmem:s29+$0xFFFFFE50] =	vst v3  }
0xda: {  	[spmem:s2] =	stream.indirect.scatter.add.f32 [tilespmem:s19], [sflag:$0x3], $0x80, s7, s18, $0xb8;
	[tilespmem:$0x1EC00] =	vst v63  }
0xdb: {  	v1 =	vld [tilespmem:s28+$0x1900];
	_ =	sdelay $0x7  }
0xdc: {  	[tilespmem:v1+s17+$0x0] =	vst.idx.add.f32.msk $0xffff, v0  }
0xdd: {  	v1 =	vld [tilespmem:s28+$0x1910];
	_ =	sdelay $0x7  }
0xde: {  	[tilespmem:v1+s17+$0x0] =	vst.idx.add.f32.msk $0xffff, v0  }
0xdf: {  	v1 =	vld [tilespmem:s28+$0x1918];
	_ =	sdelay $0x7  }
0xe0: {  	[tilespmem:v1+s17+$0x0] =	vst.idx.add.f32.msk vm0, v0  }
0xe1: {  	_ =	swait.ge [sflag:s24], $0x1400  }
0xe2: {  	[sflag:s24] =	ssyncset.done $0x0  }
0xe3: {  	s8 =	simm.s32 $0x7200;
	[sflag:s24] =	ssyncadd.s32 $0xFFFFEC00  }
0xe4: {  	s29 =	simm.s32 $0x4A00;
	v3 =	vld [tilespmem:s8+$0x180]  }
0xe5: {  	v7 =	vld [tilespmem:s29+$0x1F0]  }
0xe6: {  	v4 =	vld [tilespmem:s29+$0xFFFFFE00]  }
0xe7: {  	v5 =	vld [tilespmem:s29+$0xFFFFFE10]  }
0xe8: {  	v6 =	vld [tilespmem:s29+$0xFFFFFE20]  }
0xe9: {  	v1 =	vld [tilespmem:s29+$0xFFFFFE30]  }
0xea: {  	v8 =	vld [tilespmem:s8+$0xFFFFFE80]  }
0xeb: {  	v2 =	vld [tilespmem:s29+$0xFFFFFE80]  }
0xec: {  	v9 =	vld [tilespmem:s29+$0xFFFFFE90]  }
0xed: {  	v10 =	vld [tilespmem:s29+$0xFFFFFEA0]  }
0xee: {  	v11 =	vld [tilespmem:s29+$0xFFFFFEB0]  }
0xef: {  	v12 =	vld [tilespmem:s29+$0xFFFFFEC0]  }
0xf0: {  	v14 =	vld [tilespmem:s29+$0xFFFFFED0]  }
0xf1: {  	v15 =	vld [tilespmem:s29+$0xFFFFFEE0]  }
0xf2: {  	v16 =	vld [tilespmem:s8+$0xFFFFFF00]  }
0xf3: {  	v17 =	vld [tilespmem:s29+$0xFFFFFF00]  }
0xf4: {  	v18 =	vld [tilespmem:s29+$0xFFFFFF10]  }
0xf5: {  	v19 =	vld [tilespmem:s29+$0xFFFFFF20]  }
0xf6: {  	v20 =	vld [tilespmem:s29+$0xFFFFFF30]  }
0xf7: {  	v21 =	vld [tilespmem:s29+$0xFFFFFF40]  }
0xf8: {  	v22 =	vld [tilespmem:s29+$0xFFFFFF50];
	v13 =	vmul.f32 v2, v8  }
0xf9: {  	v60 =	vld [tilespmem:s8+$0x0];
	v7 =	vmul.f32 v7, v3  }
0xfa: {  	v61 =	vld [tilespmem:s29+$0x0];
	v9 =	vmul.f32 v9, v8;
	[tilespmem:s29+$0xFFFFFE80] =	vst v13  }
0xfb: {  	v13 =	vld [tilespmem:s29+$0xFFFFFEF0];
	[tilespmem:s29+$0x1F0] =	vst v7;
	v7 =	vmul.f32 v10, v8  }
0xfc: {  	v62 =	vld [tilespmem:s29+$0x60];
	[tilespmem:s29+$0xFFFFFE90] =	vst v9;
	v9 =	vmul.f32 v11, v8  }
0xfd: {  	v11 =	vld [tilespmem:s8+$0xFFFFFF80];
	[tilespmem:s29+$0xFFFFFEA0] =	vst v7;
	v7 =	vmul.f32 v12, v8  }
0xfe: {  	v12 =	vld [tilespmem:s29+$0xFFFFFF80];
	[tilespmem:s29+$0xFFFFFEB0] =	vst v9;
	v9 =	vmul.f32 v14, v8  }
0xff: {  	v63 =	vld [tilespmem:s29+$0x190];
	[tilespmem:s29+$0xFFFFFEC0] =	vst v7;
	v7 =	vmul.f32 v15, v8  }
0x100: {  	v2 =	vld [tilespmem:s29+$0xFFFFFE40];
	[tilespmem:s29+$0xFFFFFED0] =	vst v9;
	v8 =	vmul.f32 v13, v8  }
0x101: {  	v9 =	vld [tilespmem:s29+$0xFFFFFFB0];
	[tilespmem:s29+$0xFFFFFEE0] =	vst v7;
	v7 =	vmul.f32 v17, v16  }
0x102: {  	v10 =	vld [tilespmem:s29+$0xFFFFFF60];
	v17 =	vmul.f32 v18, v16;
	[tilespmem:s29+$0xFFFFFEF0] =	vst v8  }
0x103: {  	v14 =	vld [tilespmem:s29+$0xFFFFFF90];
	v8 =	vmul.f32 v12, v11;
	[tilespmem:s29+$0xFFFFFF00] =	vst v7  }
0x104: {  	v15 =	vld [tilespmem:s29+$0xFFFFFFA0];
	v7 =	vmul.f32 v19, v16;
	[tilespmem:s29+$0xFFFFFF10] =	vst v17  }
0x105: {  	v12 =	vld [tilespmem:s29+$0xFFFFFFD0];
	v17 =	vmul.f32 v20, v16;
	[tilespmem:s29+$0xFFFFFF80] =	vst v8  }
0x106: {  	v8 =	vld [tilespmem:s29+$0xFFFFFF70];
	v9 =	vmul.f32 v9, v11;
	[tilespmem:s29+$0xFFFFFF20] =	vst v7  }
0x107: {  	v13 =	vld [tilespmem:s29+$0xFFFFFFC0];
	v7 =	vmul.f32 v21, v16;
	[tilespmem:s29+$0xFFFFFF30] =	vst v17  }
0x108: {  	v19 =	vld [tilespmem:s29+$0xFFFFFFF0];
	v17 =	vmul.f32 v22, v16;
	[tilespmem:s29+$0xFFFFFFB0] =	vst v9  }
0x109: {  	v18 =	vld [tilespmem:s29+$0xFFFFFFE0];
	[tilespmem:s29+$0xFFFFFF40] =	vst v7;
	v7 =	vmul.f32 v10, v16  }
0x10a: {  	v10 =	vld [tilespmem:s29+$0x10];
	[tilespmem:s29+$0xFFFFFF50] =	vst v17;
	v9 =	vmul.f32 v12, v11  }
0x10b: {  	v17 =	vld [tilespmem:s29+$0x50];
	v8 =	vmul.f32 v8, v16;
	[tilespmem:s29+$0xFFFFFF60] =	vst v7  }
0x10c: {  	v12 =	vld [tilespmem:s29+$0x70];
	v7 =	vmul.f32 v14, v11;
	[tilespmem:s29+$0xFFFFFFD0] =	vst v9  }
0x10d: {  	v16 =	vld [tilespmem:s29+$0x20];
	v9 =	vmul.f32 v19, v11;
	[tilespmem:s29+$0xFFFFFF70] =	vst v8  }
0x10e: {  	v14 =	vld [tilespmem:s29+$0x30];
	v8 =	vmul.f32 v15, v11;
	[tilespmem:s29+$0xFFFFFF90] =	vst v7  }
0x10f: {  	v19 =	vld [tilespmem:s29+$0x180];
	v7 =	vmul.f32 v61, v60;
	[tilespmem:s29+$0xFFFFFFF0] =	vst v9  }
0x110: {  	v15 =	vld [tilespmem:s29+$0x40];
	v17 =	vmul.f32 v17, v60;
	[tilespmem:s29+$0xFFFFFFA0] =	vst v8  }
0x111: {  	[tilespmem:s29+$0x0] =	vst v7;
	v8 =	vmul.f32 v13, v11;
	v13 =	vld [tilespmem:s8+$0x80]  }
0x112: {  	v12 =	vmul.f32 v12, v60;
	v9 =	vmul.f32 v16, v60;
	v16 =	vld [tilespmem:s29+$0xA0];
	[tilespmem:s29+$0x50] =	vst v17  }
0x113: {  	v17 =	vld [tilespmem:s29+$0xF0];
	[tilespmem:s29+$0xFFFFFFC0] =	vst v8;
	v8 =	vmul.f32 v18, v11  }
0x114: {  	[tilespmem:s29+$0x70] =	vst v12;
	v11 =	vld [tilespmem:s29+$0x80]  }
0x115: {  	[tilespmem:s29+$0xFFFFFFE0] =	vst v8;
	v8 =	vmul.f32 v10, v60;
	v10 =	vld [tilespmem:s29+$0x90]  }
0x116: {  	v18 =	vmul.f32 v62, v60;
	[tilespmem:s29+$0x20] =	vst v9;
	v9 =	vmul.f32 v15, v60;
	v15 =	vld [tilespmem:s29+$0xC0]  }
0x117: {  	[tilespmem:s29+$0x10] =	vst v8;
	v8 =	vmul.f32 v14, v60;
	v14 =	vld [tilespmem:s29+$0xB0]  }
0x118: {  	[tilespmem:s29+$0x60] =	vst v18;
	v18 =	vld [tilespmem:s8+$0x100]  }
0x119: {  	v12 =	vmul.f32 v16, v13;
	[tilespmem:s29+$0x30] =	vst v8;
	v8 =	vmul.f32 v11, v13;
	v11 =	vld [tilespmem:s29+$0xD0]  }
0x11a: {  	[tilespmem:s29+$0x40] =	vst v9;
	v9 =	vld [tilespmem:s29+$0xE0];
	v10 =	vmul.f32 v10, v13  }
0x11b: {  	v16 =	vld [tilespmem:s29+$0x100];
	[tilespmem:s29+$0xA0] =	vst v12;
	v12 =	vmul.f32 v15, v13  }
0x11c: {  	v15 =	vld [tilespmem:s29+$0x120];
	[tilespmem:s29+$0x90] =	vst v10;
	v10 =	vmul.f32 v14, v13  }
0x11d: {  	[tilespmem:s29+$0xC0] =	vst v12;
	v14 =	vld [tilespmem:s29+$0x110]  }
0x11e: {  	v12 =	vld [tilespmem:s29+$0x140];
	[tilespmem:s29+$0xB0] =	vst v10;
	v10 =	vmul.f32 v11, v13  }
0x11f: {  	[tilespmem:s29+$0x80] =	vst v8;
	v9 =	vmul.f32 v9, v13;
	v11 =	vld [tilespmem:s29+$0x130]  }
0x120: {  	v13 =	vmul.f32 v17, v13;
	v17 =	vld [tilespmem:s29+$0x160];
	[tilespmem:s29+$0xD0] =	vst v10;
	v10 =	vmul.f32 v16, v18  }
0x121: {  	[tilespmem:s29+$0xE0] =	vst v9;
	v16 =	vld [tilespmem:s29+$0x150]  }
0x122: {  	v7 =	vld [tilespmem:s29+$0xFFFFFE50];
	[tilespmem:s29+$0x100] =	vst v10;
	v10 =	vmul.f32 v14, v18  }
0x123: {  	v8 =	vld [tilespmem:s29+$0xFFFFFE60];
	[tilespmem:s29+$0xF0] =	vst v13;
	v13 =	vmul.f32 v15, v18  }
0x124: {  	v15 =	vld [tilespmem:s29+$0x170];
	[tilespmem:s29+$0x110] =	vst v10;
	v10 =	vmul.f32 v11, v18  }
0x125: {  	v9 =	vld [tilespmem:s29+$0xFFFFFE70];
	[tilespmem:s29+$0x120] =	vst v13;
	v11 =	vmul.f32 v12, v18  }
0x126: {  	v12 =	vmul.f32 v17, v18;
	[tilespmem:s29+$0x130] =	vst v10;
	v10 =	vmul.f32 v16, v18;
	v16 =	vld [tilespmem:s29+$0x1A0]  }
0x127: {  	v14 =	vld [tilespmem:s29+$0x1B0];
	[tilespmem:s29+$0x140] =	vst v11  }
0x128: {  	v17 =	vmul.f32 v19, v3;
	v11 =	vld [tilespmem:s29+$0x1C0];
	[tilespmem:s29+$0x160] =	vst v12  }
0x129: {  	v12 =	vld [tilespmem:s29+$0x1D0];
	[tilespmem:s29+$0x150] =	vst v10;
	v10 =	vmul.f32 v15, v18  }
0x12a: {  	v13 =	vld [tilespmem:s29+$0x1E0];
	[tilespmem:s29+$0x180] =	vst v17;
	v15 =	vmul.f32 v63, v3  }
0x12b: {  	s12 =	simm.s32 $0x4A00;
	s7 =	simm.s32 $0x0;
	[tilespmem:s29+$0x170] =	vst v10;
	v10 =	vld [tilespmem:s8+$0xFFFFFE00];
	s8 =	simm.s32 $0x7600;
	v16 =	vmul.f32 v16, v3  }
.LBB2_6:
0x12c: {  	v17 =	vld [tilespmem:s8+$0x180];
	[tilespmem:s29+$0x190] =	vst v15;
	v14 =	vmul.f32 v14, v3;
	s12 =	sadd.s32 $0x400, s12  }
0x12d: {  	s7 =	sadd.s32 $0x8, s7;
	v15 =	vld [tilespmem:s12+$0x1F0];
	[tilespmem:s29+$0x1A0] =	vst v16;
	v11 =	vmul.f32 v11, v3  }
0x12e: {  	p0 =	slt.u32 s7, $0x20;
	v16 =	vld [tilespmem:s12+$0xFFFFFE00];
	[tilespmem:s29+$0x1B0] =	vst v14;
	v12 =	vmul.f32 v12, v3  }
0x12f: {  	v14 =	vld [tilespmem:s12+$0xFFFFFE10];
	[tilespmem:s29+$0x1C0] =	vst v11;
	v13 =	vmul.f32 v13, v3  }
0x130: {  	v11 =	vld [tilespmem:s12+$0xFFFFFE20];
	v19 =	vmul.f32 v4, v10;
	v5 =	vmul.f32 v5, v10;
	[tilespmem:s29+$0x1D0] =	vst v12  }
0x131: {  	v6 =	vmul.f32 v6, v10;
	v12 =	vmul.f32 v1, v10;
	v1 =	vld [tilespmem:s12+$0xFFFFFE30];
	[tilespmem:s29+$0x1E0] =	vst v13;
	v3 =	vmov v17  }
0x132: {  	v13 =	vmul.f32 v15, v3;
	[tilespmem:s29+$0xFFFFFE00] =	vst v19;
	v15 =	vmul.f32 v2, v10;
	v2 =	vld [tilespmem:s12+$0xFFFFFE40]  }
0x133: {  	v18 =	vmul.f32 v8, v10;
	v17 =	vmul.f32 v7, v10;
	[tilespmem:s29+$0xFFFFFE10] =	vst v5;
	v7 =	vld [tilespmem:s12+$0xFFFFFE50];
	v4 =	vmov v16  }
0x134: {  	v10 =	vmul.f32 v9, v10;
	v8 =	vld [tilespmem:s12+$0xFFFFFE60];
	[tilespmem:s12+$0x1F0] =	vst v13;
	v5 =	vmov v14  }
0x135: {  	v9 =	vld [tilespmem:s12+$0xFFFFFE70];
	[tilespmem:s29+$0xFFFFFE20] =	vst v6;
	v6 =	vmov v11  }
0x136: {  	v11 =	vld [tilespmem:s8+$0xFFFFFE80];
	[tilespmem:s29+$0xFFFFFE30] =	vst v12  }
0x137: {  	v12 =	vld [tilespmem:s12+$0xFFFFFE80];
	[tilespmem:s29+$0xFFFFFE40] =	vst v15  }
0x138: {  	v13 =	vld [tilespmem:s12+$0xFFFFFE90];
	[tilespmem:s29+$0xFFFFFE50] =	vst v17  }
0x139: {  	v14 =	vld [tilespmem:s12+$0xFFFFFEA0];
	[tilespmem:s29+$0xFFFFFE60] =	vst v18  }
0x13a: {  	v15 =	vld [tilespmem:s12+$0xFFFFFEB0];
	[tilespmem:s29+$0xFFFFFE70] =	vst v10;
	s29 =	smov.u32 s12  }
0x13b: {  	v10 =	vld [tilespmem:s12+$0xFFFFFEC0]  }
0x13c: {  	v12 =	vmul.f32 v12, v11;
	v16 =	vld [tilespmem:s12+$0xFFFFFED0]  }
0x13d: {  	v13 =	vmul.f32 v13, v11;
	v17 =	vld [tilespmem:s12+$0xFFFFFEE0]  }
0x13e: {  	[tilespmem:s12+$0xFFFFFE80] =	vst v12;
	v12 =	vmul.f32 v14, v11;
	v14 =	vld [tilespmem:s12+$0xFFFFFEF0]  }
0x13f: {  	[tilespmem:s12+$0xFFFFFE90] =	vst v13;
	v13 =	vmul.f32 v15, v11;
	v15 =	vld [tilespmem:s8+$0xFFFFFF00]  }
0x140: {  	[tilespmem:s12+$0xFFFFFEA0] =	vst v12;
	v10 =	vmul.f32 v10, v11;
	v12 =	vld [tilespmem:s12+$0xFFFFFF00]  }
0x141: {  	[tilespmem:s12+$0xFFFFFEB0] =	vst v13;
	v13 =	vmul.f32 v16, v11;
	v16 =	vld [tilespmem:s12+$0xFFFFFF10]  }
0x142: {  	[tilespmem:s12+$0xFFFFFEC0] =	vst v10;
	v10 =	vmul.f32 v17, v11;
	v17 =	vld [tilespmem:s12+$0xFFFFFF20]  }
0x143: {  	[tilespmem:s12+$0xFFFFFED0] =	vst v13;
	v11 =	vmul.f32 v14, v11;
	v13 =	vld [tilespmem:s12+$0xFFFFFF30]  }
0x144: {  	[tilespmem:s12+$0xFFFFFEE0] =	vst v10;
	v10 =	vld [tilespmem:s12+$0xFFFFFF40]  }
0x145: {  	[tilespmem:s12+$0xFFFFFEF0] =	vst v11;
	v11 =	vmul.f32 v12, v15;
	v12 =	vld [tilespmem:s12+$0xFFFFFF50]  }
0x146: {  	v14 =	vmul.f32 v16, v15;
	v16 =	vld [tilespmem:s12+$0xFFFFFF60]  }
0x147: {  	[tilespmem:s12+$0xFFFFFF00] =	vst v11;
	v11 =	vmul.f32 v17, v15;
	v17 =	vld [tilespmem:s12+$0xFFFFFF70]  }
0x148: {  	[tilespmem:s12+$0xFFFFFF10] =	vst v14;
	v13 =	vmul.f32 v13, v15;
	v14 =	vld [tilespmem:s8+$0xFFFFFF80]  }
0x149: {  	[tilespmem:s12+$0xFFFFFF20] =	vst v11;
	v10 =	vmul.f32 v10, v15;
	v11 =	vld [tilespmem:s12+$0xFFFFFF80]  }
0x14a: {  	[tilespmem:s12+$0xFFFFFF30] =	vst v13;
	v12 =	vmul.f32 v12, v15;
	v13 =	vld [tilespmem:s12+$0xFFFFFF90]  }
0x14b: {  	[tilespmem:s12+$0xFFFFFF40] =	vst v10;
	v10 =	vmul.f32 v16, v15;
	v16 =	vld [tilespmem:s12+$0xFFFFFFA0]  }
0x14c: {  	[tilespmem:s12+$0xFFFFFF50] =	vst v12;
	v12 =	vmul.f32 v17, v15;
	v15 =	vld [tilespmem:s12+$0xFFFFFFB0]  }
0x14d: {  	[tilespmem:s12+$0xFFFFFF60] =	vst v10;
	v10 =	vld [tilespmem:s12+$0xFFFFFFC0]  }
0x14e: {  	[tilespmem:s12+$0xFFFFFF70] =	vst v12;
	v11 =	vmul.f32 v11, v14;
	v12 =	vld [tilespmem:s12+$0xFFFFFFD0]  }
0x14f: {  	v13 =	vmul.f32 v13, v14;
	v17 =	vld [tilespmem:s12+$0xFFFFFFE0]  }
0x150: {  	[tilespmem:s12+$0xFFFFFF80] =	vst v11;
	v11 =	vmul.f32 v16, v14;
	v16 =	vld [tilespmem:s12+$0xFFFFFFF0]  }
0x151: {  	[tilespmem:s12+$0xFFFFFF90] =	vst v13;
	v13 =	vmul.f32 v15, v14;
	v15 =	vld [tilespmem:s8+$0x0]  }
0x152: {  	[tilespmem:s12+$0xFFFFFFA0] =	vst v11;
	v10 =	vmul.f32 v10, v14;
	v11 =	vld [tilespmem:s12+$0x0]  }
0x153: {  	[tilespmem:s12+$0xFFFFFFB0] =	vst v13;
	v12 =	vmul.f32 v12, v14;
	v13 =	vld [tilespmem:s12+$0x10]  }
0x154: {  	[tilespmem:s12+$0xFFFFFFC0] =	vst v10;
	v10 =	vmul.f32 v17, v14;
	v17 =	vld [tilespmem:s12+$0x20]  }
0x155: {  	[tilespmem:s12+$0xFFFFFFD0] =	vst v12;
	v12 =	vmul.f32 v16, v14;
	v14 =	vld [tilespmem:s12+$0x30]  }
0x156: {  	[tilespmem:s12+$0xFFFFFFE0] =	vst v10;
	v10 =	vld [tilespmem:s12+$0x40]  }
0x157: {  	[tilespmem:s12+$0xFFFFFFF0] =	vst v12;
	v11 =	vmul.f32 v11, v15;
	v12 =	vld [tilespmem:s12+$0x50]  }
0x158: {  	v13 =	vmul.f32 v13, v15;
	v16 =	vld [tilespmem:s12+$0x60]  }
0x159: {  	[tilespmem:s12+$0x0] =	vst v11;
	v11 =	vmul.f32 v17, v15;
	v17 =	vld [tilespmem:s12+$0x70]  }
0x15a: {  	[tilespmem:s12+$0x10] =	vst v13;
	v13 =	vmul.f32 v14, v15;
	v14 =	vld [tilespmem:s8+$0x80]  }
0x15b: {  	[tilespmem:s12+$0x20] =	vst v11;
	v10 =	vmul.f32 v10, v15;
	v11 =	vld [tilespmem:s12+$0x80]  }
0x15c: {  	[tilespmem:s12+$0x30] =	vst v13;
	v12 =	vmul.f32 v12, v15;
	v13 =	vld [tilespmem:s12+$0x90]  }
0x15d: {  	[tilespmem:s12+$0x40] =	vst v10;
	v10 =	vmul.f32 v16, v15;
	v16 =	vld [tilespmem:s12+$0xA0]  }
0x15e: {  	[tilespmem:s12+$0x50] =	vst v12;
	v12 =	vmul.f32 v17, v15;
	v15 =	vld [tilespmem:s12+$0xB0]  }
0x15f: {  	[tilespmem:s12+$0x60] =	vst v10;
	v10 =	vld [tilespmem:s12+$0xC0]  }
0x160: {  	[tilespmem:s12+$0x70] =	vst v12;
	v11 =	vmul.f32 v11, v14;
	v12 =	vld [tilespmem:s12+$0xD0]  }
0x161: {  	v13 =	vmul.f32 v13, v14;
	v17 =	vld [tilespmem:s12+$0xE0]  }
0x162: {  	[tilespmem:s12+$0x80] =	vst v11;
	v11 =	vmul.f32 v16, v14;
	v16 =	vld [tilespmem:s12+$0xF0]  }
0x163: {  	[tilespmem:s12+$0x90] =	vst v13;
	v13 =	vmul.f32 v15, v14;
	v15 =	vld [tilespmem:s8+$0x100]  }
0x164: {  	[tilespmem:s12+$0xA0] =	vst v11;
	v10 =	vmul.f32 v10, v14;
	v11 =	vld [tilespmem:s12+$0x100]  }
0x165: {  	[tilespmem:s12+$0xB0] =	vst v13;
	v12 =	vmul.f32 v12, v14;
	v13 =	vld [tilespmem:s12+$0x110]  }
0x166: {  	[tilespmem:s12+$0xC0] =	vst v10;
	v10 =	vmul.f32 v17, v14;
	v17 =	vld [tilespmem:s12+$0x120]  }
0x167: {  	[tilespmem:s12+$0xD0] =	vst v12;
	v12 =	vmul.f32 v16, v14;
	v14 =	vld [tilespmem:s12+$0x130]  }
0x168: {  	[tilespmem:s12+$0xE0] =	vst v10;
	v10 =	vld [tilespmem:s12+$0x140]  }
0x169: {  	[tilespmem:s12+$0xF0] =	vst v12;
	v11 =	vmul.f32 v11, v15;
	v12 =	vld [tilespmem:s12+$0x150]  }
0x16a: {  	v13 =	vmul.f32 v13, v15;
	v16 =	vld [tilespmem:s12+$0x160]  }
0x16b: {  	[tilespmem:s12+$0x100] =	vst v11;
	v11 =	vmul.f32 v17, v15;
	v17 =	vld [tilespmem:s12+$0x170]  }
0x16c: {  	[tilespmem:s12+$0x110] =	vst v13;
	v13 =	vmul.f32 v14, v15;
	v18 =	vld [tilespmem:s12+$0x180]  }
0x16d: {  	[tilespmem:s12+$0x120] =	vst v11;
	v10 =	vmul.f32 v10, v15;
	v19 =	vld [tilespmem:s12+$0x190]  }
0x16e: {  	[tilespmem:s12+$0x130] =	vst v13;
	v11 =	vmul.f32 v12, v15;
	v20 =	vld [tilespmem:s12+$0x1A0]  }
.Ltmp1:
0x16f: {  	[tilespmem:s12+$0x140] =	vst v10;
	v10 =	vmul.f32 v16, v15;
	v14 =	vld [tilespmem:s12+$0x1B0];
	(pc) =	sbr.rel @p0 .LBB2_6-.Ltmp1, $4  }
0x170: {  	[tilespmem:s12+$0x150] =	vst v11;
	v13 =	vmul.f32 v17, v15;
	v11 =	vld [tilespmem:s12+$0x1C0]  }
0x171: {  	[tilespmem:s12+$0x160] =	vst v10;
	v16 =	vmul.f32 v18, v3;
	v12 =	vld [tilespmem:s12+$0x1D0]  }
0x172: {  	[tilespmem:s12+$0x170] =	vst v13;
	v15 =	vmul.f32 v19, v3;
	v13 =	vld [tilespmem:s12+$0x1E0]  }
0x173: {  	v10 =	vld [tilespmem:s8+$0xFFFFFE00];
	[tilespmem:s12+$0x180] =	vst v16;
	v16 =	vmul.f32 v20, v3;
	s8 =	sadd.s32 $0x400, s8  }
0x174: {  	[tilespmem:s29+$0x190] =	vst v15;
	v14 =	vmul.f32 v14, v3  }
0x175: {  	[tilespmem:s29+$0x1A0] =	vst v16;
	v11 =	vmul.f32 v11, v3  }
0x176: {  	[tilespmem:s29+$0x1B0] =	vst v14;
	v12 =	vmul.f32 v12, v3  }
0x177: {  	[tilespmem:s29+$0x1C0] =	vst v11;
	v3 =	vmul.f32 v13, v3  }
0x178: {  	v4 =	vmul.f32 v4, v10;
	[tilespmem:s29+$0x1D0] =	vst v12  }
0x179: {  	v5 =	vmul.f32 v5, v10;
	[tilespmem:s29+$0x1E0] =	vst v3  }
0x17a: {  	v1 =	vmul.f32 v1, v10;
	[tilespmem:s29+$0xFFFFFE00] =	vst v4  }
0x17b: {  	v2 =	vmul.f32 v2, v10;
	[tilespmem:s29+$0xFFFFFE10] =	vst v5  }
0x17c: {  	v3 =	vmul.f32 v6, v10;
	[tilespmem:s29+$0xFFFFFE30] =	vst v1  }
0x17d: {  	v1 =	vmul.f32 v8, v10;
	[tilespmem:s29+$0xFFFFFE40] =	vst v2  }
0x17e: {  	v2 =	vmul.f32 v9, v10;
	[tilespmem:s29+$0xFFFFFE20] =	vst v3  }
0x17f: {  	v3 =	vmul.f32 v7, v10;
	[tilespmem:s29+$0xFFFFFE60] =	vst v1  }
0x180: {  	[tilespmem:s29+$0xFFFFFE70] =	vst v2  }
0x181: {  	s7 =	sadd.s32 $0x1980, s28;
	[tilespmem:s29+$0xFFFFFE50] =	vst v3  }
0x182: {  	[spmem:s2] =	stream.indirect.scatter.add.f32 [tilespmem:s20], [sflag:$0x4], $0x80, s7, s18, $0xb8;
	[tilespmem:$0x1EC00] =	vst v63  }
0x183: {  	v1 =	vld [tilespmem:s28+$0x1980];
	_ =	sdelay $0x7  }
0x184: {  	[tilespmem:v1+s17+$0x0] =	vst.idx.add.f32.msk $0xffff, v0  }
0x185: {  	v1 =	vld [tilespmem:s28+$0x1990];
	_ =	sdelay $0x7  }
0x186: {  	[tilespmem:v1+s17+$0x0] =	vst.idx.add.f32.msk $0xffff, v0  }
0x187: {  	v1 =	vld [tilespmem:s28+$0x1998];
	_ =	sdelay $0x7  }
0x188: {  	s0 =	sadd.s32 $0x1, s0;
	[tilespmem:v1+s17+$0x0] =	vst.idx.add.f32.msk vm0, v0  }
0x189: {  	p0 =	sne.s32 s0, $0x19;
	_ =	swait.ge [sflag:s25], $0x1400  }
.Ltmp2:
0x18a: {  	[sflag:s25] =	ssyncset.done $0x0;
	(pc) =	sbr.rel @p0 .LBB2_3-.Ltmp2, $4  }
0x18b: {  	[sflag:s25] =	ssyncadd.s32 $0xFFFFEC00  }
0x18c: {  	_ =	swait.ge [sflag:s26], $0x1400  }
0x18d: {  	[sflag:s26] =	ssyncset.done $0x0  }
0x18e: {  	[sflag:s26] =	ssyncadd.s32 $0xFFFFEC00  }
0x18f: {  	s31 =	sadd.s32 $0x1, s31  }
0x190: {  	p0 =	sne.s32 s31, $0x5  }
.Ltmp3:
0x191: {  	_ = 	snop;
	(pc) =	sbr.rel @p0 .LBB2_2-.Ltmp3, $1  }
0x192: {  	_ =	sdelay $0x3  }
0x193: {  	[bflag:$0x0] =	sbarrier.arrive $0xFFFF  }
0x194: {  	s0 =	rddreg [dreg:$0x8]  }
0x195: {  	[hbm:s0], [sflag:s9] =	dma.local [spmem:s15], $0x2800  }
0x196: {  	s30 =	sadd.s32 $0x1, s30;
	_ =	swait.ge [sflag:s16], $0x2800  }
0x197: {  	s31 =	simm.s32 $0x80;
	p0 =	sne.s32 s30, s14;
	[sflag:s16] =	ssyncset.done $0x0  }
.Ltmp4:
0x198: {  	s5 =	simm.s32 $0x400;
	[sflag:s16] =	ssyncadd.s32 $0xFFFFD800;
	(pc) =	sbr.rel @p0 .LBB2_1-.Ltmp4, $4  }
0x199: {  	[hbm4b:s13+s31] =	stream.strided.scatter [tilespmem:s17], [sflag:$0x5], $0x2800, s5, s31, $0x38;
	[tilespmem:$0x1EC00] =	vst v63  }
0x19a: {  	_ =	swait.ge [sflag:s16], $0x2800  }
0x19b: {  	[sflag:s16] =	ssyncset.done $0x0  }
0x19c: {  	[sflag:s16] =	ssyncadd.s32 $0xFFFFD800  }
0x19d: {  	_ =	sfence.sel $0x180000  }
0x19e: {  	[bflag:$0x0] =	sbarrier.arrive $0xFFFF  }
0x19f: {  	_ =	strace $0x90000047  }
0x1a0: {  	s0 =	stileid.u32;
	[bflag:$0x2] =	sbarrier.arrive $0xFFFF  }
0x1a1: {  	p0 =	sne.s32 s0, $0x0;
	s0 =	rddreg [dreg:$0x5]  }
0x1a2: {  	s0 =	sadd.s32 @!p0 $0x100000, s0  }
0x1a3: {  	[sflag:s0] =	ssyncadd.tile.s32 @!p0 $0x1;
	_ =	shalt  }
.Lfunc_end2:
_tile_overlayer_lowered:
.L_overlay_start_2:
0x1a4: {  	(tag) =	ssettag $0x2  }
0x1a5: {  	s0 =	rddreg [dreg:$0x0];
	s2 =	stileid.u32  }
0x1a6: {  	s1 =	rddreg [dreg:$0x1];
	p0 =	sne.s32 s2, $0x0  }
0x1a7: {  	s3 =	rddreg [dreg:$0x2];
	[bflag:$0x3] =	sbarrier.arrive $0xFFFF;
	s2 =	simm.s32 @!p0 $0x1C05  }
0x1a8: {  	[timem:s3], [sflag:s2] =	dma.local @!p0 [hbm:s0], s1  }
0x1a9: {  	s0 =	simm.s32 @!p0 $0x5  }
0x1aa: {  	_ =	swait.ge @!p0 [sflag:s0], s1  }
0x1ab: {  	s1 =	ssub.s32 @!p0 $0x0, s1;
	[sflag:s0] =	ssyncset.done @!p0 $0x0  }
0x1ac: {  	[sflag:s0] =	ssyncadd.s32 @!p0 s1  }
0x1ad: {  	[bflag:$0x3] =	sbarrier.arrive $0xFFFF  }
0x1ae: {  	_ =	shalt  }

</sc_bundles>
